<compile_context>
chip_gen: v7x
topology: tpu7x:2x2x1
jax: 0.10.2.dev20260603
libtpu: 0.0.44.dev20260713+nightly
codegen_flags: <defaults>
</compile_context>

<pallas_src>
import functools

import jax
import jax.numpy as jnp
from jax import lax
from jax.experimental import pallas as pl
from jax.experimental.pallas import tpu as pltpu
from jax.experimental.pallas import tpu_sc as plsc

D_MODEL = 2048
N_TOK = 8192
TOK_BLOCK = 512
N_BLOCKS = N_TOK // TOK_BLOCK + 1
T_PAD = N_BLOCKS * TOK_BLOCK
IDX_R, IDX_C = 64, 128
NC, NS = 2, 16
NW = NC * NS
TOK_PER_TILE = N_TOK // NW
SC_CHUNK = 16
N_STEPS = TOK_PER_TILE // SC_CHUNK

_vector_mesh = plsc.VectorSubcoreMesh(core_axis_name="c", subcore_axis_name="s")


def _pos_body(idx_ref, pos_ref, meta_ref):
    idx = idx_ref[...]
    m1 = idx.astype(jnp.float32)
    ii = lax.broadcasted_iota(jnp.int32, (IDX_C, IDX_C), 0)
    jj = lax.broadcasted_iota(jnp.int32, (IDX_C, IDX_C), 1)
    upper = (ii <= jj).astype(jnp.float32)
    row_cum = jnp.dot(m1, upper, preferred_element_type=jnp.float32)
    row_tot = row_cum[:, IDX_C - 1:IDX_C]
    i2 = lax.broadcasted_iota(jnp.int32, (IDX_R, IDX_R), 0)
    j2 = lax.broadcasted_iota(jnp.int32, (IDX_R, IDX_R), 1)
    strict_lower = (j2 < i2).astype(jnp.float32)
    row_off = jnp.dot(strict_lower, row_tot, preferred_element_type=jnp.float32)
    cum1 = row_cum + row_off
    c1 = jnp.sum(m1)
    c0 = float(N_TOK) - c1
    c0_pad = jnp.ceil(c0 / float(TOK_BLOCK)) * float(TOK_BLOCK)
    r = lax.broadcasted_iota(jnp.int32, (IDX_R, IDX_C), 0)
    c = lax.broadcasted_iota(jnp.int32, (IDX_R, IDX_C), 1)
    tpos = (r * IDX_C + c).astype(jnp.float32)
    cum0 = (tpos + 1.0) - cum1
    posf = jnp.where(idx == 0, cum0 - 1.0, c0_pad + cum1 - 1.0)
    pos_ref[...] = posf.astype(jnp.int32)
    bc = lax.broadcasted_iota(jnp.int32, (8, 128), 1).astype(jnp.float32)
    meta_ref[...] = (bc * float(TOK_BLOCK) >= c0_pad).astype(jnp.int32)


def _mm_body(e_ref, x_ref, w0_ref, w1_ref, b0_ref, b1_ref, o_ref):
    e = e_ref[pl.program_id(0)]
    x = x_ref[...].astype(jnp.bfloat16)

    @pl.when(e == 0)
    def _():
        y = jnp.dot(x, w0_ref[...], preferred_element_type=jnp.float32)
        o_ref[...] = y + b0_ref[...]

    @pl.when(e != 0)
    def _():
        y = jnp.dot(x, w1_ref[...], preferred_element_type=jnp.float32)
        o_ref[...] = y + b1_ref[...]


_SC_SCRATCH = [
    pltpu.VMEM((TOK_PER_TILE,), jnp.int32),
    pltpu.VMEM((SC_CHUNK, D_MODEL), jnp.float32),
    pltpu.VMEM((SC_CHUNK, D_MODEL), jnp.float32),
    pltpu.VMEM((SC_CHUNK, D_MODEL), jnp.float32),
    pltpu.SemaphoreType.DMA,
    pltpu.SemaphoreType.DMA,
    pltpu.SemaphoreType.DMA,
    pltpu.SemaphoreType.DMA,
    pltpu.SemaphoreType.DMA,
    pltpu.SemaphoreType.DMA,
]
NBUF = 3


@functools.partial(
    pl.kernel,
    out_type=jax.ShapeDtypeStruct((T_PAD, D_MODEL), jnp.float32),
    mesh=_vector_mesh,
    scratch_types=_SC_SCRATCH)
def _dispatch(x_hbm, i_hbm, o_hbm, idx_v, buf0, buf1, buf2,
              l0, l1, l2, t0, t1, t2):
    wid = lax.axis_index("s") * NC + lax.axis_index("c")
    base = wid * TOK_PER_TILE
    pltpu.sync_copy(i_hbm.at[pl.ds(base, TOK_PER_TILE)], idx_v)
    bufs, lsem, ssem = (buf0, buf1, buf2), (l0, l1, l2), (t0, t1, t2)
    pend_ld = [None] * NBUF
    pend_st = [None] * NBUF
    pend_ld[0] = pltpu.async_copy(
        x_hbm.at[pl.ds(base, SC_CHUNK)], bufs[0], lsem[0])
    pend_ld[1] = pltpu.async_copy(
        x_hbm.at[pl.ds(base + SC_CHUNK, SC_CHUNK)], bufs[1], lsem[1])
    for s in range(N_STEPS):
        b, nb = s % NBUF, (s + 2) % NBUF
        if s + 2 < N_STEPS:
            if pend_st[nb] is not None:
                pend_st[nb].wait()
            pend_ld[nb] = pltpu.async_copy(
                x_hbm.at[pl.ds(base + (s + 2) * SC_CHUNK, SC_CHUNK)],
                bufs[nb], lsem[nb])
        pend_ld[b].wait()
        pend_st[b] = pltpu.async_copy(
            bufs[b], o_hbm.at[idx_v.at[pl.ds(s * SC_CHUNK, SC_CHUNK)]],
            ssem[b])
    for p in pend_st:
        if p is not None:
            p.wait()


@functools.partial(
    pl.kernel,
    out_type=jax.ShapeDtypeStruct((N_TOK, D_MODEL), jnp.float32),
    mesh=_vector_mesh,
    scratch_types=_SC_SCRATCH)
def _unpermute(y_hbm, i_hbm, o_hbm, idx_v, buf0, buf1, buf2,
               l0, l1, l2, t0, t1, t2):
    wid = lax.axis_index("s") * NC + lax.axis_index("c")
    base = wid * TOK_PER_TILE
    pltpu.sync_copy(i_hbm.at[pl.ds(base, TOK_PER_TILE)], idx_v)
    bufs, lsem, ssem = (buf0, buf1, buf2), (l0, l1, l2), (t0, t1, t2)
    pend_ld = [None] * NBUF
    pend_st = [None] * NBUF
    pend_ld[0] = pltpu.async_copy(
        y_hbm.at[idx_v.at[pl.ds(0, SC_CHUNK)]], bufs[0], lsem[0])
    pend_ld[1] = pltpu.async_copy(
        y_hbm.at[idx_v.at[pl.ds(SC_CHUNK, SC_CHUNK)]], bufs[1], lsem[1])
    for s in range(N_STEPS):
        b, nb = s % NBUF, (s + 2) % NBUF
        if s + 2 < N_STEPS:
            if pend_st[nb] is not None:
                pend_st[nb].wait()
            pend_ld[nb] = pltpu.async_copy(
                y_hbm.at[idx_v.at[pl.ds((s + 2) * SC_CHUNK, SC_CHUNK)]],
                bufs[nb], lsem[nb])
        pend_ld[b].wait()
        pend_st[b] = pltpu.async_copy(
            bufs[b], o_hbm.at[pl.ds(base + s * SC_CHUNK, SC_CHUNK)], ssem[b])
    for p in pend_st:
        if p is not None:
            p.wait()


@jax.jit
def _run(x2d, idx2d, W0, b0, W1, b1):
    pos2d, meta = pl.pallas_call(
        _pos_body,
        out_shape=(
            jax.ShapeDtypeStruct((IDX_R, IDX_C), jnp.int32),
            jax.ShapeDtypeStruct((8, 128), jnp.int32),
        ),
    )(idx2d)
    pos_flat = pos2d.reshape(N_TOK)
    experts = meta[0, :N_BLOCKS]

    w0b = W0.T.astype(jnp.bfloat16)
    w1b = W1.T.astype(jnp.bfloat16)

    x_sorted = _dispatch(x2d, pos_flat)

    y_sorted = pl.pallas_call(
        _mm_body,
        grid_spec=pltpu.PrefetchScalarGridSpec(
            num_scalar_prefetch=1,
            grid=(N_BLOCKS,),
            in_specs=[
                pl.BlockSpec((TOK_BLOCK, D_MODEL), lambda i, e: (i, 0)),
                pl.BlockSpec((D_MODEL, D_MODEL), lambda i, e: (0, 0)),
                pl.BlockSpec((D_MODEL, D_MODEL), lambda i, e: (0, 0)),
                pl.BlockSpec((1, D_MODEL), lambda i, e: (0, 0)),
                pl.BlockSpec((1, D_MODEL), lambda i, e: (0, 0)),
            ],
            out_specs=pl.BlockSpec((TOK_BLOCK, D_MODEL), lambda i, e: (i, 0)),
        ),
        out_shape=jax.ShapeDtypeStruct((T_PAD, D_MODEL), jnp.float32),
        compiler_params=pltpu.CompilerParams(
            dimension_semantics=("arbitrary",)),
    )(experts, x_sorted, w0b, w1b,
      b0.reshape(1, D_MODEL), b1.reshape(1, D_MODEL))

    return _unpermute(y_sorted, pos_flat)


def kernel(hidden_states, multiway_indices, W0, b0, W1, b1):
    batch, seq, d = hidden_states.shape
    x2d = hidden_states.reshape(batch * seq, d)
    idx2d = multiway_indices.astype(jnp.int32).reshape(IDX_R, IDX_C)
    out = _run(x2d, idx2d, W0, b0, W1, b1)
    return out.reshape(batch, seq, d)

# --- scband reference (transcript-rebuilt; emitter-appended) ---
"""Pipeline reference for scband-multiway-network-15779709845576 (READ-ONLY COPY).

The authoritative reference and input builder live on the scoring server;
editing this copy changes nothing except your own understanding.
"""

import jax, jax.numpy as jnp
import numpy as np

D_MODEL = 2048
BATCH = 4
SEQ = 2048


def setup_inputs(seed: int = 0) -> dict:
    key = jax.random.key(seed)
    k1, k2, k3, k4, k5, k6 = jax.random.split(key, 6)
    hidden_states = jax.random.normal(k1, (BATCH, SEQ, D_MODEL), dtype=jnp.float32)
    multiway_indices = jax.random.randint(k2, (BATCH, SEQ), 0, 2, dtype=jnp.int64)
    # Two expert Linear(2048, 2048) modules (nn.Linear convention: W [out, in])
    bound = 1.0 / np.sqrt(D_MODEL)
    W0 = jax.random.uniform(k3, (D_MODEL, D_MODEL), minval=-bound, maxval=bound, dtype=jnp.float32)
    b0 = jax.random.uniform(k4, (D_MODEL,), minval=-bound, maxval=bound, dtype=jnp.float32)
    W1 = jax.random.uniform(k5, (D_MODEL, D_MODEL), minval=-bound, maxval=bound, dtype=jnp.float32)
    b1 = jax.random.uniform(k6, (D_MODEL,), minval=-bound, maxval=bound, dtype=jnp.float32)
    return {"hidden_states": hidden_states, "multiway_indices": multiway_indices,
            "W0": W0, "b0": b0, "W1": W1, "b1": b1}


def reference(hidden_states, multiway_indices, W0, b0, W1, b1):
    # MultiwayNetwork with 2 experts: each token [b, s] is routed to expert
    # multiway_indices[b, s] in {0, 1}. Original torch code gathers tokens per
    # expert, applies the expert linear, and scatters back. Equivalent dense
    # formulation: compute both experts' linear outputs and select per token.
    y0 = jnp.einsum('bsd,od->bso', hidden_states, W0) + b0
    y1 = jnp.einsum('bsd,od->bso', hidden_states, W1) + b1
    mask = (multiway_indices == 0)[..., None]
    out = jnp.where(mask, y0, y1)
    return out

if __name__ == "__main__":
    import jax
    _d = setup_inputs()
    print(jax.jit(kernel)(*tuple(_d.values())))

</pallas_src>

<mosaic_0001>
#map = affine_map<(d0, d1) -> (0, 0)>
#map1 = affine_map<(d0, d1) -> (0)>
module attributes {stable_mosaic.version = 14 : i64} {
  func.func @_unpermute(%arg0: i32, %arg1: i32, %arg2: memref<8704x2048xf32, #tpu.memory_space<hbm>>, %arg3: memref<8192xi32, #tpu.memory_space<hbm>>, %arg4: memref<8192x2048xf32, #tpu.memory_space<hbm>>, %arg5: memref<256xi32, #tpu.memory_space<vmem>>, %arg6: memref<16x2048xf32, #tpu.memory_space<vmem>>, %arg7: memref<16x2048xf32, #tpu.memory_space<vmem>>, %arg8: memref<16x2048xf32, #tpu.memory_space<vmem>>, %arg9: memref<!tpu.dma_semaphore, #tpu.memory_space<semaphore_mem>>, %arg10: memref<!tpu.dma_semaphore, #tpu.memory_space<semaphore_mem>>, %arg11: memref<!tpu.dma_semaphore, #tpu.memory_space<semaphore_mem>>, %arg12: memref<!tpu.dma_semaphore, #tpu.memory_space<semaphore_mem>>, %arg13: memref<!tpu.dma_semaphore, #tpu.memory_space<semaphore_mem>>, %arg14: memref<!tpu.dma_semaphore, #tpu.memory_space<semaphore_mem>>) attributes {dimension_semantics = [#tpu.dimension_semantics<core_parallel>, #tpu.dimension_semantics<subcore_parallel>], iteration_bounds = array<i64: 2, 16>, scalar_prefetch = 0 : i64, scratch_operands = 10 : i64, tpu.core_type = #tpu.core_type<sc_vector_subcore>, window_params = [{transform_indices = #map}, {transform_indices = #map1}, {transform_indices = #map}]} {
    %mul3A = arith.constant 2 : i32
    %mul3A_0 = arith.muli %arg1, %mul3A : i32
    %add3A = arith.addi %mul3A_0, %arg0 : i32
    %mul3A_1 = arith.constant 256 : i32
    %mul3A_2 = arith.muli %add3A, %mul3A_1 : i32
    "tpu.region"() ({
      %run_scoped3A = tpu.sem_alloc : memref<!tpu.dma_semaphore, #tpu.memory_space<semaphore_mem>>
      %dma_start3A_321 = tpu.memref_slice %arg3[%mul3A_2] : memref<8192xi32, #tpu.memory_space<hbm>> -> memref<256xi32, #tpu.memory_space<hbm>>
      %dma_start3A_322 = tpu.memref_slice %arg3[%mul3A_2] : memref<8192xi32, #tpu.memory_space<hbm>> -> memref<256xi32, #tpu.memory_space<hbm>>
      tpu.enqueue_dma source(%dma_start3A_322 : memref<256xi32, #tpu.memory_space<hbm>>) target(%arg5 : memref<256xi32, #tpu.memory_space<vmem>>) target_semaphore(%run_scoped3A : memref<!tpu.dma_semaphore, #tpu.memory_space<semaphore_mem>>)
      %dma_wait3A_323 = tpu.memref_slice %arg3[%mul3A_2] : memref<8192xi32, #tpu.memory_space<hbm>> -> memref<256xi32, #tpu.memory_space<hbm>>
      %dma_wait3A_324 = tpu.memref_slice %arg3[%mul3A_2] : memref<8192xi32, #tpu.memory_space<hbm>> -> memref<256xi32, #tpu.memory_space<hbm>>
      tpu.wait_dma2 semaphore(%run_scoped3A : memref<!tpu.dma_semaphore, #tpu.memory_space<semaphore_mem>>) src(%dma_wait3A_324 : memref<256xi32, #tpu.memory_space<hbm>>) dst(%arg5 : memref<256xi32, #tpu.memory_space<vmem>>)
      tpu.yield
    }) : () -> ()
    %dma_start3A = arith.constant 0 : i32
    %dma_start3A_3 = tpu.memref_slice %arg5[%dma_start3A] : memref<256xi32, #tpu.memory_space<vmem>> -> memref<16xi32, #tpu.memory_space<vmem>>
    %dma_start3A_4 = arith.constant 0 : i32
    %dma_start3A_5 = arith.constant 0 : i32
    %dma_start3A_6 = tpu.memref_slice %arg2[%dma_start3A_4, %dma_start3A_5] : memref<8704x2048xf32, #tpu.memory_space<hbm>> -> memref<8704x2048xf32, #tpu.memory_space<hbm>>
    tpu.enqueue_indirect_dma source(%dma_start3A_6 : memref<8704x2048xf32, #tpu.memory_space<hbm>>) target(%arg6 : memref<16x2048xf32, #tpu.memory_space<vmem>>) offsets(%dma_start3A_3 : memref<16xi32, #tpu.memory_space<vmem>>) semaphore(%arg9 : memref<!tpu.dma_semaphore, #tpu.memory_space<semaphore_mem>>)
    %dma_start3A_7 = arith.constant 16 : i32
    %dma_start3A_8 = tpu.memref_slice %arg5[%dma_start3A_7] : memref<256xi32, #tpu.memory_space<vmem>> -> memref<16xi32, #tpu.memory_space<vmem>>
    %dma_start3A_9 = arith.constant 0 : i32
    %dma_start3A_10 = arith.constant 0 : i32
    %dma_start3A_11 = tpu.memref_slice %arg2[%dma_start3A_9, %dma_start3A_10] : memref<8704x2048xf32, #tpu.memory_space<hbm>> -> memref<8704x2048xf32, #tpu.memory_space<hbm>>
    tpu.enqueue_indirect_dma source(%dma_start3A_11 : memref<8704x2048xf32, #tpu.memory_space<hbm>>) target(%arg7 : memref<16x2048xf32, #tpu.memory_space<vmem>>) offsets(%dma_start3A_8 : memref<16xi32, #tpu.memory_space<vmem>>) semaphore(%arg10 : memref<!tpu.dma_semaphore, #tpu.memory_space<semaphore_mem>>)
    %dma_start3A_12 = arith.constant 32 : i32
    %dma_start3A_13 = tpu.memref_slice %arg5[%dma_start3A_12] : memref<256xi32, #tpu.memory_space<vmem>> -> memref<16xi32, #tpu.memory_space<vmem>>
    %dma_start3A_14 = arith.constant 0 : i32
    %dma_start3A_15 = arith.constant 0 : i32
    %dma_start3A_16 = tpu.memref_slice %arg2[%dma_start3A_14, %dma_start3A_15] : memref<8704x2048xf32, #tpu.memory_space<hbm>> -> memref<8704x2048xf32, #tpu.memory_space<hbm>>
    tpu.enqueue_indirect_dma source(%dma_start3A_16 : memref<8704x2048xf32, #tpu.memory_space<hbm>>) target(%arg8 : memref<16x2048xf32, #tpu.memory_space<vmem>>) offsets(%dma_start3A_13 : memref<16xi32, #tpu.memory_space<vmem>>) semaphore(%arg11 : memref<!tpu.dma_semaphore, #tpu.memory_space<semaphore_mem>>)
    %dma_wait3A = arith.constant 0 : i32
    %dma_wait3A_17 = tpu.memref_slice %arg5[%dma_wait3A] : memref<256xi32, #tpu.memory_space<vmem>> -> memref<16xi32, #tpu.memory_space<vmem>>
    %dma_wait3A_18 = arith.constant 0 : i32
    %dma_wait3A_19 = arith.constant 0 : i32
    %dma_wait3A_20 = tpu.memref_slice %arg2[%dma_wait3A_18, %dma_wait3A_19] : memref<8704x2048xf32, #tpu.memory_space<hbm>> -> memref<8704x2048xf32, #tpu.memory_space<hbm>>
    tpu.wait_indirect_dma semaphore(%arg9 : memref<!tpu.dma_semaphore, #tpu.memory_space<semaphore_mem>>) src(%dma_wait3A_20 : memref<8704x2048xf32, #tpu.memory_space<hbm>>) dst(%arg6 : memref<16x2048xf32, #tpu.memory_space<vmem>>)
    %add3A_21 = arith.constant 0 : i32
    %add3A_22 = arith.addi %mul3A_2, %add3A_21 : i32
    %dma_start3A_23 = arith.constant 0 : i32
    %dma_start3A_24 = tpu.memref_slice %arg4[%add3A_22, %dma_start3A_23] : memref<8192x2048xf32, #tpu.memory_space<hbm>> -> memref<16x2048xf32, #tpu.memory_space<hbm>>
    %dma_start3A_25 = arith.constant 0 : i32
    %dma_start3A_26 = tpu.memref_slice %arg4[%add3A_22, %dma_start3A_25] : memref<8192x2048xf32, #tpu.memory_space<hbm>> -> memref<16x2048xf32, #tpu.memory_space<hbm>>
    tpu.enqueue_dma source(%arg6 : memref<16x2048xf32, #tpu.memory_space<vmem>>) target(%dma_start3A_26 : memref<16x2048xf32, #tpu.memory_space<hbm>>) target_semaphore(%arg12 : memref<!tpu.dma_semaphore, #tpu.memory_space<semaphore_mem>>)
    %dma_wait3A_27 = arith.constant 0 : i32
    %dma_wait3A_28 = tpu.memref_slice %arg4[%add3A_22, %dma_wait3A_27] : memref<8192x2048xf32, #tpu.memory_space<hbm>> -> memref<16x2048xf32, #tpu.memory_space<hbm>>
    %dma_wait3A_29 = arith.constant 0 : i32
    %dma_wait3A_30 = tpu.memref_slice %arg4[%add3A_22, %dma_wait3A_29] : memref<8192x2048xf32, #tpu.memory_space<hbm>> -> memref<16x2048xf32, #tpu.memory_space<hbm>>
    tpu.wait_dma2 semaphore(%arg12 : memref<!tpu.dma_semaphore, #tpu.memory_space<semaphore_mem>>) src(%arg6 : memref<16x2048xf32, #tpu.memory_space<vmem>>) dst(%dma_wait3A_30 : memref<16x2048xf32, #tpu.memory_space<hbm>>)
    %dma_start3A_31 = arith.constant 48 : i32
    %dma_start3A_32 = tpu.memref_slice %arg5[%dma_start3A_31] : memref<256xi32, #tpu.memory_space<vmem>> -> memref<16xi32, #tpu.memory_space<vmem>>
    %dma_start3A_33 = arith.constant 0 : i32
    %dma_start3A_34 = arith.constant 0 : i32
    %dma_start3A_35 = tpu.memref_slice %arg2[%dma_start3A_33, %dma_start3A_34] : memref<8704x2048xf32, #tpu.memory_space<hbm>> -> memref<8704x2048xf32, #tpu.memory_space<hbm>>
    tpu.enqueue_indirect_dma source(%dma_start3A_35 : memref<8704x2048xf32, #tpu.memory_space<hbm>>) target(%arg6 : memref<16x2048xf32, #tpu.memory_space<vmem>>) offsets(%dma_start3A_32 : memref<16xi32, #tpu.memory_space<vmem>>) semaphore(%arg9 : memref<!tpu.dma_semaphore, #tpu.memory_space<semaphore_mem>>)
    %dma_wait3A_36 = arith.constant 16 : i32
    %dma_wait3A_37 = tpu.memref_slice %arg5[%dma_wait3A_36] : memref<256xi32, #tpu.memory_space<vmem>> -> memref<16xi32, #tpu.memory_space<vmem>>
    %dma_wait3A_38 = arith.constant 0 : i32
    %dma_wait3A_39 = arith.constant 0 : i32
    %dma_wait3A_40 = tpu.memref_slice %arg2[%dma_wait3A_38, %dma_wait3A_39] : memref<8704x2048xf32, #tpu.memory_space<hbm>> -> memref<8704x2048xf32, #tpu.memory_space<hbm>>
    tpu.wait_indirect_dma semaphore(%arg10 : memref<!tpu.dma_semaphore, #tpu.memory_space<semaphore_mem>>) src(%dma_wait3A_40 : memref<8704x2048xf32, #tpu.memory_space<hbm>>) dst(%arg7 : memref<16x2048xf32, #tpu.memory_space<vmem>>)
    %add3A_41 = arith.constant 16 : i32
    %add3A_42 = arith.addi %mul3A_2, %add3A_41 : i32
    %dma_start3A_43 = arith.constant 0 : i32
    %dma_start3A_44 = tpu.memref_slice %arg4[%add3A_42, %dma_start3A_43] : memref<8192x2048xf32, #tpu.memory_space<hbm>> -> memref<16x2048xf32, #tpu.memory_space<hbm>>
    %dma_start3A_45 = arith.constant 0 : i32
    %dma_start3A_46 = tpu.memref_slice %arg4[%add3A_42, %dma_start3A_45] : memref<8192x2048xf32, #tpu.memory_space<hbm>> -> memref<16x2048xf32, #tpu.memory_space<hbm>>
    tpu.enqueue_dma source(%arg7 : memref<16x2048xf32, #tpu.memory_space<vmem>>) target(%dma_start3A_46 : memref<16x2048xf32, #tpu.memory_space<hbm>>) target_semaphore(%arg13 : memref<!tpu.dma_semaphore, #tpu.memory_space<semaphore_mem>>)
    %dma_wait3A_47 = arith.constant 0 : i32
    %dma_wait3A_48 = tpu.memref_slice %arg4[%add3A_42, %dma_wait3A_47] : memref<8192x2048xf32, #tpu.memory_space<hbm>> -> memref<16x2048xf32, #tpu.memory_space<hbm>>
    %dma_wait3A_49 = arith.constant 0 : i32
    %dma_wait3A_50 = tpu.memref_slice %arg4[%add3A_42, %dma_wait3A_49] : memref<8192x2048xf32, #tpu.memory_space<hbm>> -> memref<16x2048xf32, #tpu.memory_space<hbm>>
    tpu.wait_dma2 semaphore(%arg13 : memref<!tpu.dma_semaphore, #tpu.memory_space<semaphore_mem>>) src(%arg7 : memref<16x2048xf32, #tpu.memory_space<vmem>>) dst(%dma_wait3A_50 : memref<16x2048xf32, #tpu.memory_space<hbm>>)
    %dma_start3A_51 = arith.constant 64 : i32
    %dma_start3A_52 = tpu.memref_slice %arg5[%dma_start3A_51] : memref<256xi32, #tpu.memory_space<vmem>> -> memref<16xi32, #tpu.memory_space<vmem>>
    %dma_start3A_53 = arith.constant 0 : i32
    %dma_start3A_54 = arith.constant 0 : i32
    %dma_start3A_55 = tpu.memref_slice %arg2[%dma_start3A_53, %dma_start3A_54] : memref<8704x2048xf32, #tpu.memory_space<hbm>> -> memref<8704x2048xf32, #tpu.memory_space<hbm>>
    tpu.enqueue_indirect_dma source(%dma_start3A_55 : memref<8704x2048xf32, #tpu.memory_space<hbm>>) target(%arg7 : memref<16x2048xf32, #tpu.memory_space<vmem>>) offsets(%dma_start3A_52 : memref<16xi32, #tpu.memory_space<vmem>>) semaphore(%arg10 : memref<!tpu.dma_semaphore, #tpu.memory_space<semaphore_mem>>)
    %dma_wait3A_56 = arith.constant 32 : i32
    %dma_wait3A_57 = tpu.memref_slice %arg5[%dma_wait3A_56] : memref<256xi32, #tpu.memory_space<vmem>> -> memref<16xi32, #tpu.memory_space<vmem>>
    %dma_wait3A_58 = arith.constant 0 : i32
    %dma_wait3A_59 = arith.constant 0 : i32
    %dma_wait3A_60 = tpu.memref_slice %arg2[%dma_wait3A_58, %dma_wait3A_59] : memref<8704x2048xf32, #tpu.memory_space<hbm>> -> memref<8704x2048xf32, #tpu.memory_space<hbm>>
    tpu.wait_indirect_dma semaphore(%arg11 : memref<!tpu.dma_semaphore, #tpu.memory_space<semaphore_mem>>) src(%dma_wait3A_60 : memref<8704x2048xf32, #tpu.memory_space<hbm>>) dst(%arg8 : memref<16x2048xf32, #tpu.memory_space<vmem>>)
    %add3A_61 = arith.constant 32 : i32
    %add3A_62 = arith.addi %mul3A_2, %add3A_61 : i32
    %dma_start3A_63 = arith.constant 0 : i32
    %dma_start3A_64 = tpu.memref_slice %arg4[%add3A_62, %dma_start3A_63] : memref<8192x2048xf32, #tpu.memory_space<hbm>> -> memref<16x2048xf32, #tpu.memory_space<hbm>>
    %dma_start3A_65 = arith.constant 0 : i32
    %dma_start3A_66 = tpu.memref_slice %arg4[%add3A_62, %dma_start3A_65] : memref<8192x2048xf32, #tpu.memory_space<hbm>> -> memref<16x2048xf32, #tpu.memory_space<hbm>>
    tpu.enqueue_dma source(%arg8 : memref<16x2048xf32, #tpu.memory_space<vmem>>) target(%dma_start3A_66 : memref<16x2048xf32, #tpu.memory_space<hbm>>) target_semaphore(%arg14 : memref<!tpu.dma_semaphore, #tpu.memory_space<semaphore_mem>>)
    %dma_wait3A_67 = arith.constant 0 : i32
    %dma_wait3A_68 = tpu.memref_slice %arg4[%add3A_62, %dma_wait3A_67] : memref<8192x2048xf32, #tpu.memory_space<hbm>> -> memref<16x2048xf32, #tpu.memory_space<hbm>>
    %dma_wait3A_69 = arith.constant 0 : i32
    %dma_wait3A_70 = tpu.memref_slice %arg4[%add3A_62, %dma_wait3A_69] : memref<8192x2048xf32, #tpu.memory_space<hbm>> -> memref<16x2048xf32, #tpu.memory_space<hbm>>
    tpu.wait_dma2 semaphore(%arg14 : memref<!tpu.dma_semaphore, #tpu.memory_space<semaphore_mem>>) src(%arg8 : memref<16x2048xf32, #tpu.memory_space<vmem>>) dst(%dma_wait3A_70 : memref<16x2048xf32, #tpu.memory_space<hbm>>)
    %dma_start3A_71 = arith.constant 80 : i32
    %dma_start3A_72 = tpu.memref_slice %arg5[%dma_start3A_71] : memref<256xi32, #tpu.memory_space<vmem>> -> memref<16xi32, #tpu.memory_space<vmem>>
    %dma_start3A_73 = arith.constant 0 : i32
    %dma_start3A_74 = arith.constant 0 : i32
    %dma_start3A_75 = tpu.memref_slice %arg2[%dma_start3A_73, %dma_start3A_74] : memref<8704x2048xf32, #tpu.memory_space<hbm>> -> memref<8704x2048xf32, #tpu.memory_space<hbm>>
    tpu.enqueue_indirect_dma source(%dma_start3A_75 : memref<8704x2048xf32, #tpu.memory_space<hbm>>) target(%arg8 : memref<16x2048xf32, #tpu.memory_space<vmem>>) offsets(%dma_start3A_72 : memref<16xi32, #tpu.memory_space<vmem>>) semaphore(%arg11 : memref<!tpu.dma_semaphore, #tpu.memory_space<semaphore_mem>>)
    %dma_wait3A_76 = arith.constant 48 : i32
    %dma_wait3A_77 = tpu.memref_slice %arg5[%dma_wait3A_76] : memref<256xi32, #tpu.memory_space<vmem>> -> memref<16xi32, #tpu.memory_space<vmem>>
    %dma_wait3A_78 = arith.constant 0 : i32
    %dma_wait3A_79 = arith.constant 0 : i32
    %dma_wait3A_80 = tpu.memref_slice %arg2[%dma_wait3A_78, %dma_wait3A_79] : memref<8704x2048xf32, #tpu.memory_space<hbm>> -> memref<8704x2048xf32, #tpu.memory_space<hbm>>
    tpu.wait_indirect_dma semaphore(%arg9 : memref<!tpu.dma_semaphore, #tpu.memory_space<semaphore_mem>>) src(%dma_wait3A_80 : memref<8704x2048xf32, #tpu.memory_space<hbm>>) dst(%arg6 : memref<16x2048xf32, #tpu.memory_space<vmem>>)
    %add3A_81 = arith.constant 48 : i32
    %add3A_82 = arith.addi %mul3A_2, %add3A_81 : i32
    %dma_start3A_83 = arith.constant 0 : i32
    %dma_start3A_84 = tpu.memref_slice %arg4[%add3A_82, %dma_start3A_83] : memref<8192x2048xf32, #tpu.memory_space<hbm>> -> memref<16x2048xf32, #tpu.memory_space<hbm>>
    %dma_start3A_85 = arith.constant 0 : i32
    %dma_start3A_86 = tpu.memref_slice %arg4[%add3A_82, %dma_start3A_85] : memref<8192x2048xf32, #tpu.memory_space<hbm>> -> memref<16x2048xf32, #tpu.memory_space<hbm>>
    tpu.enqueue_dma source(%arg6 : memref<16x2048xf32, #tpu.memory_space<vmem>>) target(%dma_start3A_86 : memref<16x2048xf32, #tpu.memory_space<hbm>>) target_semaphore(%arg12 : memref<!tpu.dma_semaphore, #tpu.memory_space<semaphore_mem>>)
    %dma_wait3A_87 = arith.constant 0 : i32
    %dma_wait3A_88 = tpu.memref_slice %arg4[%add3A_82, %dma_wait3A_87] : memref<8192x2048xf32, #tpu.memory_space<hbm>> -> memref<16x2048xf32, #tpu.memory_space<hbm>>
    %dma_wait3A_89 = arith.constant 0 : i32
    %dma_wait3A_90 = tpu.memref_slice %arg4[%add3A_82, %dma_wait3A_89] : memref<8192x2048xf32, #tpu.memory_space<hbm>> -> memref<16x2048xf32, #tpu.memory_space<hbm>>
    tpu.wait_dma2 semaphore(%arg12 : memref<!tpu.dma_semaphore, #tpu.memory_space<semaphore_mem>>) src(%arg6 : memref<16x2048xf32, #tpu.memory_space<vmem>>) dst(%dma_wait3A_90 : memref<16x2048xf32, #tpu.memory_space<hbm>>)
    %dma_start3A_91 = arith.constant 96 : i32
    %dma_start3A_92 = tpu.memref_slice %arg5[%dma_start3A_91] : memref<256xi32, #tpu.memory_space<vmem>> -> memref<16xi32, #tpu.memory_space<vmem>>
    %dma_start3A_93 = arith.constant 0 : i32
    %dma_start3A_94 = arith.constant 0 : i32
    %dma_start3A_95 = tpu.memref_slice %arg2[%dma_start3A_93, %dma_start3A_94] : memref<8704x2048xf32, #tpu.memory_space<hbm>> -> memref<8704x2048xf32, #tpu.memory_space<hbm>>
    tpu.enqueue_indirect_dma source(%dma_start3A_95 : memref<8704x2048xf32, #tpu.memory_space<hbm>>) target(%arg6 : memref<16x2048xf32, #tpu.memory_space<vmem>>) offsets(%dma_start3A_92 : memref<16xi32, #tpu.memory_space<vmem>>) semaphore(%arg9 : memref<!tpu.dma_semaphore, #tpu.memory_space<semaphore_mem>>)
    %dma_wait3A_96 = arith.constant 64 : i32
    %dma_wait3A_97 = tpu.memref_slice %arg5[%dma_wait3A_96] : memref<256xi32, #tpu.memory_space<vmem>> -> memref<16xi32, #tpu.memory_space<vmem>>
    %dma_wait3A_98 = arith.constant 0 : i32
    %dma_wait3A_99 = arith.constant 0 : i32
    %dma_wait3A_100 = tpu.memref_slice %arg2[%dma_wait3A_98, %dma_wait3A_99] : memref<8704x2048xf32, #tpu.memory_space<hbm>> -> memref<8704x2048xf32, #tpu.memory_space<hbm>>
    tpu.wait_indirect_dma semaphore(%arg10 : memref<!tpu.dma_semaphore, #tpu.memory_space<semaphore_mem>>) src(%dma_wait3A_100 : memref<8704x2048xf32, #tpu.memory_space<hbm>>) dst(%arg7 : memref<16x2048xf32, #tpu.memory_space<vmem>>)
    %add3A_101 = arith.constant 64 : i32
    %add3A_102 = arith.addi %mul3A_2, %add3A_101 : i32
    %dma_start3A_103 = arith.constant 0 : i32
    %dma_start3A_104 = tpu.memref_slice %arg4[%add3A_102, %dma_start3A_103] : memref<8192x2048xf32, #tpu.memory_space<hbm>> -> memref<16x2048xf32, #tpu.memory_space<hbm>>
    %dma_start3A_105 = arith.constant 0 : i32
    %dma_start3A_106 = tpu.memref_slice %arg4[%add3A_102, %dma_start3A_105] : memref<8192x2048xf32, #tpu.memory_space<hbm>> -> memref<16x2048xf32, #tpu.memory_space<hbm>>
    tpu.enqueue_dma source(%arg7 : memref<16x2048xf32, #tpu.memory_space<vmem>>) target(%dma_start3A_106 : memref<16x2048xf32, #tpu.memory_space<hbm>>) target_semaphore(%arg13 : memref<!tpu.dma_semaphore, #tpu.memory_space<semaphore_mem>>)
    %dma_wait3A_107 = arith.constant 0 : i32
    %dma_wait3A_108 = tpu.memref_slice %arg4[%add3A_102, %dma_wait3A_107] : memref<8192x2048xf32, #tpu.memory_space<hbm>> -> memref<16x2048xf32, #tpu.memory_space<hbm>>
    %dma_wait3A_109 = arith.constant 0 : i32
    %dma_wait3A_110 = tpu.memref_slice %arg4[%add3A_102, %dma_wait3A_109] : memref<8192x2048xf32, #tpu.memory_space<hbm>> -> memref<16x2048xf32, #tpu.memory_space<hbm>>
    tpu.wait_dma2 semaphore(%arg13 : memref<!tpu.dma_semaphore, #tpu.memory_space<semaphore_mem>>) src(%arg7 : memref<16x2048xf32, #tpu.memory_space<vmem>>) dst(%dma_wait3A_110 : memref<16x2048xf32, #tpu.memory_space<hbm>>)
    %dma_start3A_111 = arith.constant 112 : i32
    %dma_start3A_112 = tpu.memref_slice %arg5[%dma_start3A_111] : memref<256xi32, #tpu.memory_space<vmem>> -> memref<16xi32, #tpu.memory_space<vmem>>
    %dma_start3A_113 = arith.constant 0 : i32
    %dma_start3A_114 = arith.constant 0 : i32
    %dma_start3A_115 = tpu.memref_slice %arg2[%dma_start3A_113, %dma_start3A_114] : memref<8704x2048xf32, #tpu.memory_space<hbm>> -> memref<8704x2048xf32, #tpu.memory_space<hbm>>
    tpu.enqueue_indirect_dma source(%dma_start3A_115 : memref<8704x2048xf32, #tpu.memory_space<hbm>>) target(%arg7 : memref<16x2048xf32, #tpu.memory_space<vmem>>) offsets(%dma_start3A_112 : memref<16xi32, #tpu.memory_space<vmem>>) semaphore(%arg10 : memref<!tpu.dma_semaphore, #tpu.memory_space<semaphore_mem>>)
    %dma_wait3A_116 = arith.constant 80 : i32
    %dma_wait3A_117 = tpu.memref_slice %arg5[%dma_wait3A_116] : memref<256xi32, #tpu.memory_space<vmem>> -> memref<16xi32, #tpu.memory_space<vmem>>
    %dma_wait3A_118 = arith.constant 0 : i32
    %dma_wait3A_119 = arith.constant 0 : i32
    %dma_wait3A_120 = tpu.memref_slice %arg2[%dma_wait3A_118, %dma_wait3A_119] : memref<8704x2048xf32, #tpu.memory_space<hbm>> -> memref<8704x2048xf32, #tpu.memory_space<hbm>>
    tpu.wait_indirect_dma semaphore(%arg11 : memref<!tpu.dma_semaphore, #tpu.memory_space<semaphore_mem>>) src(%dma_wait3A_120 : memref<8704x2048xf32, #tpu.memory_space<hbm>>) dst(%arg8 : memref<16x2048xf32, #tpu.memory_space<vmem>>)
    %add3A_121 = arith.constant 80 : i32
    %add3A_122 = arith.addi %mul3A_2, %add3A_121 : i32
    %dma_start3A_123 = arith.constant 0 : i32
    %dma_start3A_124 = tpu.memref_slice %arg4[%add3A_122, %dma_start3A_123] : memref<8192x2048xf32, #tpu.memory_space<hbm>> -> memref<16x2048xf32, #tpu.memory_space<hbm>>
    %dma_start3A_125 = arith.constant 0 : i32
    %dma_start3A_126 = tpu.memref_slice %arg4[%add3A_122, %dma_start3A_125] : memref<8192x2048xf32, #tpu.memory_space<hbm>> -> memref<16x2048xf32, #tpu.memory_space<hbm>>
    tpu.enqueue_dma source(%arg8 : memref<16x2048xf32, #tpu.memory_space<vmem>>) target(%dma_start3A_126 : memref<16x2048xf32, #tpu.memory_space<hbm>>) target_semaphore(%arg14 : memref<!tpu.dma_semaphore, #tpu.memory_space<semaphore_mem>>)
    %dma_wait3A_127 = arith.constant 0 : i32
    %dma_wait3A_128 = tpu.memref_slice %arg4[%add3A_122, %dma_wait3A_127] : memref<8192x2048xf32, #tpu.memory_space<hbm>> -> memref<16x2048xf32, #tpu.memory_space<hbm>>
    %dma_wait3A_129 = arith.constant 0 : i32
    %dma_wait3A_130 = tpu.memref_slice %arg4[%add3A_122, %dma_wait3A_129] : memref<8192x2048xf32, #tpu.memory_space<hbm>> -> memref<16x2048xf32, #tpu.memory_space<hbm>>
    tpu.wait_dma2 semaphore(%arg14 : memref<!tpu.dma_semaphore, #tpu.memory_space<semaphore_mem>>) src(%arg8 : memref<16x2048xf32, #tpu.memory_space<vmem>>) dst(%dma_wait3A_130 : memref<16x2048xf32, #tpu.memory_space<hbm>>)
    %dma_start3A_131 = arith.constant 128 : i32
    %dma_start3A_132 = tpu.memref_slice %arg5[%dma_start3A_131] : memref<256xi32, #tpu.memory_space<vmem>> -> memref<16xi32, #tpu.memory_space<vmem>>
    %dma_start3A_133 = arith.constant 0 : i32
    %dma_start3A_134 = arith.constant 0 : i32
    %dma_start3A_135 = tpu.memref_slice %arg2[%dma_start3A_133, %dma_start3A_134] : memref<8704x2048xf32, #tpu.memory_space<hbm>> -> memref<8704x2048xf32, #tpu.memory_space<hbm>>
    tpu.enqueue_indirect_dma source(%dma_start3A_135 : memref<8704x2048xf32, #tpu.memory_space<hbm>>) target(%arg8 : memref<16x2048xf32, #tpu.memory_space<vmem>>) offsets(%dma_start3A_132 : memref<16xi32, #tpu.memory_space<vmem>>) semaphore(%arg11 : memref<!tpu.dma_semaphore, #tpu.memory_space<semaphore_mem>>)
    %dma_wait3A_136 = arith.constant 96 : i32
    %dma_wait3A_137 = tpu.memref_slice %arg5[%dma_wait3A_136] : memref<256xi32, #tpu.memory_space<vmem>> -> memref<16xi32, #tpu.memory_space<vmem>>
    %dma_wait3A_138 = arith.constant 0 : i32
    %dma_wait3A_139 = arith.constant 0 : i32
    %dma_wait3A_140 = tpu.memref_slice %arg2[%dma_wait3A_138, %dma_wait3A_139] : memref<8704x2048xf32, #tpu.memory_space<hbm>> -> memref<8704x2048xf32, #tpu.memory_space<hbm>>
    tpu.wait_indirect_dma semaphore(%arg9 : memref<!tpu.dma_semaphore, #tpu.memory_space<semaphore_mem>>) src(%dma_wait3A_140 : memref<8704x2048xf32, #tpu.memory_space<hbm>>) dst(%arg6 : memref<16x2048xf32, #tpu.memory_space<vmem>>)
    %add3A_141 = arith.constant 96 : i32
    %add3A_142 = arith.addi %mul3A_2, %add3A_141 : i32
    %dma_start3A_143 = arith.constant 0 : i32
    %dma_start3A_144 = tpu.memref_slice %arg4[%add3A_142, %dma_start3A_143] : memref<8192x2048xf32, #tpu.memory_space<hbm>> -> memref<16x2048xf32, #tpu.memory_space<hbm>>
    %dma_start3A_145 = arith.constant 0 : i32
    %dma_start3A_146 = tpu.memref_slice %arg4[%add3A_142, %dma_start3A_145] : memref<8192x2048xf32, #tpu.memory_space<hbm>> -> memref<16x2048xf32, #tpu.memory_space<hbm>>
    tpu.enqueue_dma source(%arg6 : memref<16x2048xf32, #tpu.memory_space<vmem>>) target(%dma_start3A_146 : memref<16x2048xf32, #tpu.memory_space<hbm>>) target_semaphore(%arg12 : memref<!tpu.dma_semaphore, #tpu.memory_space<semaphore_mem>>)
    %dma_wait3A_147 = arith.constant 0 : i32
    %dma_wait3A_148 = tpu.memref_slice %arg4[%add3A_142, %dma_wait3A_147] : memref<8192x2048xf32, #tpu.memory_space<hbm>> -> memref<16x2048xf32, #tpu.memory_space<hbm>>
    %dma_wait3A_149 = arith.constant 0 : i32
    %dma_wait3A_150 = tpu.memref_slice %arg4[%add3A_142, %dma_wait3A_149] : memref<8192x2048xf32, #tpu.memory_space<hbm>> -> memref<16x2048xf32, #tpu.memory_space<hbm>>
    tpu.wait_dma2 semaphore(%arg12 : memref<!tpu.dma_semaphore, #tpu.memory_space<semaphore_mem>>) src(%arg6 : memref<16x2048xf32, #tpu.memory_space<vmem>>) dst(%dma_wait3A_150 : memref<16x2048xf32, #tpu.memory_space<hbm>>)
    %dma_start3A_151 = arith.constant 144 : i32
    %dma_start3A_152 = tpu.memref_slice %arg5[%dma_start3A_151] : memref<256xi32, #tpu.memory_space<vmem>> -> memref<16xi32, #tpu.memory_space<vmem>>
    %dma_start3A_153 = arith.constant 0 : i32
    %dma_start3A_154 = arith.constant 0 : i32
    %dma_start3A_155 = tpu.memref_slice %arg2[%dma_start3A_153, %dma_start3A_154] : memref<8704x2048xf32, #tpu.memory_space<hbm>> -> memref<8704x2048xf32, #tpu.memory_space<hbm>>
    tpu.enqueue_indirect_dma source(%dma_start3A_155 : memref<8704x2048xf32, #tpu.memory_space<hbm>>) target(%arg6 : memref<16x2048xf32, #tpu.memory_space<vmem>>) offsets(%dma_start3A_152 : memref<16xi32, #tpu.memory_space<vmem>>) semaphore(%arg9 : memref<!tpu.dma_semaphore, #tpu.memory_space<semaphore_mem>>)
    %dma_wait3A_156 = arith.constant 112 : i32
    %dma_wait3A_157 = tpu.memref_slice %arg5[%dma_wait3A_156] : memref<256xi32, #tpu.memory_space<vmem>> -> memref<16xi32, #tpu.memory_space<vmem>>
    %dma_wait3A_158 = arith.constant 0 : i32
    %dma_wait3A_159 = arith.constant 0 : i32
    %dma_wait3A_160 = tpu.memref_slice %arg2[%dma_wait3A_158, %dma_wait3A_159] : memref<8704x2048xf32, #tpu.memory_space<hbm>> -> memref<8704x2048xf32, #tpu.memory_space<hbm>>
    tpu.wait_indirect_dma semaphore(%arg10 : memref<!tpu.dma_semaphore, #tpu.memory_space<semaphore_mem>>) src(%dma_wait3A_160 : memref<8704x2048xf32, #tpu.memory_space<hbm>>) dst(%arg7 : memref<16x2048xf32, #tpu.memory_space<vmem>>)
    %add3A_161 = arith.constant 112 : i32
    %add3A_162 = arith.addi %mul3A_2, %add3A_161 : i32
    %dma_start3A_163 = arith.constant 0 : i32
    %dma_start3A_164 = tpu.memref_slice %arg4[%add3A_162, %dma_start3A_163] : memref<8192x2048xf32, #tpu.memory_space<hbm>> -> memref<16x2048xf32, #tpu.memory_space<hbm>>
    %dma_start3A_165 = arith.constant 0 : i32
    %dma_start3A_166 = tpu.memref_slice %arg4[%add3A_162, %dma_start3A_165] : memref<8192x2048xf32, #tpu.memory_space<hbm>> -> memref<16x2048xf32, #tpu.memory_space<hbm>>
    tpu.enqueue_dma source(%arg7 : memref<16x2048xf32, #tpu.memory_space<vmem>>) target(%dma_start3A_166 : memref<16x2048xf32, #tpu.memory_space<hbm>>) target_semaphore(%arg13 : memref<!tpu.dma_semaphore, #tpu.memory_space<semaphore_mem>>)
    %dma_wait3A_167 = arith.constant 0 : i32
    %dma_wait3A_168 = tpu.memref_slice %arg4[%add3A_162, %dma_wait3A_167] : memref<8192x2048xf32, #tpu.memory_space<hbm>> -> memref<16x2048xf32, #tpu.memory_space<hbm>>
    %dma_wait3A_169 = arith.constant 0 : i32
    %dma_wait3A_170 = tpu.memref_slice %arg4[%add3A_162, %dma_wait3A_169] : memref<8192x2048xf32, #tpu.memory_space<hbm>> -> memref<16x2048xf32, #tpu.memory_space<hbm>>
    tpu.wait_dma2 semaphore(%arg13 : memref<!tpu.dma_semaphore, #tpu.memory_space<semaphore_mem>>) src(%arg7 : memref<16x2048xf32, #tpu.memory_space<vmem>>) dst(%dma_wait3A_170 : memref<16x2048xf32, #tpu.memory_space<hbm>>)
    %dma_start3A_171 = arith.constant 160 : i32
    %dma_start3A_172 = tpu.memref_slice %arg5[%dma_start3A_171] : memref<256xi32, #tpu.memory_space<vmem>> -> memref<16xi32, #tpu.memory_space<vmem>>
    %dma_start3A_173 = arith.constant 0 : i32
    %dma_start3A_174 = arith.constant 0 : i32
    %dma_start3A_175 = tpu.memref_slice %arg2[%dma_start3A_173, %dma_start3A_174] : memref<8704x2048xf32, #tpu.memory_space<hbm>> -> memref<8704x2048xf32, #tpu.memory_space<hbm>>
    tpu.enqueue_indirect_dma source(%dma_start3A_175 : memref<8704x2048xf32, #tpu.memory_space<hbm>>) target(%arg7 : memref<16x2048xf32, #tpu.memory_space<vmem>>) offsets(%dma_start3A_172 : memref<16xi32, #tpu.memory_space<vmem>>) semaphore(%arg10 : memref<!tpu.dma_semaphore, #tpu.memory_space<semaphore_mem>>)
    %dma_wait3A_176 = arith.constant 128 : i32
    %dma_wait3A_177 = tpu.memref_slice %arg5[%dma_wait3A_176] : memref<256xi32, #tpu.memory_space<vmem>> -> memref<16xi32, #tpu.memory_space<vmem>>
    %dma_wait3A_178 = arith.constant 0 : i32
    %dma_wait3A_179 = arith.constant 0 : i32
    %dma_wait3A_180 = tpu.memref_slice %arg2[%dma_wait3A_178, %dma_wait3A_179] : memref<8704x2048xf32, #tpu.memory_space<hbm>> -> memref<8704x2048xf32, #tpu.memory_space<hbm>>
    tpu.wait_indirect_dma semaphore(%arg11 : memref<!tpu.dma_semaphore, #tpu.memory_space<semaphore_mem>>) src(%dma_wait3A_180 : memref<8704x2048xf32, #tpu.memory_space<hbm>>) dst(%arg8 : memref<16x2048xf32, #tpu.memory_space<vmem>>)
    %add3A_181 = arith.constant 128 : i32
    %add3A_182 = arith.addi %mul3A_2, %add3A_181 : i32
    %dma_start3A_183 = arith.constant 0 : i32
    %dma_start3A_184 = tpu.memref_slice %arg4[%add3A_182, %dma_start3A_183] : memref<8192x2048xf32, #tpu.memory_space<hbm>> -> memref<16x2048xf32, #tpu.memory_space<hbm>>
    %dma_start3A_185 = arith.constant 0 : i32
    %dma_start3A_186 = tpu.memref_slice %arg4[%add3A_182, %dma_start3A_185] : memref<8192x2048xf32, #tpu.memory_space<hbm>> -> memref<16x2048xf32, #tpu.memory_space<hbm>>
    tpu.enqueue_dma source(%arg8 : memref<16x2048xf32, #tpu.memory_space<vmem>>) target(%dma_start3A_186 : memref<16x2048xf32, #tpu.memory_space<hbm>>) target_semaphore(%arg14 : memref<!tpu.dma_semaphore, #tpu.memory_space<semaphore_mem>>)
    %dma_wait3A_187 = arith.constant 0 : i32
    %dma_wait3A_188 = tpu.memref_slice %arg4[%add3A_182, %dma_wait3A_187] : memref<8192x2048xf32, #tpu.memory_space<hbm>> -> memref<16x2048xf32, #tpu.memory_space<hbm>>
    %dma_wait3A_189 = arith.constant 0 : i32
    %dma_wait3A_190 = tpu.memref_slice %arg4[%add3A_182, %dma_wait3A_189] : memref<8192x2048xf32, #tpu.memory_space<hbm>> -> memref<16x2048xf32, #tpu.memory_space<hbm>>
    tpu.wait_dma2 semaphore(%arg14 : memref<!tpu.dma_semaphore, #tpu.memory_space<semaphore_mem>>) src(%arg8 : memref<16x2048xf32, #tpu.memory_space<vmem>>) dst(%dma_wait3A_190 : memref<16x2048xf32, #tpu.memory_space<hbm>>)
    %dma_start3A_191 = arith.constant 176 : i32
    %dma_start3A_192 = tpu.memref_slice %arg5[%dma_start3A_191] : memref<256xi32, #tpu.memory_space<vmem>> -> memref<16xi32, #tpu.memory_space<vmem>>
    %dma_start3A_193 = arith.constant 0 : i32
    %dma_start3A_194 = arith.constant 0 : i32
    %dma_start3A_195 = tpu.memref_slice %arg2[%dma_start3A_193, %dma_start3A_194] : memref<8704x2048xf32, #tpu.memory_space<hbm>> -> memref<8704x2048xf32, #tpu.memory_space<hbm>>
    tpu.enqueue_indirect_dma source(%dma_start3A_195 : memref<8704x2048xf32, #tpu.memory_space<hbm>>) target(%arg8 : memref<16x2048xf32, #tpu.memory_space<vmem>>) offsets(%dma_start3A_192 : memref<16xi32, #tpu.memory_space<vmem>>) semaphore(%arg11 : memref<!tpu.dma_semaphore, #tpu.memory_space<semaphore_mem>>)
    %dma_wait3A_196 = arith.constant 144 : i32
    %dma_wait3A_197 = tpu.memref_slice %arg5[%dma_wait3A_196] : memref<256xi32, #tpu.memory_space<vmem>> -> memref<16xi32, #tpu.memory_space<vmem>>
    %dma_wait3A_198 = arith.constant 0 : i32
    %dma_wait3A_199 = arith.constant 0 : i32
    %dma_wait3A_200 = tpu.memref_slice %arg2[%dma_wait3A_198, %dma_wait3A_199] : memref<8704x2048xf32, #tpu.memory_space<hbm>> -> memref<8704x2048xf32, #tpu.memory_space<hbm>>
    tpu.wait_indirect_dma semaphore(%arg9 : memref<!tpu.dma_semaphore, #tpu.memory_space<semaphore_mem>>) src(%dma_wait3A_200 : memref<8704x2048xf32, #tpu.memory_space<hbm>>) dst(%arg6 : memref<16x2048xf32, #tpu.memory_space<vmem>>)
    %add3A_201 = arith.constant 144 : i32
    %add3A_202 = arith.addi %mul3A_2, %add3A_201 : i32
    %dma_start3A_203 = arith.constant 0 : i32
    %dma_start3A_204 = tpu.memref_slice %arg4[%add3A_202, %dma_start3A_203] : memref<8192x2048xf32, #tpu.memory_space<hbm>> -> memref<16x2048xf32, #tpu.memory_space<hbm>>
    %dma_start3A_205 = arith.constant 0 : i32
    %dma_start3A_206 = tpu.memref_slice %arg4[%add3A_202, %dma_start3A_205] : memref<8192x2048xf32, #tpu.memory_space<hbm>> -> memref<16x2048xf32, #tpu.memory_space<hbm>>
    tpu.enqueue_dma source(%arg6 : memref<16x2048xf32, #tpu.memory_space<vmem>>) target(%dma_start3A_206 : memref<16x2048xf32, #tpu.memory_space<hbm>>) target_semaphore(%arg12 : memref<!tpu.dma_semaphore, #tpu.memory_space<semaphore_mem>>)
    %dma_wait3A_207 = arith.constant 0 : i32
    %dma_wait3A_208 = tpu.memref_slice %arg4[%add3A_202, %dma_wait3A_207] : memref<8192x2048xf32, #tpu.memory_space<hbm>> -> memref<16x2048xf32, #tpu.memory_space<hbm>>
    %dma_wait3A_209 = arith.constant 0 : i32
    %dma_wait3A_210 = tpu.memref_slice %arg4[%add3A_202, %dma_wait3A_209] : memref<8192x2048xf32, #tpu.memory_space<hbm>> -> memref<16x2048xf32, #tpu.memory_space<hbm>>
    tpu.wait_dma2 semaphore(%arg12 : memref<!tpu.dma_semaphore, #tpu.memory_space<semaphore_mem>>) src(%arg6 : memref<16x2048xf32, #tpu.memory_space<vmem>>) dst(%dma_wait3A_210 : memref<16x2048xf32, #tpu.memory_space<hbm>>)
    %dma_start3A_211 = arith.constant 192 : i32
    %dma_start3A_212 = tpu.memref_slice %arg5[%dma_start3A_211] : memref<256xi32, #tpu.memory_space<vmem>> -> memref<16xi32, #tpu.memory_space<vmem>>
    %dma_start3A_213 = arith.constant 0 : i32
    %dma_start3A_214 = arith.constant 0 : i32
    %dma_start3A_215 = tpu.memref_slice %arg2[%dma_start3A_213, %dma_start3A_214] : memref<8704x2048xf32, #tpu.memory_space<hbm>> -> memref<8704x2048xf32, #tpu.memory_space<hbm>>
    tpu.enqueue_indirect_dma source(%dma_start3A_215 : memref<8704x2048xf32, #tpu.memory_space<hbm>>) target(%arg6 : memref<16x2048xf32, #tpu.memory_space<vmem>>) offsets(%dma_start3A_212 : memref<16xi32, #tpu.memory_space<vmem>>) semaphore(%arg9 : memref<!tpu.dma_semaphore, #tpu.memory_space<semaphore_mem>>)
    %dma_wait3A_216 = arith.constant 160 : i32
    %dma_wait3A_217 = tpu.memref_slice %arg5[%dma_wait3A_216] : memref<256xi32, #tpu.memory_space<vmem>> -> memref<16xi32, #tpu.memory_space<vmem>>
    %dma_wait3A_218 = arith.constant 0 : i32
    %dma_wait3A_219 = arith.constant 0 : i32
    %dma_wait3A_220 = tpu.memref_slice %arg2[%dma_wait3A_218, %dma_wait3A_219] : memref<8704x2048xf32, #tpu.memory_space<hbm>> -> memref<8704x2048xf32, #tpu.memory_space<hbm>>
    tpu.wait_indirect_dma semaphore(%arg10 : memref<!tpu.dma_semaphore, #tpu.memory_space<semaphore_mem>>) src(%dma_wait3A_220 : memref<8704x2048xf32, #tpu.memory_space<hbm>>) dst(%arg7 : memref<16x2048xf32, #tpu.memory_space<vmem>>)
    %add3A_221 = arith.constant 160 : i32
    %add3A_222 = arith.addi %mul3A_2, %add3A_221 : i32
    %dma_start3A_223 = arith.constant 0 : i32
    %dma_start3A_224 = tpu.memref_slice %arg4[%add3A_222, %dma_start3A_223] : memref<8192x2048xf32, #tpu.memory_space<hbm>> -> memref<16x2048xf32, #tpu.memory_space<hbm>>
    %dma_start3A_225 = arith.constant 0 : i32
    %dma_start3A_226 = tpu.memref_slice %arg4[%add3A_222, %dma_start3A_225] : memref<8192x2048xf32, #tpu.memory_space<hbm>> -> memref<16x2048xf32, #tpu.memory_space<hbm>>
    tpu.enqueue_dma source(%arg7 : memref<16x2048xf32, #tpu.memory_space<vmem>>) target(%dma_start3A_226 : memref<16x2048xf32, #tpu.memory_space<hbm>>) target_semaphore(%arg13 : memref<!tpu.dma_semaphore, #tpu.memory_space<semaphore_mem>>)
    %dma_wait3A_227 = arith.constant 0 : i32
    %dma_wait3A_228 = tpu.memref_slice %arg4[%add3A_222, %dma_wait3A_227] : memref<8192x2048xf32, #tpu.memory_space<hbm>> -> memref<16x2048xf32, #tpu.memory_space<hbm>>
    %dma_wait3A_229 = arith.constant 0 : i32
    %dma_wait3A_230 = tpu.memref_slice %arg4[%add3A_222, %dma_wait3A_229] : memref<8192x2048xf32, #tpu.memory_space<hbm>> -> memref<16x2048xf32, #tpu.memory_space<hbm>>
    tpu.wait_dma2 semaphore(%arg13 : memref<!tpu.dma_semaphore, #tpu.memory_space<semaphore_mem>>) src(%arg7 : memref<16x2048xf32, #tpu.memory_space<vmem>>) dst(%dma_wait3A_230 : memref<16x2048xf32, #tpu.memory_space<hbm>>)
    %dma_start3A_231 = arith.constant 208 : i32
    %dma_start3A_232 = tpu.memref_slice %arg5[%dma_start3A_231] : memref<256xi32, #tpu.memory_space<vmem>> -> memref<16xi32, #tpu.memory_space<vmem>>
    %dma_start3A_233 = arith.constant 0 : i32
    %dma_start3A_234 = arith.constant 0 : i32
    %dma_start3A_235 = tpu.memref_slice %arg2[%dma_start3A_233, %dma_start3A_234] : memref<8704x2048xf32, #tpu.memory_space<hbm>> -> memref<8704x2048xf32, #tpu.memory_space<hbm>>
    tpu.enqueue_indirect_dma source(%dma_start3A_235 : memref<8704x2048xf32, #tpu.memory_space<hbm>>) target(%arg7 : memref<16x2048xf32, #tpu.memory_space<vmem>>) offsets(%dma_start3A_232 : memref<16xi32, #tpu.memory_space<vmem>>) semaphore(%arg10 : memref<!tpu.dma_semaphore, #tpu.memory_space<semaphore_mem>>)
    %dma_wait3A_236 = arith.constant 176 : i32
    %dma_wait3A_237 = tpu.memref_slice %arg5[%dma_wait3A_236] : memref<256xi32, #tpu.memory_space<vmem>> -> memref<16xi32, #tpu.memory_space<vmem>>
    %dma_wait3A_238 = arith.constant 0 : i32
    %dma_wait3A_239 = arith.constant 0 : i32
    %dma_wait3A_240 = tpu.memref_slice %arg2[%dma_wait3A_238, %dma_wait3A_239] : memref<8704x2048xf32, #tpu.memory_space<hbm>> -> memref<8704x2048xf32, #tpu.memory_space<hbm>>
    tpu.wait_indirect_dma semaphore(%arg11 : memref<!tpu.dma_semaphore, #tpu.memory_space<semaphore_mem>>) src(%dma_wait3A_240 : memref<8704x2048xf32, #tpu.memory_space<hbm>>) dst(%arg8 : memref<16x2048xf32, #tpu.memory_space<vmem>>)
    %add3A_241 = arith.constant 176 : i32
    %add3A_242 = arith.addi %mul3A_2, %add3A_241 : i32
    %dma_start3A_243 = arith.constant 0 : i32
    %dma_start3A_244 = tpu.memref_slice %arg4[%add3A_242, %dma_start3A_243] : memref<8192x2048xf32, #tpu.memory_space<hbm>> -> memref<16x2048xf32, #tpu.memory_space<hbm>>
    %dma_start3A_245 = arith.constant 0 : i32
    %dma_start3A_246 = tpu.memref_slice %arg4[%add3A_242, %dma_start3A_245] : memref<8192x2048xf32, #tpu.memory_space<hbm>> -> memref<16x2048xf32, #tpu.memory_space<hbm>>
    tpu.enqueue_dma source(%arg8 : memref<16x2048xf32, #tpu.memory_space<vmem>>) target(%dma_start3A_246 : memref<16x2048xf32, #tpu.memory_space<hbm>>) target_semaphore(%arg14 : memref<!tpu.dma_semaphore, #tpu.memory_space<semaphore_mem>>)
    %dma_wait3A_247 = arith.constant 0 : i32
    %dma_wait3A_248 = tpu.memref_slice %arg4[%add3A_242, %dma_wait3A_247] : memref<8192x2048xf32, #tpu.memory_space<hbm>> -> memref<16x2048xf32, #tpu.memory_space<hbm>>
    %dma_wait3A_249 = arith.constant 0 : i32
    %dma_wait3A_250 = tpu.memref_slice %arg4[%add3A_242, %dma_wait3A_249] : memref<8192x2048xf32, #tpu.memory_space<hbm>> -> memref<16x2048xf32, #tpu.memory_space<hbm>>
    tpu.wait_dma2 semaphore(%arg14 : memref<!tpu.dma_semaphore, #tpu.memory_space<semaphore_mem>>) src(%arg8 : memref<16x2048xf32, #tpu.memory_space<vmem>>) dst(%dma_wait3A_250 : memref<16x2048xf32, #tpu.memory_space<hbm>>)
    %dma_start3A_251 = arith.constant 224 : i32
    %dma_start3A_252 = tpu.memref_slice %arg5[%dma_start3A_251] : memref<256xi32, #tpu.memory_space<vmem>> -> memref<16xi32, #tpu.memory_space<vmem>>
    %dma_start3A_253 = arith.constant 0 : i32
    %dma_start3A_254 = arith.constant 0 : i32
    %dma_start3A_255 = tpu.memref_slice %arg2[%dma_start3A_253, %dma_start3A_254] : memref<8704x2048xf32, #tpu.memory_space<hbm>> -> memref<8704x2048xf32, #tpu.memory_space<hbm>>
    tpu.enqueue_indirect_dma source(%dma_start3A_255 : memref<8704x2048xf32, #tpu.memory_space<hbm>>) target(%arg8 : memref<16x2048xf32, #tpu.memory_space<vmem>>) offsets(%dma_start3A_252 : memref<16xi32, #tpu.memory_space<vmem>>) semaphore(%arg11 : memref<!tpu.dma_semaphore, #tpu.memory_space<semaphore_mem>>)
    %dma_wait3A_256 = arith.constant 192 : i32
    %dma_wait3A_257 = tpu.memref_slice %arg5[%dma_wait3A_256] : memref<256xi32, #tpu.memory_space<vmem>> -> memref<16xi32, #tpu.memory_space<vmem>>
    %dma_wait3A_258 = arith.constant 0 : i32
    %dma_wait3A_259 = arith.constant 0 : i32
    %dma_wait3A_260 = tpu.memref_slice %arg2[%dma_wait3A_258, %dma_wait3A_259] : memref<8704x2048xf32, #tpu.memory_space<hbm>> -> memref<8704x2048xf32, #tpu.memory_space<hbm>>
    tpu.wait_indirect_dma semaphore(%arg9 : memref<!tpu.dma_semaphore, #tpu.memory_space<semaphore_mem>>) src(%dma_wait3A_260 : memref<8704x2048xf32, #tpu.memory_space<hbm>>) dst(%arg6 : memref<16x2048xf32, #tpu.memory_space<vmem>>)
    %add3A_261 = arith.constant 192 : i32
    %add3A_262 = arith.addi %mul3A_2, %add3A_261 : i32
    %dma_start3A_263 = arith.constant 0 : i32
    %dma_start3A_264 = tpu.memref_slice %arg4[%add3A_262, %dma_start3A_263] : memref<8192x2048xf32, #tpu.memory_space<hbm>> -> memref<16x2048xf32, #tpu.memory_space<hbm>>
    %dma_start3A_265 = arith.constant 0 : i32
    %dma_start3A_266 = tpu.memref_slice %arg4[%add3A_262, %dma_start3A_265] : memref<8192x2048xf32, #tpu.memory_space<hbm>> -> memref<16x2048xf32, #tpu.memory_space<hbm>>
    tpu.enqueue_dma source(%arg6 : memref<16x2048xf32, #tpu.memory_space<vmem>>) target(%dma_start3A_266 : memref<16x2048xf32, #tpu.memory_space<hbm>>) target_semaphore(%arg12 : memref<!tpu.dma_semaphore, #tpu.memory_space<semaphore_mem>>)
    %dma_wait3A_267 = arith.constant 0 : i32
    %dma_wait3A_268 = tpu.memref_slice %arg4[%add3A_262, %dma_wait3A_267] : memref<8192x2048xf32, #tpu.memory_space<hbm>> -> memref<16x2048xf32, #tpu.memory_space<hbm>>
    %dma_wait3A_269 = arith.constant 0 : i32
    %dma_wait3A_270 = tpu.memref_slice %arg4[%add3A_262, %dma_wait3A_269] : memref<8192x2048xf32, #tpu.memory_space<hbm>> -> memref<16x2048xf32, #tpu.memory_space<hbm>>
    tpu.wait_dma2 semaphore(%arg12 : memref<!tpu.dma_semaphore, #tpu.memory_space<semaphore_mem>>) src(%arg6 : memref<16x2048xf32, #tpu.memory_space<vmem>>) dst(%dma_wait3A_270 : memref<16x2048xf32, #tpu.memory_space<hbm>>)
    %dma_start3A_271 = arith.constant 240 : i32
    %dma_start3A_272 = tpu.memref_slice %arg5[%dma_start3A_271] : memref<256xi32, #tpu.memory_space<vmem>> -> memref<16xi32, #tpu.memory_space<vmem>>
    %dma_start3A_273 = arith.constant 0 : i32
    %dma_start3A_274 = arith.constant 0 : i32
    %dma_start3A_275 = tpu.memref_slice %arg2[%dma_start3A_273, %dma_start3A_274] : memref<8704x2048xf32, #tpu.memory_space<hbm>> -> memref<8704x2048xf32, #tpu.memory_space<hbm>>
    tpu.enqueue_indirect_dma source(%dma_start3A_275 : memref<8704x2048xf32, #tpu.memory_space<hbm>>) target(%arg6 : memref<16x2048xf32, #tpu.memory_space<vmem>>) offsets(%dma_start3A_272 : memref<16xi32, #tpu.memory_space<vmem>>) semaphore(%arg9 : memref<!tpu.dma_semaphore, #tpu.memory_space<semaphore_mem>>)
    %dma_wait3A_276 = arith.constant 208 : i32
    %dma_wait3A_277 = tpu.memref_slice %arg5[%dma_wait3A_276] : memref<256xi32, #tpu.memory_space<vmem>> -> memref<16xi32, #tpu.memory_space<vmem>>
    %dma_wait3A_278 = arith.constant 0 : i32
    %dma_wait3A_279 = arith.constant 0 : i32
    %dma_wait3A_280 = tpu.memref_slice %arg2[%dma_wait3A_278, %dma_wait3A_279] : memref<8704x2048xf32, #tpu.memory_space<hbm>> -> memref<8704x2048xf32, #tpu.memory_space<hbm>>
    tpu.wait_indirect_dma semaphore(%arg10 : memref<!tpu.dma_semaphore, #tpu.memory_space<semaphore_mem>>) src(%dma_wait3A_280 : memref<8704x2048xf32, #tpu.memory_space<hbm>>) dst(%arg7 : memref<16x2048xf32, #tpu.memory_space<vmem>>)
    %add3A_281 = arith.constant 208 : i32
    %add3A_282 = arith.addi %mul3A_2, %add3A_281 : i32
    %dma_start3A_283 = arith.constant 0 : i32
    %dma_start3A_284 = tpu.memref_slice %arg4[%add3A_282, %dma_start3A_283] : memref<8192x2048xf32, #tpu.memory_space<hbm>> -> memref<16x2048xf32, #tpu.memory_space<hbm>>
    %dma_start3A_285 = arith.constant 0 : i32
    %dma_start3A_286 = tpu.memref_slice %arg4[%add3A_282, %dma_start3A_285] : memref<8192x2048xf32, #tpu.memory_space<hbm>> -> memref<16x2048xf32, #tpu.memory_space<hbm>>
    tpu.enqueue_dma source(%arg7 : memref<16x2048xf32, #tpu.memory_space<vmem>>) target(%dma_start3A_286 : memref<16x2048xf32, #tpu.memory_space<hbm>>) target_semaphore(%arg13 : memref<!tpu.dma_semaphore, #tpu.memory_space<semaphore_mem>>)
    %dma_wait3A_287 = arith.constant 224 : i32
    %dma_wait3A_288 = tpu.memref_slice %arg5[%dma_wait3A_287] : memref<256xi32, #tpu.memory_space<vmem>> -> memref<16xi32, #tpu.memory_space<vmem>>
    %dma_wait3A_289 = arith.constant 0 : i32
    %dma_wait3A_290 = arith.constant 0 : i32
    %dma_wait3A_291 = tpu.memref_slice %arg2[%dma_wait3A_289, %dma_wait3A_290] : memref<8704x2048xf32, #tpu.memory_space<hbm>> -> memref<8704x2048xf32, #tpu.memory_space<hbm>>
    tpu.wait_indirect_dma semaphore(%arg11 : memref<!tpu.dma_semaphore, #tpu.memory_space<semaphore_mem>>) src(%dma_wait3A_291 : memref<8704x2048xf32, #tpu.memory_space<hbm>>) dst(%arg8 : memref<16x2048xf32, #tpu.memory_space<vmem>>)
    %add3A_292 = arith.constant 224 : i32
    %add3A_293 = arith.addi %mul3A_2, %add3A_292 : i32
    %dma_start3A_294 = arith.constant 0 : i32
    %dma_start3A_295 = tpu.memref_slice %arg4[%add3A_293, %dma_start3A_294] : memref<8192x2048xf32, #tpu.memory_space<hbm>> -> memref<16x2048xf32, #tpu.memory_space<hbm>>
    %dma_start3A_296 = arith.constant 0 : i32
    %dma_start3A_297 = tpu.memref_slice %arg4[%add3A_293, %dma_start3A_296] : memref<8192x2048xf32, #tpu.memory_space<hbm>> -> memref<16x2048xf32, #tpu.memory_space<hbm>>
    tpu.enqueue_dma source(%arg8 : memref<16x2048xf32, #tpu.memory_space<vmem>>) target(%dma_start3A_297 : memref<16x2048xf32, #tpu.memory_space<hbm>>) target_semaphore(%arg14 : memref<!tpu.dma_semaphore, #tpu.memory_space<semaphore_mem>>)
    %dma_wait3A_298 = arith.constant 240 : i32
    %dma_wait3A_299 = tpu.memref_slice %arg5[%dma_wait3A_298] : memref<256xi32, #tpu.memory_space<vmem>> -> memref<16xi32, #tpu.memory_space<vmem>>
    %dma_wait3A_300 = arith.constant 0 : i32
    %dma_wait3A_301 = arith.constant 0 : i32
    %dma_wait3A_302 = tpu.memref_slice %arg2[%dma_wait3A_300, %dma_wait3A_301] : memref<8704x2048xf32, #tpu.memory_space<hbm>> -> memref<8704x2048xf32, #tpu.memory_space<hbm>>
    tpu.wait_indirect_dma semaphore(%arg9 : memref<!tpu.dma_semaphore, #tpu.memory_space<semaphore_mem>>) src(%dma_wait3A_302 : memref<8704x2048xf32, #tpu.memory_space<hbm>>) dst(%arg6 : memref<16x2048xf32, #tpu.memory_space<vmem>>)
    %add3A_303 = arith.constant 240 : i32
    %add3A_304 = arith.addi %mul3A_2, %add3A_303 : i32
    %dma_start3A_305 = arith.constant 0 : i32
    %dma_start3A_306 = tpu.memref_slice %arg4[%add3A_304, %dma_start3A_305] : memref<8192x2048xf32, #tpu.memory_space<hbm>> -> memref<16x2048xf32, #tpu.memory_space<hbm>>
    %dma_start3A_307 = arith.constant 0 : i32
    %dma_start3A_308 = tpu.memref_slice %arg4[%add3A_304, %dma_start3A_307] : memref<8192x2048xf32, #tpu.memory_space<hbm>> -> memref<16x2048xf32, #tpu.memory_space<hbm>>
    tpu.enqueue_dma source(%arg6 : memref<16x2048xf32, #tpu.memory_space<vmem>>) target(%dma_start3A_308 : memref<16x2048xf32, #tpu.memory_space<hbm>>) target_semaphore(%arg12 : memref<!tpu.dma_semaphore, #tpu.memory_space<semaphore_mem>>)
    %dma_wait3A_309 = arith.constant 0 : i32
    %dma_wait3A_310 = tpu.memref_slice %arg4[%add3A_304, %dma_wait3A_309] : memref<8192x2048xf32, #tpu.memory_space<hbm>> -> memref<16x2048xf32, #tpu.memory_space<hbm>>
    %dma_wait3A_311 = arith.constant 0 : i32
    %dma_wait3A_312 = tpu.memref_slice %arg4[%add3A_304, %dma_wait3A_311] : memref<8192x2048xf32, #tpu.memory_space<hbm>> -> memref<16x2048xf32, #tpu.memory_space<hbm>>
    tpu.wait_dma2 semaphore(%arg12 : memref<!tpu.dma_semaphore, #tpu.memory_space<semaphore_mem>>) src(%arg6 : memref<16x2048xf32, #tpu.memory_space<vmem>>) dst(%dma_wait3A_312 : memref<16x2048xf32, #tpu.memory_space<hbm>>)
    %dma_wait3A_313 = arith.constant 0 : i32
    %dma_wait3A_314 = tpu.memref_slice %arg4[%add3A_282, %dma_wait3A_313] : memref<8192x2048xf32, #tpu.memory_space<hbm>> -> memref<16x2048xf32, #tpu.memory_space<hbm>>
    %dma_wait3A_315 = arith.constant 0 : i32
    %dma_wait3A_316 = tpu.memref_slice %arg4[%add3A_282, %dma_wait3A_315] : memref<8192x2048xf32, #tpu.memory_space<hbm>> -> memref<16x2048xf32, #tpu.memory_space<hbm>>
    tpu.wait_dma2 semaphore(%arg13 : memref<!tpu.dma_semaphore, #tpu.memory_space<semaphore_mem>>) src(%arg7 : memref<16x2048xf32, #tpu.memory_space<vmem>>) dst(%dma_wait3A_316 : memref<16x2048xf32, #tpu.memory_space<hbm>>)
    %dma_wait3A_317 = arith.constant 0 : i32
    %dma_wait3A_318 = tpu.memref_slice %arg4[%add3A_293, %dma_wait3A_317] : memref<8192x2048xf32, #tpu.memory_space<hbm>> -> memref<16x2048xf32, #tpu.memory_space<hbm>>
    %dma_wait3A_319 = arith.constant 0 : i32
    %dma_wait3A_320 = tpu.memref_slice %arg4[%add3A_293, %dma_wait3A_319] : memref<8192x2048xf32, #tpu.memory_space<hbm>> -> memref<16x2048xf32, #tpu.memory_space<hbm>>
    tpu.wait_dma2 semaphore(%arg14 : memref<!tpu.dma_semaphore, #tpu.memory_space<semaphore_mem>>) src(%arg8 : memref<16x2048xf32, #tpu.memory_space<vmem>>) dst(%dma_wait3A_320 : memref<16x2048xf32, #tpu.memory_space<hbm>>)
    return
  }
}

#map = affine_map<(d0, d1) -> (0, 0)>
#map1 = affine_map<(d0, d1) -> (0)>
module attributes {stable_mosaic.version = 14 : i64} {
  func.func @_dispatch(%arg0: i32, %arg1: i32, %arg2: memref<8192x2048xf32, #tpu.memory_space<hbm>>, %arg3: memref<8192xi32, #tpu.memory_space<hbm>>, %arg4: memref<8704x2048xf32, #tpu.memory_space<hbm>>, %arg5: memref<256xi32, #tpu.memory_space<vmem>>, %arg6: memref<16x2048xf32, #tpu.memory_space<vmem>>, %arg7: memref<16x2048xf32, #tpu.memory_space<vmem>>, %arg8: memref<16x2048xf32, #tpu.memory_space<vmem>>, %arg9: memref<!tpu.dma_semaphore, #tpu.memory_space<semaphore_mem>>, %arg10: memref<!tpu.dma_semaphore, #tpu.memory_space<semaphore_mem>>, %arg11: memref<!tpu.dma_semaphore, #tpu.memory_space<semaphore_mem>>, %arg12: memref<!tpu.dma_semaphore, #tpu.memory_space<semaphore_mem>>, %arg13: memref<!tpu.dma_semaphore, #tpu.memory_space<semaphore_mem>>, %arg14: memref<!tpu.dma_semaphore, #tpu.memory_space<semaphore_mem>>) attributes {dimension_semantics = [#tpu.dimension_semantics<core_parallel>, #tpu.dimension_semantics<subcore_parallel>], iteration_bounds = array<i64: 2, 16>, scalar_prefetch = 0 : i64, scratch_operands = 10 : i64, tpu.core_type = #tpu.core_type<sc_vector_subcore>, window_params = [{transform_indices = #map}, {transform_indices = #map1}, {transform_indices = #map}]} {
    %mul3A = arith.constant 2 : i32
    %mul3A_0 = arith.muli %arg1, %mul3A : i32
    %add3A = arith.addi %mul3A_0, %arg0 : i32
    %mul3A_1 = arith.constant 256 : i32
    %mul3A_2 = arith.muli %add3A, %mul3A_1 : i32
    "tpu.region"() ({
      %run_scoped3A = tpu.sem_alloc : memref<!tpu.dma_semaphore, #tpu.memory_space<semaphore_mem>>
      %dma_start3A_319 = tpu.memref_slice %arg3[%mul3A_2] : memref<8192xi32, #tpu.memory_space<hbm>> -> memref<256xi32, #tpu.memory_space<hbm>>
      %dma_start3A_320 = tpu.memref_slice %arg3[%mul3A_2] : memref<8192xi32, #tpu.memory_space<hbm>> -> memref<256xi32, #tpu.memory_space<hbm>>
      tpu.enqueue_dma source(%dma_start3A_320 : memref<256xi32, #tpu.memory_space<hbm>>) target(%arg5 : memref<256xi32, #tpu.memory_space<vmem>>) target_semaphore(%run_scoped3A : memref<!tpu.dma_semaphore, #tpu.memory_space<semaphore_mem>>)
      %dma_wait3A_321 = tpu.memref_slice %arg3[%mul3A_2] : memref<8192xi32, #tpu.memory_space<hbm>> -> memref<256xi32, #tpu.memory_space<hbm>>
      %dma_wait3A_322 = tpu.memref_slice %arg3[%mul3A_2] : memref<8192xi32, #tpu.memory_space<hbm>> -> memref<256xi32, #tpu.memory_space<hbm>>
      tpu.wait_dma2 semaphore(%run_scoped3A : memref<!tpu.dma_semaphore, #tpu.memory_space<semaphore_mem>>) src(%dma_wait3A_322 : memref<256xi32, #tpu.memory_space<hbm>>) dst(%arg5 : memref<256xi32, #tpu.memory_space<vmem>>)
      tpu.yield
    }) : () -> ()
    %dma_start3A = arith.constant 0 : i32
    %dma_start3A_3 = tpu.memref_slice %arg2[%mul3A_2, %dma_start3A] : memref<8192x2048xf32, #tpu.memory_space<hbm>> -> memref<16x2048xf32, #tpu.memory_space<hbm>>
    %dma_start3A_4 = arith.constant 0 : i32
    %dma_start3A_5 = tpu.memref_slice %arg2[%mul3A_2, %dma_start3A_4] : memref<8192x2048xf32, #tpu.memory_space<hbm>> -> memref<16x2048xf32, #tpu.memory_space<hbm>>
    tpu.enqueue_dma source(%dma_start3A_5 : memref<16x2048xf32, #tpu.memory_space<hbm>>) target(%arg6 : memref<16x2048xf32, #tpu.memory_space<vmem>>) target_semaphore(%arg9 : memref<!tpu.dma_semaphore, #tpu.memory_space<semaphore_mem>>)
    %add3A_6 = arith.constant 16 : i32
    %add3A_7 = arith.addi %mul3A_2, %add3A_6 : i32
    %dma_start3A_8 = arith.constant 0 : i32
    %dma_start3A_9 = tpu.memref_slice %arg2[%add3A_7, %dma_start3A_8] : memref<8192x2048xf32, #tpu.memory_space<hbm>> -> memref<16x2048xf32, #tpu.memory_space<hbm>>
    %dma_start3A_10 = arith.constant 0 : i32
    %dma_start3A_11 = tpu.memref_slice %arg2[%add3A_7, %dma_start3A_10] : memref<8192x2048xf32, #tpu.memory_space<hbm>> -> memref<16x2048xf32, #tpu.memory_space<hbm>>
    tpu.enqueue_dma source(%dma_start3A_11 : memref<16x2048xf32, #tpu.memory_space<hbm>>) target(%arg7 : memref<16x2048xf32, #tpu.memory_space<vmem>>) target_semaphore(%arg10 : memref<!tpu.dma_semaphore, #tpu.memory_space<semaphore_mem>>)
    %add3A_12 = arith.constant 32 : i32
    %add3A_13 = arith.addi %mul3A_2, %add3A_12 : i32
    %dma_start3A_14 = arith.constant 0 : i32
    %dma_start3A_15 = tpu.memref_slice %arg2[%add3A_13, %dma_start3A_14] : memref<8192x2048xf32, #tpu.memory_space<hbm>> -> memref<16x2048xf32, #tpu.memory_space<hbm>>
    %dma_start3A_16 = arith.constant 0 : i32
    %dma_start3A_17 = tpu.memref_slice %arg2[%add3A_13, %dma_start3A_16] : memref<8192x2048xf32, #tpu.memory_space<hbm>> -> memref<16x2048xf32, #tpu.memory_space<hbm>>
    tpu.enqueue_dma source(%dma_start3A_17 : memref<16x2048xf32, #tpu.memory_space<hbm>>) target(%arg8 : memref<16x2048xf32, #tpu.memory_space<vmem>>) target_semaphore(%arg11 : memref<!tpu.dma_semaphore, #tpu.memory_space<semaphore_mem>>)
    %dma_wait3A = arith.constant 0 : i32
    %dma_wait3A_18 = tpu.memref_slice %arg2[%mul3A_2, %dma_wait3A] : memref<8192x2048xf32, #tpu.memory_space<hbm>> -> memref<16x2048xf32, #tpu.memory_space<hbm>>
    %dma_wait3A_19 = arith.constant 0 : i32
    %dma_wait3A_20 = tpu.memref_slice %arg2[%mul3A_2, %dma_wait3A_19] : memref<8192x2048xf32, #tpu.memory_space<hbm>> -> memref<16x2048xf32, #tpu.memory_space<hbm>>
    tpu.wait_dma2 semaphore(%arg9 : memref<!tpu.dma_semaphore, #tpu.memory_space<semaphore_mem>>) src(%dma_wait3A_20 : memref<16x2048xf32, #tpu.memory_space<hbm>>) dst(%arg6 : memref<16x2048xf32, #tpu.memory_space<vmem>>)
    %dma_start3A_21 = arith.constant 0 : i32
    %dma_start3A_22 = tpu.memref_slice %arg5[%dma_start3A_21] : memref<256xi32, #tpu.memory_space<vmem>> -> memref<16xi32, #tpu.memory_space<vmem>>
    %dma_start3A_23 = arith.constant 0 : i32
    %dma_start3A_24 = arith.constant 0 : i32
    %dma_start3A_25 = tpu.memref_slice %arg4[%dma_start3A_23, %dma_start3A_24] : memref<8704x2048xf32, #tpu.memory_space<hbm>> -> memref<8704x2048xf32, #tpu.memory_space<hbm>>
    tpu.enqueue_indirect_dma source(%arg6 : memref<16x2048xf32, #tpu.memory_space<vmem>>) target(%dma_start3A_25 : memref<8704x2048xf32, #tpu.memory_space<hbm>>) offsets(%dma_start3A_22 : memref<16xi32, #tpu.memory_space<vmem>>) semaphore(%arg12 : memref<!tpu.dma_semaphore, #tpu.memory_space<semaphore_mem>>)
    %dma_wait3A_26 = arith.constant 0 : i32
    %dma_wait3A_27 = tpu.memref_slice %arg5[%dma_wait3A_26] : memref<256xi32, #tpu.memory_space<vmem>> -> memref<16xi32, #tpu.memory_space<vmem>>
    %dma_wait3A_28 = arith.constant 0 : i32
    %dma_wait3A_29 = arith.constant 0 : i32
    %dma_wait3A_30 = tpu.memref_slice %arg4[%dma_wait3A_28, %dma_wait3A_29] : memref<8704x2048xf32, #tpu.memory_space<hbm>> -> memref<8704x2048xf32, #tpu.memory_space<hbm>>
    tpu.wait_indirect_dma semaphore(%arg12 : memref<!tpu.dma_semaphore, #tpu.memory_space<semaphore_mem>>) src(%arg6 : memref<16x2048xf32, #tpu.memory_space<vmem>>) dst(%dma_wait3A_30 : memref<8704x2048xf32, #tpu.memory_space<hbm>>)
    %add3A_31 = arith.constant 48 : i32
    %add3A_32 = arith.addi %mul3A_2, %add3A_31 : i32
    %dma_start3A_33 = arith.constant 0 : i32
    %dma_start3A_34 = tpu.memref_slice %arg2[%add3A_32, %dma_start3A_33] : memref<8192x2048xf32, #tpu.memory_space<hbm>> -> memref<16x2048xf32, #tpu.memory_space<hbm>>
    %dma_start3A_35 = arith.constant 0 : i32
    %dma_start3A_36 = tpu.memref_slice %arg2[%add3A_32, %dma_start3A_35] : memref<8192x2048xf32, #tpu.memory_space<hbm>> -> memref<16x2048xf32, #tpu.memory_space<hbm>>
    tpu.enqueue_dma source(%dma_start3A_36 : memref<16x2048xf32, #tpu.memory_space<hbm>>) target(%arg6 : memref<16x2048xf32, #tpu.memory_space<vmem>>) target_semaphore(%arg9 : memref<!tpu.dma_semaphore, #tpu.memory_space<semaphore_mem>>)
    %dma_wait3A_37 = arith.constant 0 : i32
    %dma_wait3A_38 = tpu.memref_slice %arg2[%add3A_7, %dma_wait3A_37] : memref<8192x2048xf32, #tpu.memory_space<hbm>> -> memref<16x2048xf32, #tpu.memory_space<hbm>>
    %dma_wait3A_39 = arith.constant 0 : i32
    %dma_wait3A_40 = tpu.memref_slice %arg2[%add3A_7, %dma_wait3A_39] : memref<8192x2048xf32, #tpu.memory_space<hbm>> -> memref<16x2048xf32, #tpu.memory_space<hbm>>
    tpu.wait_dma2 semaphore(%arg10 : memref<!tpu.dma_semaphore, #tpu.memory_space<semaphore_mem>>) src(%dma_wait3A_40 : memref<16x2048xf32, #tpu.memory_space<hbm>>) dst(%arg7 : memref<16x2048xf32, #tpu.memory_space<vmem>>)
    %dma_start3A_41 = arith.constant 16 : i32
    %dma_start3A_42 = tpu.memref_slice %arg5[%dma_start3A_41] : memref<256xi32, #tpu.memory_space<vmem>> -> memref<16xi32, #tpu.memory_space<vmem>>
    %dma_start3A_43 = arith.constant 0 : i32
    %dma_start3A_44 = arith.constant 0 : i32
    %dma_start3A_45 = tpu.memref_slice %arg4[%dma_start3A_43, %dma_start3A_44] : memref<8704x2048xf32, #tpu.memory_space<hbm>> -> memref<8704x2048xf32, #tpu.memory_space<hbm>>
    tpu.enqueue_indirect_dma source(%arg7 : memref<16x2048xf32, #tpu.memory_space<vmem>>) target(%dma_start3A_45 : memref<8704x2048xf32, #tpu.memory_space<hbm>>) offsets(%dma_start3A_42 : memref<16xi32, #tpu.memory_space<vmem>>) semaphore(%arg13 : memref<!tpu.dma_semaphore, #tpu.memory_space<semaphore_mem>>)
    %dma_wait3A_46 = arith.constant 16 : i32
    %dma_wait3A_47 = tpu.memref_slice %arg5[%dma_wait3A_46] : memref<256xi32, #tpu.memory_space<vmem>> -> memref<16xi32, #tpu.memory_space<vmem>>
    %dma_wait3A_48 = arith.constant 0 : i32
    %dma_wait3A_49 = arith.constant 0 : i32
    %dma_wait3A_50 = tpu.memref_slice %arg4[%dma_wait3A_48, %dma_wait3A_49] : memref<8704x2048xf32, #tpu.memory_space<hbm>> -> memref<8704x2048xf32, #tpu.memory_space<hbm>>
    tpu.wait_indirect_dma semaphore(%arg13 : memref<!tpu.dma_semaphore, #tpu.memory_space<semaphore_mem>>) src(%arg7 : memref<16x2048xf32, #tpu.memory_space<vmem>>) dst(%dma_wait3A_50 : memref<8704x2048xf32, #tpu.memory_space<hbm>>)
    %add3A_51 = arith.constant 64 : i32
    %add3A_52 = arith.addi %mul3A_2, %add3A_51 : i32
    %dma_start3A_53 = arith.constant 0 : i32
    %dma_start3A_54 = tpu.memref_slice %arg2[%add3A_52, %dma_start3A_53] : memref<8192x2048xf32, #tpu.memory_space<hbm>> -> memref<16x2048xf32, #tpu.memory_space<hbm>>
    %dma_start3A_55 = arith.constant 0 : i32
    %dma_start3A_56 = tpu.memref_slice %arg2[%add3A_52, %dma_start3A_55] : memref<8192x2048xf32, #tpu.memory_space<hbm>> -> memref<16x2048xf32, #tpu.memory_space<hbm>>
    tpu.enqueue_dma source(%dma_start3A_56 : memref<16x2048xf32, #tpu.memory_space<hbm>>) target(%arg7 : memref<16x2048xf32, #tpu.memory_space<vmem>>) target_semaphore(%arg10 : memref<!tpu.dma_semaphore, #tpu.memory_space<semaphore_mem>>)
    %dma_wait3A_57 = arith.constant 0 : i32
    %dma_wait3A_58 = tpu.memref_slice %arg2[%add3A_13, %dma_wait3A_57] : memref<8192x2048xf32, #tpu.memory_space<hbm>> -> memref<16x2048xf32, #tpu.memory_space<hbm>>
    %dma_wait3A_59 = arith.constant 0 : i32
    %dma_wait3A_60 = tpu.memref_slice %arg2[%add3A_13, %dma_wait3A_59] : memref<8192x2048xf32, #tpu.memory_space<hbm>> -> memref<16x2048xf32, #tpu.memory_space<hbm>>
    tpu.wait_dma2 semaphore(%arg11 : memref<!tpu.dma_semaphore, #tpu.memory_space<semaphore_mem>>) src(%dma_wait3A_60 : memref<16x2048xf32, #tpu.memory_space<hbm>>) dst(%arg8 : memref<16x2048xf32, #tpu.memory_space<vmem>>)
    %dma_start3A_61 = arith.constant 32 : i32
    %dma_start3A_62 = tpu.memref_slice %arg5[%dma_start3A_61] : memref<256xi32, #tpu.memory_space<vmem>> -> memref<16xi32, #tpu.memory_space<vmem>>
    %dma_start3A_63 = arith.constant 0 : i32
    %dma_start3A_64 = arith.constant 0 : i32
    %dma_start3A_65 = tpu.memref_slice %arg4[%dma_start3A_63, %dma_start3A_64] : memref<8704x2048xf32, #tpu.memory_space<hbm>> -> memref<8704x2048xf32, #tpu.memory_space<hbm>>
    tpu.enqueue_indirect_dma source(%arg8 : memref<16x2048xf32, #tpu.memory_space<vmem>>) target(%dma_start3A_65 : memref<8704x2048xf32, #tpu.memory_space<hbm>>) offsets(%dma_start3A_62 : memref<16xi32, #tpu.memory_space<vmem>>) semaphore(%arg14 : memref<!tpu.dma_semaphore, #tpu.memory_space<semaphore_mem>>)
    %dma_wait3A_66 = arith.constant 32 : i32
    %dma_wait3A_67 = tpu.memref_slice %arg5[%dma_wait3A_66] : memref<256xi32, #tpu.memory_space<vmem>> -> memref<16xi32, #tpu.memory_space<vmem>>
    %dma_wait3A_68 = arith.constant 0 : i32
    %dma_wait3A_69 = arith.constant 0 : i32
    %dma_wait3A_70 = tpu.memref_slice %arg4[%dma_wait3A_68, %dma_wait3A_69] : memref<8704x2048xf32, #tpu.memory_space<hbm>> -> memref<8704x2048xf32, #tpu.memory_space<hbm>>
    tpu.wait_indirect_dma semaphore(%arg14 : memref<!tpu.dma_semaphore, #tpu.memory_space<semaphore_mem>>) src(%arg8 : memref<16x2048xf32, #tpu.memory_space<vmem>>) dst(%dma_wait3A_70 : memref<8704x2048xf32, #tpu.memory_space<hbm>>)
    %add3A_71 = arith.constant 80 : i32
    %add3A_72 = arith.addi %mul3A_2, %add3A_71 : i32
    %dma_start3A_73 = arith.constant 0 : i32
    %dma_start3A_74 = tpu.memref_slice %arg2[%add3A_72, %dma_start3A_73] : memref<8192x2048xf32, #tpu.memory_space<hbm>> -> memref<16x2048xf32, #tpu.memory_space<hbm>>
    %dma_start3A_75 = arith.constant 0 : i32
    %dma_start3A_76 = tpu.memref_slice %arg2[%add3A_72, %dma_start3A_75] : memref<8192x2048xf32, #tpu.memory_space<hbm>> -> memref<16x2048xf32, #tpu.memory_space<hbm>>
    tpu.enqueue_dma source(%dma_start3A_76 : memref<16x2048xf32, #tpu.memory_space<hbm>>) target(%arg8 : memref<16x2048xf32, #tpu.memory_space<vmem>>) target_semaphore(%arg11 : memref<!tpu.dma_semaphore, #tpu.memory_space<semaphore_mem>>)
    %dma_wait3A_77 = arith.constant 0 : i32
    %dma_wait3A_78 = tpu.memref_slice %arg2[%add3A_32, %dma_wait3A_77] : memref<8192x2048xf32, #tpu.memory_space<hbm>> -> memref<16x2048xf32, #tpu.memory_space<hbm>>
    %dma_wait3A_79 = arith.constant 0 : i32
    %dma_wait3A_80 = tpu.memref_slice %arg2[%add3A_32, %dma_wait3A_79] : memref<8192x2048xf32, #tpu.memory_space<hbm>> -> memref<16x2048xf32, #tpu.memory_space<hbm>>
    tpu.wait_dma2 semaphore(%arg9 : memref<!tpu.dma_semaphore, #tpu.memory_space<semaphore_mem>>) src(%dma_wait3A_80 : memref<16x2048xf32, #tpu.memory_space<hbm>>) dst(%arg6 : memref<16x2048xf32, #tpu.memory_space<vmem>>)
    %dma_start3A_81 = arith.constant 48 : i32
    %dma_start3A_82 = tpu.memref_slice %arg5[%dma_start3A_81] : memref<256xi32, #tpu.memory_space<vmem>> -> memref<16xi32, #tpu.memory_space<vmem>>
    %dma_start3A_83 = arith.constant 0 : i32
    %dma_start3A_84 = arith.constant 0 : i32
    %dma_start3A_85 = tpu.memref_slice %arg4[%dma_start3A_83, %dma_start3A_84] : memref<8704x2048xf32, #tpu.memory_space<hbm>> -> memref<8704x2048xf32, #tpu.memory_space<hbm>>
    tpu.enqueue_indirect_dma source(%arg6 : memref<16x2048xf32, #tpu.memory_space<vmem>>) target(%dma_start3A_85 : memref<8704x2048xf32, #tpu.memory_space<hbm>>) offsets(%dma_start3A_82 : memref<16xi32, #tpu.memory_space<vmem>>) semaphore(%arg12 : memref<!tpu.dma_semaphore, #tpu.memory_space<semaphore_mem>>)
    %dma_wait3A_86 = arith.constant 48 : i32
    %dma_wait3A_87 = tpu.memref_slice %arg5[%dma_wait3A_86] : memref<256xi32, #tpu.memory_space<vmem>> -> memref<16xi32, #tpu.memory_space<vmem>>
    %dma_wait3A_88 = arith.constant 0 : i32
    %dma_wait3A_89 = arith.constant 0 : i32
    %dma_wait3A_90 = tpu.memref_slice %arg4[%dma_wait3A_88, %dma_wait3A_89] : memref<8704x2048xf32, #tpu.memory_space<hbm>> -> memref<8704x2048xf32, #tpu.memory_space<hbm>>
    tpu.wait_indirect_dma semaphore(%arg12 : memref<!tpu.dma_semaphore, #tpu.memory_space<semaphore_mem>>) src(%arg6 : memref<16x2048xf32, #tpu.memory_space<vmem>>) dst(%dma_wait3A_90 : memref<8704x2048xf32, #tpu.memory_space<hbm>>)
    %add3A_91 = arith.constant 96 : i32
    %add3A_92 = arith.addi %mul3A_2, %add3A_91 : i32
    %dma_start3A_93 = arith.constant 0 : i32
    %dma_start3A_94 = tpu.memref_slice %arg2[%add3A_92, %dma_start3A_93] : memref<8192x2048xf32, #tpu.memory_space<hbm>> -> memref<16x2048xf32, #tpu.memory_space<hbm>>
    %dma_start3A_95 = arith.constant 0 : i32
    %dma_start3A_96 = tpu.memref_slice %arg2[%add3A_92, %dma_start3A_95] : memref<8192x2048xf32, #tpu.memory_space<hbm>> -> memref<16x2048xf32, #tpu.memory_space<hbm>>
    tpu.enqueue_dma source(%dma_start3A_96 : memref<16x2048xf32, #tpu.memory_space<hbm>>) target(%arg6 : memref<16x2048xf32, #tpu.memory_space<vmem>>) target_semaphore(%arg9 : memref<!tpu.dma_semaphore, #tpu.memory_space<semaphore_mem>>)
    %dma_wait3A_97 = arith.constant 0 : i32
    %dma_wait3A_98 = tpu.memref_slice %arg2[%add3A_52, %dma_wait3A_97] : memref<8192x2048xf32, #tpu.memory_space<hbm>> -> memref<16x2048xf32, #tpu.memory_space<hbm>>
    %dma_wait3A_99 = arith.constant 0 : i32
    %dma_wait3A_100 = tpu.memref_slice %arg2[%add3A_52, %dma_wait3A_99] : memref<8192x2048xf32, #tpu.memory_space<hbm>> -> memref<16x2048xf32, #tpu.memory_space<hbm>>
    tpu.wait_dma2 semaphore(%arg10 : memref<!tpu.dma_semaphore, #tpu.memory_space<semaphore_mem>>) src(%dma_wait3A_100 : memref<16x2048xf32, #tpu.memory_space<hbm>>) dst(%arg7 : memref<16x2048xf32, #tpu.memory_space<vmem>>)
    %dma_start3A_101 = arith.constant 64 : i32
    %dma_start3A_102 = tpu.memref_slice %arg5[%dma_start3A_101] : memref<256xi32, #tpu.memory_space<vmem>> -> memref<16xi32, #tpu.memory_space<vmem>>
    %dma_start3A_103 = arith.constant 0 : i32
    %dma_start3A_104 = arith.constant 0 : i32
    %dma_start3A_105 = tpu.memref_slice %arg4[%dma_start3A_103, %dma_start3A_104] : memref<8704x2048xf32, #tpu.memory_space<hbm>> -> memref<8704x2048xf32, #tpu.memory_space<hbm>>
    tpu.enqueue_indirect_dma source(%arg7 : memref<16x2048xf32, #tpu.memory_space<vmem>>) target(%dma_start3A_105 : memref<8704x2048xf32, #tpu.memory_space<hbm>>) offsets(%dma_start3A_102 : memref<16xi32, #tpu.memory_space<vmem>>) semaphore(%arg13 : memref<!tpu.dma_semaphore, #tpu.memory_space<semaphore_mem>>)
    %dma_wait3A_106 = arith.constant 64 : i32
    %dma_wait3A_107 = tpu.memref_slice %arg5[%dma_wait3A_106] : memref<256xi32, #tpu.memory_space<vmem>> -> memref<16xi32, #tpu.memory_space<vmem>>
    %dma_wait3A_108 = arith.constant 0 : i32
    %dma_wait3A_109 = arith.constant 0 : i32
    %dma_wait3A_110 = tpu.memref_slice %arg4[%dma_wait3A_108, %dma_wait3A_109] : memref<8704x2048xf32, #tpu.memory_space<hbm>> -> memref<8704x2048xf32, #tpu.memory_space<hbm>>
    tpu.wait_indirect_dma semaphore(%arg13 : memref<!tpu.dma_semaphore, #tpu.memory_space<semaphore_mem>>) src(%arg7 : memref<16x2048xf32, #tpu.memory_space<vmem>>) dst(%dma_wait3A_110 : memref<8704x2048xf32, #tpu.memory_space<hbm>>)
    %add3A_111 = arith.constant 112 : i32
    %add3A_112 = arith.addi %mul3A_2, %add3A_111 : i32
    %dma_start3A_113 = arith.constant 0 : i32
    %dma_start3A_114 = tpu.memref_slice %arg2[%add3A_112, %dma_start3A_113] : memref<8192x2048xf32, #tpu.memory_space<hbm>> -> memref<16x2048xf32, #tpu.memory_space<hbm>>
    %dma_start3A_115 = arith.constant 0 : i32
    %dma_start3A_116 = tpu.memref_slice %arg2[%add3A_112, %dma_start3A_115] : memref<8192x2048xf32, #tpu.memory_space<hbm>> -> memref<16x2048xf32, #tpu.memory_space<hbm>>
    tpu.enqueue_dma source(%dma_start3A_116 : memref<16x2048xf32, #tpu.memory_space<hbm>>) target(%arg7 : memref<16x2048xf32, #tpu.memory_space<vmem>>) target_semaphore(%arg10 : memref<!tpu.dma_semaphore, #tpu.memory_space<semaphore_mem>>)
    %dma_wait3A_117 = arith.constant 0 : i32
    %dma_wait3A_118 = tpu.memref_slice %arg2[%add3A_72, %dma_wait3A_117] : memref<8192x2048xf32, #tpu.memory_space<hbm>> -> memref<16x2048xf32, #tpu.memory_space<hbm>>
    %dma_wait3A_119 = arith.constant 0 : i32
    %dma_wait3A_120 = tpu.memref_slice %arg2[%add3A_72, %dma_wait3A_119] : memref<8192x2048xf32, #tpu.memory_space<hbm>> -> memref<16x2048xf32, #tpu.memory_space<hbm>>
    tpu.wait_dma2 semaphore(%arg11 : memref<!tpu.dma_semaphore, #tpu.memory_space<semaphore_mem>>) src(%dma_wait3A_120 : memref<16x2048xf32, #tpu.memory_space<hbm>>) dst(%arg8 : memref<16x2048xf32, #tpu.memory_space<vmem>>)
    %dma_start3A_121 = arith.constant 80 : i32
    %dma_start3A_122 = tpu.memref_slice %arg5[%dma_start3A_121] : memref<256xi32, #tpu.memory_space<vmem>> -> memref<16xi32, #tpu.memory_space<vmem>>
    %dma_start3A_123 = arith.constant 0 : i32
    %dma_start3A_124 = arith.constant 0 : i32
    %dma_start3A_125 = tpu.memref_slice %arg4[%dma_start3A_123, %dma_start3A_124] : memref<8704x2048xf32, #tpu.memory_space<hbm>> -> memref<8704x2048xf32, #tpu.memory_space<hbm>>
    tpu.enqueue_indirect_dma source(%arg8 : memref<16x2048xf32, #tpu.memory_space<vmem>>) target(%dma_start3A_125 : memref<8704x2048xf32, #tpu.memory_space<hbm>>) offsets(%dma_start3A_122 : memref<16xi32, #tpu.memory_space<vmem>>) semaphore(%arg14 : memref<!tpu.dma_semaphore, #tpu.memory_space<semaphore_mem>>)
    %dma_wait3A_126 = arith.constant 80 : i32
    %dma_wait3A_127 = tpu.memref_slice %arg5[%dma_wait3A_126] : memref<256xi32, #tpu.memory_space<vmem>> -> memref<16xi32, #tpu.memory_space<vmem>>
    %dma_wait3A_128 = arith.constant 0 : i32
    %dma_wait3A_129 = arith.constant 0 : i32
    %dma_wait3A_130 = tpu.memref_slice %arg4[%dma_wait3A_128, %dma_wait3A_129] : memref<8704x2048xf32, #tpu.memory_space<hbm>> -> memref<8704x2048xf32, #tpu.memory_space<hbm>>
    tpu.wait_indirect_dma semaphore(%arg14 : memref<!tpu.dma_semaphore, #tpu.memory_space<semaphore_mem>>) src(%arg8 : memref<16x2048xf32, #tpu.memory_space<vmem>>) dst(%dma_wait3A_130 : memref<8704x2048xf32, #tpu.memory_space<hbm>>)
    %add3A_131 = arith.constant 128 : i32
    %add3A_132 = arith.addi %mul3A_2, %add3A_131 : i32
    %dma_start3A_133 = arith.constant 0 : i32
    %dma_start3A_134 = tpu.memref_slice %arg2[%add3A_132, %dma_start3A_133] : memref<8192x2048xf32, #tpu.memory_space<hbm>> -> memref<16x2048xf32, #tpu.memory_space<hbm>>
    %dma_start3A_135 = arith.constant 0 : i32
    %dma_start3A_136 = tpu.memref_slice %arg2[%add3A_132, %dma_start3A_135] : memref<8192x2048xf32, #tpu.memory_space<hbm>> -> memref<16x2048xf32, #tpu.memory_space<hbm>>
    tpu.enqueue_dma source(%dma_start3A_136 : memref<16x2048xf32, #tpu.memory_space<hbm>>) target(%arg8 : memref<16x2048xf32, #tpu.memory_space<vmem>>) target_semaphore(%arg11 : memref<!tpu.dma_semaphore, #tpu.memory_space<semaphore_mem>>)
    %dma_wait3A_137 = arith.constant 0 : i32
    %dma_wait3A_138 = tpu.memref_slice %arg2[%add3A_92, %dma_wait3A_137] : memref<8192x2048xf32, #tpu.memory_space<hbm>> -> memref<16x2048xf32, #tpu.memory_space<hbm>>
    %dma_wait3A_139 = arith.constant 0 : i32
    %dma_wait3A_140 = tpu.memref_slice %arg2[%add3A_92, %dma_wait3A_139] : memref<8192x2048xf32, #tpu.memory_space<hbm>> -> memref<16x2048xf32, #tpu.memory_space<hbm>>
    tpu.wait_dma2 semaphore(%arg9 : memref<!tpu.dma_semaphore, #tpu.memory_space<semaphore_mem>>) src(%dma_wait3A_140 : memref<16x2048xf32, #tpu.memory_space<hbm>>) dst(%arg6 : memref<16x2048xf32, #tpu.memory_space<vmem>>)
    %dma_start3A_141 = arith.constant 96 : i32
    %dma_start3A_142 = tpu.memref_slice %arg5[%dma_start3A_141] : memref<256xi32, #tpu.memory_space<vmem>> -> memref<16xi32, #tpu.memory_space<vmem>>
    %dma_start3A_143 = arith.constant 0 : i32
    %dma_start3A_144 = arith.constant 0 : i32
    %dma_start3A_145 = tpu.memref_slice %arg4[%dma_start3A_143, %dma_start3A_144] : memref<8704x2048xf32, #tpu.memory_space<hbm>> -> memref<8704x2048xf32, #tpu.memory_space<hbm>>
    tpu.enqueue_indirect_dma source(%arg6 : memref<16x2048xf32, #tpu.memory_space<vmem>>) target(%dma_start3A_145 : memref<8704x2048xf32, #tpu.memory_space<hbm>>) offsets(%dma_start3A_142 : memref<16xi32, #tpu.memory_space<vmem>>) semaphore(%arg12 : memref<!tpu.dma_semaphore, #tpu.memory_space<semaphore_mem>>)
    %dma_wait3A_146 = arith.constant 96 : i32
    %dma_wait3A_147 = tpu.memref_slice %arg5[%dma_wait3A_146] : memref<256xi32, #tpu.memory_space<vmem>> -> memref<16xi32, #tpu.memory_space<vmem>>
    %dma_wait3A_148 = arith.constant 0 : i32
    %dma_wait3A_149 = arith.constant 0 : i32
    %dma_wait3A_150 = tpu.memref_slice %arg4[%dma_wait3A_148, %dma_wait3A_149] : memref<8704x2048xf32, #tpu.memory_space<hbm>> -> memref<8704x2048xf32, #tpu.memory_space<hbm>>
    tpu.wait_indirect_dma semaphore(%arg12 : memref<!tpu.dma_semaphore, #tpu.memory_space<semaphore_mem>>) src(%arg6 : memref<16x2048xf32, #tpu.memory_space<vmem>>) dst(%dma_wait3A_150 : memref<8704x2048xf32, #tpu.memory_space<hbm>>)
    %add3A_151 = arith.constant 144 : i32
    %add3A_152 = arith.addi %mul3A_2, %add3A_151 : i32
    %dma_start3A_153 = arith.constant 0 : i32
    %dma_start3A_154 = tpu.memref_slice %arg2[%add3A_152, %dma_start3A_153] : memref<8192x2048xf32, #tpu.memory_space<hbm>> -> memref<16x2048xf32, #tpu.memory_space<hbm>>
    %dma_start3A_155 = arith.constant 0 : i32
    %dma_start3A_156 = tpu.memref_slice %arg2[%add3A_152, %dma_start3A_155] : memref<8192x2048xf32, #tpu.memory_space<hbm>> -> memref<16x2048xf32, #tpu.memory_space<hbm>>
    tpu.enqueue_dma source(%dma_start3A_156 : memref<16x2048xf32, #tpu.memory_space<hbm>>) target(%arg6 : memref<16x2048xf32, #tpu.memory_space<vmem>>) target_semaphore(%arg9 : memref<!tpu.dma_semaphore, #tpu.memory_space<semaphore_mem>>)
    %dma_wait3A_157 = arith.constant 0 : i32
    %dma_wait3A_158 = tpu.memref_slice %arg2[%add3A_112, %dma_wait3A_157] : memref<8192x2048xf32, #tpu.memory_space<hbm>> -> memref<16x2048xf32, #tpu.memory_space<hbm>>
    %dma_wait3A_159 = arith.constant 0 : i32
    %dma_wait3A_160 = tpu.memref_slice %arg2[%add3A_112, %dma_wait3A_159] : memref<8192x2048xf32, #tpu.memory_space<hbm>> -> memref<16x2048xf32, #tpu.memory_space<hbm>>
    tpu.wait_dma2 semaphore(%arg10 : memref<!tpu.dma_semaphore, #tpu.memory_space<semaphore_mem>>) src(%dma_wait3A_160 : memref<16x2048xf32, #tpu.memory_space<hbm>>) dst(%arg7 : memref<16x2048xf32, #tpu.memory_space<vmem>>)
    %dma_start3A_161 = arith.constant 112 : i32
    %dma_start3A_162 = tpu.memref_slice %arg5[%dma_start3A_161] : memref<256xi32, #tpu.memory_space<vmem>> -> memref<16xi32, #tpu.memory_space<vmem>>
    %dma_start3A_163 = arith.constant 0 : i32
    %dma_start3A_164 = arith.constant 0 : i32
    %dma_start3A_165 = tpu.memref_slice %arg4[%dma_start3A_163, %dma_start3A_164] : memref<8704x2048xf32, #tpu.memory_space<hbm>> -> memref<8704x2048xf32, #tpu.memory_space<hbm>>
    tpu.enqueue_indirect_dma source(%arg7 : memref<16x2048xf32, #tpu.memory_space<vmem>>) target(%dma_start3A_165 : memref<8704x2048xf32, #tpu.memory_space<hbm>>) offsets(%dma_start3A_162 : memref<16xi32, #tpu.memory_space<vmem>>) semaphore(%arg13 : memref<!tpu.dma_semaphore, #tpu.memory_space<semaphore_mem>>)
    %dma_wait3A_166 = arith.constant 112 : i32
    %dma_wait3A_167 = tpu.memref_slice %arg5[%dma_wait3A_166] : memref<256xi32, #tpu.memory_space<vmem>> -> memref<16xi32, #tpu.memory_space<vmem>>
    %dma_wait3A_168 = arith.constant 0 : i32
    %dma_wait3A_169 = arith.constant 0 : i32
    %dma_wait3A_170 = tpu.memref_slice %arg4[%dma_wait3A_168, %dma_wait3A_169] : memref<8704x2048xf32, #tpu.memory_space<hbm>> -> memref<8704x2048xf32, #tpu.memory_space<hbm>>
    tpu.wait_indirect_dma semaphore(%arg13 : memref<!tpu.dma_semaphore, #tpu.memory_space<semaphore_mem>>) src(%arg7 : memref<16x2048xf32, #tpu.memory_space<vmem>>) dst(%dma_wait3A_170 : memref<8704x2048xf32, #tpu.memory_space<hbm>>)
    %add3A_171 = arith.constant 160 : i32
    %add3A_172 = arith.addi %mul3A_2, %add3A_171 : i32
    %dma_start3A_173 = arith.constant 0 : i32
    %dma_start3A_174 = tpu.memref_slice %arg2[%add3A_172, %dma_start3A_173] : memref<8192x2048xf32, #tpu.memory_space<hbm>> -> memref<16x2048xf32, #tpu.memory_space<hbm>>
    %dma_start3A_175 = arith.constant 0 : i32
    %dma_start3A_176 = tpu.memref_slice %arg2[%add3A_172, %dma_start3A_175] : memref<8192x2048xf32, #tpu.memory_space<hbm>> -> memref<16x2048xf32, #tpu.memory_space<hbm>>
    tpu.enqueue_dma source(%dma_start3A_176 : memref<16x2048xf32, #tpu.memory_space<hbm>>) target(%arg7 : memref<16x2048xf32, #tpu.memory_space<vmem>>) target_semaphore(%arg10 : memref<!tpu.dma_semaphore, #tpu.memory_space<semaphore_mem>>)
    %dma_wait3A_177 = arith.constant 0 : i32
    %dma_wait3A_178 = tpu.memref_slice %arg2[%add3A_132, %dma_wait3A_177] : memref<8192x2048xf32, #tpu.memory_space<hbm>> -> memref<16x2048xf32, #tpu.memory_space<hbm>>
    %dma_wait3A_179 = arith.constant 0 : i32
    %dma_wait3A_180 = tpu.memref_slice %arg2[%add3A_132, %dma_wait3A_179] : memref<8192x2048xf32, #tpu.memory_space<hbm>> -> memref<16x2048xf32, #tpu.memory_space<hbm>>
    tpu.wait_dma2 semaphore(%arg11 : memref<!tpu.dma_semaphore, #tpu.memory_space<semaphore_mem>>) src(%dma_wait3A_180 : memref<16x2048xf32, #tpu.memory_space<hbm>>) dst(%arg8 : memref<16x2048xf32, #tpu.memory_space<vmem>>)
    %dma_start3A_181 = arith.constant 128 : i32
    %dma_start3A_182 = tpu.memref_slice %arg5[%dma_start3A_181] : memref<256xi32, #tpu.memory_space<vmem>> -> memref<16xi32, #tpu.memory_space<vmem>>
    %dma_start3A_183 = arith.constant 0 : i32
    %dma_start3A_184 = arith.constant 0 : i32
    %dma_start3A_185 = tpu.memref_slice %arg4[%dma_start3A_183, %dma_start3A_184] : memref<8704x2048xf32, #tpu.memory_space<hbm>> -> memref<8704x2048xf32, #tpu.memory_space<hbm>>
    tpu.enqueue_indirect_dma source(%arg8 : memref<16x2048xf32, #tpu.memory_space<vmem>>) target(%dma_start3A_185 : memref<8704x2048xf32, #tpu.memory_space<hbm>>) offsets(%dma_start3A_182 : memref<16xi32, #tpu.memory_space<vmem>>) semaphore(%arg14 : memref<!tpu.dma_semaphore, #tpu.memory_space<semaphore_mem>>)
    %dma_wait3A_186 = arith.constant 128 : i32
    %dma_wait3A_187 = tpu.memref_slice %arg5[%dma_wait3A_186] : memref<256xi32, #tpu.memory_space<vmem>> -> memref<16xi32, #tpu.memory_space<vmem>>
    %dma_wait3A_188 = arith.constant 0 : i32
    %dma_wait3A_189 = arith.constant 0 : i32
    %dma_wait3A_190 = tpu.memref_slice %arg4[%dma_wait3A_188, %dma_wait3A_189] : memref<8704x2048xf32, #tpu.memory_space<hbm>> -> memref<8704x2048xf32, #tpu.memory_space<hbm>>
    tpu.wait_indirect_dma semaphore(%arg14 : memref<!tpu.dma_semaphore, #tpu.memory_space<semaphore_mem>>) src(%arg8 : memref<16x2048xf32, #tpu.memory_space<vmem>>) dst(%dma_wait3A_190 : memref<8704x2048xf32, #tpu.memory_space<hbm>>)
    %add3A_191 = arith.constant 176 : i32
    %add3A_192 = arith.addi %mul3A_2, %add3A_191 : i32
    %dma_start3A_193 = arith.constant 0 : i32
    %dma_start3A_194 = tpu.memref_slice %arg2[%add3A_192, %dma_start3A_193] : memref<8192x2048xf32, #tpu.memory_space<hbm>> -> memref<16x2048xf32, #tpu.memory_space<hbm>>
    %dma_start3A_195 = arith.constant 0 : i32
    %dma_start3A_196 = tpu.memref_slice %arg2[%add3A_192, %dma_start3A_195] : memref<8192x2048xf32, #tpu.memory_space<hbm>> -> memref<16x2048xf32, #tpu.memory_space<hbm>>
    tpu.enqueue_dma source(%dma_start3A_196 : memref<16x2048xf32, #tpu.memory_space<hbm>>) target(%arg8 : memref<16x2048xf32, #tpu.memory_space<vmem>>) target_semaphore(%arg11 : memref<!tpu.dma_semaphore, #tpu.memory_space<semaphore_mem>>)
    %dma_wait3A_197 = arith.constant 0 : i32
    %dma_wait3A_198 = tpu.memref_slice %arg2[%add3A_152, %dma_wait3A_197] : memref<8192x2048xf32, #tpu.memory_space<hbm>> -> memref<16x2048xf32, #tpu.memory_space<hbm>>
    %dma_wait3A_199 = arith.constant 0 : i32
    %dma_wait3A_200 = tpu.memref_slice %arg2[%add3A_152, %dma_wait3A_199] : memref<8192x2048xf32, #tpu.memory_space<hbm>> -> memref<16x2048xf32, #tpu.memory_space<hbm>>
    tpu.wait_dma2 semaphore(%arg9 : memref<!tpu.dma_semaphore, #tpu.memory_space<semaphore_mem>>) src(%dma_wait3A_200 : memref<16x2048xf32, #tpu.memory_space<hbm>>) dst(%arg6 : memref<16x2048xf32, #tpu.memory_space<vmem>>)
    %dma_start3A_201 = arith.constant 144 : i32
    %dma_start3A_202 = tpu.memref_slice %arg5[%dma_start3A_201] : memref<256xi32, #tpu.memory_space<vmem>> -> memref<16xi32, #tpu.memory_space<vmem>>
    %dma_start3A_203 = arith.constant 0 : i32
    %dma_start3A_204 = arith.constant 0 : i32
    %dma_start3A_205 = tpu.memref_slice %arg4[%dma_start3A_203, %dma_start3A_204] : memref<8704x2048xf32, #tpu.memory_space<hbm>> -> memref<8704x2048xf32, #tpu.memory_space<hbm>>
    tpu.enqueue_indirect_dma source(%arg6 : memref<16x2048xf32, #tpu.memory_space<vmem>>) target(%dma_start3A_205 : memref<8704x2048xf32, #tpu.memory_space<hbm>>) offsets(%dma_start3A_202 : memref<16xi32, #tpu.memory_space<vmem>>) semaphore(%arg12 : memref<!tpu.dma_semaphore, #tpu.memory_space<semaphore_mem>>)
    %dma_wait3A_206 = arith.constant 144 : i32
    %dma_wait3A_207 = tpu.memref_slice %arg5[%dma_wait3A_206] : memref<256xi32, #tpu.memory_space<vmem>> -> memref<16xi32, #tpu.memory_space<vmem>>
    %dma_wait3A_208 = arith.constant 0 : i32
    %dma_wait3A_209 = arith.constant 0 : i32
    %dma_wait3A_210 = tpu.memref_slice %arg4[%dma_wait3A_208, %dma_wait3A_209] : memref<8704x2048xf32, #tpu.memory_space<hbm>> -> memref<8704x2048xf32, #tpu.memory_space<hbm>>
    tpu.wait_indirect_dma semaphore(%arg12 : memref<!tpu.dma_semaphore, #tpu.memory_space<semaphore_mem>>) src(%arg6 : memref<16x2048xf32, #tpu.memory_space<vmem>>) dst(%dma_wait3A_210 : memref<8704x2048xf32, #tpu.memory_space<hbm>>)
    %add3A_211 = arith.constant 192 : i32
    %add3A_212 = arith.addi %mul3A_2, %add3A_211 : i32
    %dma_start3A_213 = arith.constant 0 : i32
    %dma_start3A_214 = tpu.memref_slice %arg2[%add3A_212, %dma_start3A_213] : memref<8192x2048xf32, #tpu.memory_space<hbm>> -> memref<16x2048xf32, #tpu.memory_space<hbm>>
    %dma_start3A_215 = arith.constant 0 : i32
    %dma_start3A_216 = tpu.memref_slice %arg2[%add3A_212, %dma_start3A_215] : memref<8192x2048xf32, #tpu.memory_space<hbm>> -> memref<16x2048xf32, #tpu.memory_space<hbm>>
    tpu.enqueue_dma source(%dma_start3A_216 : memref<16x2048xf32, #tpu.memory_space<hbm>>) target(%arg6 : memref<16x2048xf32, #tpu.memory_space<vmem>>) target_semaphore(%arg9 : memref<!tpu.dma_semaphore, #tpu.memory_space<semaphore_mem>>)
    %dma_wait3A_217 = arith.constant 0 : i32
    %dma_wait3A_218 = tpu.memref_slice %arg2[%add3A_172, %dma_wait3A_217] : memref<8192x2048xf32, #tpu.memory_space<hbm>> -> memref<16x2048xf32, #tpu.memory_space<hbm>>
    %dma_wait3A_219 = arith.constant 0 : i32
    %dma_wait3A_220 = tpu.memref_slice %arg2[%add3A_172, %dma_wait3A_219] : memref<8192x2048xf32, #tpu.memory_space<hbm>> -> memref<16x2048xf32, #tpu.memory_space<hbm>>
    tpu.wait_dma2 semaphore(%arg10 : memref<!tpu.dma_semaphore, #tpu.memory_space<semaphore_mem>>) src(%dma_wait3A_220 : memref<16x2048xf32, #tpu.memory_space<hbm>>) dst(%arg7 : memref<16x2048xf32, #tpu.memory_space<vmem>>)
    %dma_start3A_221 = arith.constant 160 : i32
    %dma_start3A_222 = tpu.memref_slice %arg5[%dma_start3A_221] : memref<256xi32, #tpu.memory_space<vmem>> -> memref<16xi32, #tpu.memory_space<vmem>>
    %dma_start3A_223 = arith.constant 0 : i32
    %dma_start3A_224 = arith.constant 0 : i32
    %dma_start3A_225 = tpu.memref_slice %arg4[%dma_start3A_223, %dma_start3A_224] : memref<8704x2048xf32, #tpu.memory_space<hbm>> -> memref<8704x2048xf32, #tpu.memory_space<hbm>>
    tpu.enqueue_indirect_dma source(%arg7 : memref<16x2048xf32, #tpu.memory_space<vmem>>) target(%dma_start3A_225 : memref<8704x2048xf32, #tpu.memory_space<hbm>>) offsets(%dma_start3A_222 : memref<16xi32, #tpu.memory_space<vmem>>) semaphore(%arg13 : memref<!tpu.dma_semaphore, #tpu.memory_space<semaphore_mem>>)
    %dma_wait3A_226 = arith.constant 160 : i32
    %dma_wait3A_227 = tpu.memref_slice %arg5[%dma_wait3A_226] : memref<256xi32, #tpu.memory_space<vmem>> -> memref<16xi32, #tpu.memory_space<vmem>>
    %dma_wait3A_228 = arith.constant 0 : i32
    %dma_wait3A_229 = arith.constant 0 : i32
    %dma_wait3A_230 = tpu.memref_slice %arg4[%dma_wait3A_228, %dma_wait3A_229] : memref<8704x2048xf32, #tpu.memory_space<hbm>> -> memref<8704x2048xf32, #tpu.memory_space<hbm>>
    tpu.wait_indirect_dma semaphore(%arg13 : memref<!tpu.dma_semaphore, #tpu.memory_space<semaphore_mem>>) src(%arg7 : memref<16x2048xf32, #tpu.memory_space<vmem>>) dst(%dma_wait3A_230 : memref<8704x2048xf32, #tpu.memory_space<hbm>>)
    %add3A_231 = arith.constant 208 : i32
    %add3A_232 = arith.addi %mul3A_2, %add3A_231 : i32
    %dma_start3A_233 = arith.constant 0 : i32
    %dma_start3A_234 = tpu.memref_slice %arg2[%add3A_232, %dma_start3A_233] : memref<8192x2048xf32, #tpu.memory_space<hbm>> -> memref<16x2048xf32, #tpu.memory_space<hbm>>
    %dma_start3A_235 = arith.constant 0 : i32
    %dma_start3A_236 = tpu.memref_slice %arg2[%add3A_232, %dma_start3A_235] : memref<8192x2048xf32, #tpu.memory_space<hbm>> -> memref<16x2048xf32, #tpu.memory_space<hbm>>
    tpu.enqueue_dma source(%dma_start3A_236 : memref<16x2048xf32, #tpu.memory_space<hbm>>) target(%arg7 : memref<16x2048xf32, #tpu.memory_space<vmem>>) target_semaphore(%arg10 : memref<!tpu.dma_semaphore, #tpu.memory_space<semaphore_mem>>)
    %dma_wait3A_237 = arith.constant 0 : i32
    %dma_wait3A_238 = tpu.memref_slice %arg2[%add3A_192, %dma_wait3A_237] : memref<8192x2048xf32, #tpu.memory_space<hbm>> -> memref<16x2048xf32, #tpu.memory_space<hbm>>
    %dma_wait3A_239 = arith.constant 0 : i32
    %dma_wait3A_240 = tpu.memref_slice %arg2[%add3A_192, %dma_wait3A_239] : memref<8192x2048xf32, #tpu.memory_space<hbm>> -> memref<16x2048xf32, #tpu.memory_space<hbm>>
    tpu.wait_dma2 semaphore(%arg11 : memref<!tpu.dma_semaphore, #tpu.memory_space<semaphore_mem>>) src(%dma_wait3A_240 : memref<16x2048xf32, #tpu.memory_space<hbm>>) dst(%arg8 : memref<16x2048xf32, #tpu.memory_space<vmem>>)
    %dma_start3A_241 = arith.constant 176 : i32
    %dma_start3A_242 = tpu.memref_slice %arg5[%dma_start3A_241] : memref<256xi32, #tpu.memory_space<vmem>> -> memref<16xi32, #tpu.memory_space<vmem>>
    %dma_start3A_243 = arith.constant 0 : i32
    %dma_start3A_244 = arith.constant 0 : i32
    %dma_start3A_245 = tpu.memref_slice %arg4[%dma_start3A_243, %dma_start3A_244] : memref<8704x2048xf32, #tpu.memory_space<hbm>> -> memref<8704x2048xf32, #tpu.memory_space<hbm>>
    tpu.enqueue_indirect_dma source(%arg8 : memref<16x2048xf32, #tpu.memory_space<vmem>>) target(%dma_start3A_245 : memref<8704x2048xf32, #tpu.memory_space<hbm>>) offsets(%dma_start3A_242 : memref<16xi32, #tpu.memory_space<vmem>>) semaphore(%arg14 : memref<!tpu.dma_semaphore, #tpu.memory_space<semaphore_mem>>)
    %dma_wait3A_246 = arith.constant 176 : i32
    %dma_wait3A_247 = tpu.memref_slice %arg5[%dma_wait3A_246] : memref<256xi32, #tpu.memory_space<vmem>> -> memref<16xi32, #tpu.memory_space<vmem>>
    %dma_wait3A_248 = arith.constant 0 : i32
    %dma_wait3A_249 = arith.constant 0 : i32
    %dma_wait3A_250 = tpu.memref_slice %arg4[%dma_wait3A_248, %dma_wait3A_249] : memref<8704x2048xf32, #tpu.memory_space<hbm>> -> memref<8704x2048xf32, #tpu.memory_space<hbm>>
    tpu.wait_indirect_dma semaphore(%arg14 : memref<!tpu.dma_semaphore, #tpu.memory_space<semaphore_mem>>) src(%arg8 : memref<16x2048xf32, #tpu.memory_space<vmem>>) dst(%dma_wait3A_250 : memref<8704x2048xf32, #tpu.memory_space<hbm>>)
    %add3A_251 = arith.constant 224 : i32
    %add3A_252 = arith.addi %mul3A_2, %add3A_251 : i32
    %dma_start3A_253 = arith.constant 0 : i32
    %dma_start3A_254 = tpu.memref_slice %arg2[%add3A_252, %dma_start3A_253] : memref<8192x2048xf32, #tpu.memory_space<hbm>> -> memref<16x2048xf32, #tpu.memory_space<hbm>>
    %dma_start3A_255 = arith.constant 0 : i32
    %dma_start3A_256 = tpu.memref_slice %arg2[%add3A_252, %dma_start3A_255] : memref<8192x2048xf32, #tpu.memory_space<hbm>> -> memref<16x2048xf32, #tpu.memory_space<hbm>>
    tpu.enqueue_dma source(%dma_start3A_256 : memref<16x2048xf32, #tpu.memory_space<hbm>>) target(%arg8 : memref<16x2048xf32, #tpu.memory_space<vmem>>) target_semaphore(%arg11 : memref<!tpu.dma_semaphore, #tpu.memory_space<semaphore_mem>>)
    %dma_wait3A_257 = arith.constant 0 : i32
    %dma_wait3A_258 = tpu.memref_slice %arg2[%add3A_212, %dma_wait3A_257] : memref<8192x2048xf32, #tpu.memory_space<hbm>> -> memref<16x2048xf32, #tpu.memory_space<hbm>>
    %dma_wait3A_259 = arith.constant 0 : i32
    %dma_wait3A_260 = tpu.memref_slice %arg2[%add3A_212, %dma_wait3A_259] : memref<8192x2048xf32, #tpu.memory_space<hbm>> -> memref<16x2048xf32, #tpu.memory_space<hbm>>
    tpu.wait_dma2 semaphore(%arg9 : memref<!tpu.dma_semaphore, #tpu.memory_space<semaphore_mem>>) src(%dma_wait3A_260 : memref<16x2048xf32, #tpu.memory_space<hbm>>) dst(%arg6 : memref<16x2048xf32, #tpu.memory_space<vmem>>)
    %dma_start3A_261 = arith.constant 192 : i32
    %dma_start3A_262 = tpu.memref_slice %arg5[%dma_start3A_261] : memref<256xi32, #tpu.memory_space<vmem>> -> memref<16xi32, #tpu.memory_space<vmem>>
    %dma_start3A_263 = arith.constant 0 : i32
    %dma_start3A_264 = arith.constant 0 : i32
    %dma_start3A_265 = tpu.memref_slice %arg4[%dma_start3A_263, %dma_start3A_264] : memref<8704x2048xf32, #tpu.memory_space<hbm>> -> memref<8704x2048xf32, #tpu.memory_space<hbm>>
    tpu.enqueue_indirect_dma source(%arg6 : memref<16x2048xf32, #tpu.memory_space<vmem>>) target(%dma_start3A_265 : memref<8704x2048xf32, #tpu.memory_space<hbm>>) offsets(%dma_start3A_262 : memref<16xi32, #tpu.memory_space<vmem>>) semaphore(%arg12 : memref<!tpu.dma_semaphore, #tpu.memory_space<semaphore_mem>>)
    %dma_wait3A_266 = arith.constant 192 : i32
    %dma_wait3A_267 = tpu.memref_slice %arg5[%dma_wait3A_266] : memref<256xi32, #tpu.memory_space<vmem>> -> memref<16xi32, #tpu.memory_space<vmem>>
    %dma_wait3A_268 = arith.constant 0 : i32
    %dma_wait3A_269 = arith.constant 0 : i32
    %dma_wait3A_270 = tpu.memref_slice %arg4[%dma_wait3A_268, %dma_wait3A_269] : memref<8704x2048xf32, #tpu.memory_space<hbm>> -> memref<8704x2048xf32, #tpu.memory_space<hbm>>
    tpu.wait_indirect_dma semaphore(%arg12 : memref<!tpu.dma_semaphore, #tpu.memory_space<semaphore_mem>>) src(%arg6 : memref<16x2048xf32, #tpu.memory_space<vmem>>) dst(%dma_wait3A_270 : memref<8704x2048xf32, #tpu.memory_space<hbm>>)
    %add3A_271 = arith.constant 240 : i32
    %add3A_272 = arith.addi %mul3A_2, %add3A_271 : i32
    %dma_start3A_273 = arith.constant 0 : i32
    %dma_start3A_274 = tpu.memref_slice %arg2[%add3A_272, %dma_start3A_273] : memref<8192x2048xf32, #tpu.memory_space<hbm>> -> memref<16x2048xf32, #tpu.memory_space<hbm>>
    %dma_start3A_275 = arith.constant 0 : i32
    %dma_start3A_276 = tpu.memref_slice %arg2[%add3A_272, %dma_start3A_275] : memref<8192x2048xf32, #tpu.memory_space<hbm>> -> memref<16x2048xf32, #tpu.memory_space<hbm>>
    tpu.enqueue_dma source(%dma_start3A_276 : memref<16x2048xf32, #tpu.memory_space<hbm>>) target(%arg6 : memref<16x2048xf32, #tpu.memory_space<vmem>>) target_semaphore(%arg9 : memref<!tpu.dma_semaphore, #tpu.memory_space<semaphore_mem>>)
    %dma_wait3A_277 = arith.constant 0 : i32
    %dma_wait3A_278 = tpu.memref_slice %arg2[%add3A_232, %dma_wait3A_277] : memref<8192x2048xf32, #tpu.memory_space<hbm>> -> memref<16x2048xf32, #tpu.memory_space<hbm>>
    %dma_wait3A_279 = arith.constant 0 : i32
    %dma_wait3A_280 = tpu.memref_slice %arg2[%add3A_232, %dma_wait3A_279] : memref<8192x2048xf32, #tpu.memory_space<hbm>> -> memref<16x2048xf32, #tpu.memory_space<hbm>>
    tpu.wait_dma2 semaphore(%arg10 : memref<!tpu.dma_semaphore, #tpu.memory_space<semaphore_mem>>) src(%dma_wait3A_280 : memref<16x2048xf32, #tpu.memory_space<hbm>>) dst(%arg7 : memref<16x2048xf32, #tpu.memory_space<vmem>>)
    %dma_start3A_281 = arith.constant 208 : i32
    %dma_start3A_282 = tpu.memref_slice %arg5[%dma_start3A_281] : memref<256xi32, #tpu.memory_space<vmem>> -> memref<16xi32, #tpu.memory_space<vmem>>
    %dma_start3A_283 = arith.constant 0 : i32
    %dma_start3A_284 = arith.constant 0 : i32
    %dma_start3A_285 = tpu.memref_slice %arg4[%dma_start3A_283, %dma_start3A_284] : memref<8704x2048xf32, #tpu.memory_space<hbm>> -> memref<8704x2048xf32, #tpu.memory_space<hbm>>
    tpu.enqueue_indirect_dma source(%arg7 : memref<16x2048xf32, #tpu.memory_space<vmem>>) target(%dma_start3A_285 : memref<8704x2048xf32, #tpu.memory_space<hbm>>) offsets(%dma_start3A_282 : memref<16xi32, #tpu.memory_space<vmem>>) semaphore(%arg13 : memref<!tpu.dma_semaphore, #tpu.memory_space<semaphore_mem>>)
    %dma_wait3A_286 = arith.constant 0 : i32
    %dma_wait3A_287 = tpu.memref_slice %arg2[%add3A_252, %dma_wait3A_286] : memref<8192x2048xf32, #tpu.memory_space<hbm>> -> memref<16x2048xf32, #tpu.memory_space<hbm>>
    %dma_wait3A_288 = arith.constant 0 : i32
    %dma_wait3A_289 = tpu.memref_slice %arg2[%add3A_252, %dma_wait3A_288] : memref<8192x2048xf32, #tpu.memory_space<hbm>> -> memref<16x2048xf32, #tpu.memory_space<hbm>>
    tpu.wait_dma2 semaphore(%arg11 : memref<!tpu.dma_semaphore, #tpu.memory_space<semaphore_mem>>) src(%dma_wait3A_289 : memref<16x2048xf32, #tpu.memory_space<hbm>>) dst(%arg8 : memref<16x2048xf32, #tpu.memory_space<vmem>>)
    %dma_start3A_290 = arith.constant 224 : i32
    %dma_start3A_291 = tpu.memref_slice %arg5[%dma_start3A_290] : memref<256xi32, #tpu.memory_space<vmem>> -> memref<16xi32, #tpu.memory_space<vmem>>
    %dma_start3A_292 = arith.constant 0 : i32
    %dma_start3A_293 = arith.constant 0 : i32
    %dma_start3A_294 = tpu.memref_slice %arg4[%dma_start3A_292, %dma_start3A_293] : memref<8704x2048xf32, #tpu.memory_space<hbm>> -> memref<8704x2048xf32, #tpu.memory_space<hbm>>
    tpu.enqueue_indirect_dma source(%arg8 : memref<16x2048xf32, #tpu.memory_space<vmem>>) target(%dma_start3A_294 : memref<8704x2048xf32, #tpu.memory_space<hbm>>) offsets(%dma_start3A_291 : memref<16xi32, #tpu.memory_space<vmem>>) semaphore(%arg14 : memref<!tpu.dma_semaphore, #tpu.memory_space<semaphore_mem>>)
    %dma_wait3A_295 = arith.constant 0 : i32
    %dma_wait3A_296 = tpu.memref_slice %arg2[%add3A_272, %dma_wait3A_295] : memref<8192x2048xf32, #tpu.memory_space<hbm>> -> memref<16x2048xf32, #tpu.memory_space<hbm>>
    %dma_wait3A_297 = arith.constant 0 : i32
    %dma_wait3A_298 = tpu.memref_slice %arg2[%add3A_272, %dma_wait3A_297] : memref<8192x2048xf32, #tpu.memory_space<hbm>> -> memref<16x2048xf32, #tpu.memory_space<hbm>>
    tpu.wait_dma2 semaphore(%arg9 : memref<!tpu.dma_semaphore, #tpu.memory_space<semaphore_mem>>) src(%dma_wait3A_298 : memref<16x2048xf32, #tpu.memory_space<hbm>>) dst(%arg6 : memref<16x2048xf32, #tpu.memory_space<vmem>>)
    %dma_start3A_299 = arith.constant 240 : i32
    %dma_start3A_300 = tpu.memref_slice %arg5[%dma_start3A_299] : memref<256xi32, #tpu.memory_space<vmem>> -> memref<16xi32, #tpu.memory_space<vmem>>
    %dma_start3A_301 = arith.constant 0 : i32
    %dma_start3A_302 = arith.constant 0 : i32
    %dma_start3A_303 = tpu.memref_slice %arg4[%dma_start3A_301, %dma_start3A_302] : memref<8704x2048xf32, #tpu.memory_space<hbm>> -> memref<8704x2048xf32, #tpu.memory_space<hbm>>
    tpu.enqueue_indirect_dma source(%arg6 : memref<16x2048xf32, #tpu.memory_space<vmem>>) target(%dma_start3A_303 : memref<8704x2048xf32, #tpu.memory_space<hbm>>) offsets(%dma_start3A_300 : memref<16xi32, #tpu.memory_space<vmem>>) semaphore(%arg12 : memref<!tpu.dma_semaphore, #tpu.memory_space<semaphore_mem>>)
    %dma_wait3A_304 = arith.constant 240 : i32
    %dma_wait3A_305 = tpu.memref_slice %arg5[%dma_wait3A_304] : memref<256xi32, #tpu.memory_space<vmem>> -> memref<16xi32, #tpu.memory_space<vmem>>
    %dma_wait3A_306 = arith.constant 0 : i32
    %dma_wait3A_307 = arith.constant 0 : i32
    %dma_wait3A_308 = tpu.memref_slice %arg4[%dma_wait3A_306, %dma_wait3A_307] : memref<8704x2048xf32, #tpu.memory_space<hbm>> -> memref<8704x2048xf32, #tpu.memory_space<hbm>>
    tpu.wait_indirect_dma semaphore(%arg12 : memref<!tpu.dma_semaphore, #tpu.memory_space<semaphore_mem>>) src(%arg6 : memref<16x2048xf32, #tpu.memory_space<vmem>>) dst(%dma_wait3A_308 : memref<8704x2048xf32, #tpu.memory_space<hbm>>)
    %dma_wait3A_309 = arith.constant 208 : i32
    %dma_wait3A_310 = tpu.memref_slice %arg5[%dma_wait3A_309] : memref<256xi32, #tpu.memory_space<vmem>> -> memref<16xi32, #tpu.memory_space<vmem>>
    %dma_wait3A_311 = arith.constant 0 : i32
    %dma_wait3A_312 = arith.constant 0 : i32
    %dma_wait3A_313 = tpu.memref_slice %arg4[%dma_wait3A_311, %dma_wait3A_312] : memref<8704x2048xf32, #tpu.memory_space<hbm>> -> memref<8704x2048xf32, #tpu.memory_space<hbm>>
    tpu.wait_indirect_dma semaphore(%arg13 : memref<!tpu.dma_semaphore, #tpu.memory_space<semaphore_mem>>) src(%arg7 : memref<16x2048xf32, #tpu.memory_space<vmem>>) dst(%dma_wait3A_313 : memref<8704x2048xf32, #tpu.memory_space<hbm>>)
    %dma_wait3A_314 = arith.constant 224 : i32
    %dma_wait3A_315 = tpu.memref_slice %arg5[%dma_wait3A_314] : memref<256xi32, #tpu.memory_space<vmem>> -> memref<16xi32, #tpu.memory_space<vmem>>
    %dma_wait3A_316 = arith.constant 0 : i32
    %dma_wait3A_317 = arith.constant 0 : i32
    %dma_wait3A_318 = tpu.memref_slice %arg4[%dma_wait3A_316, %dma_wait3A_317] : memref<8704x2048xf32, #tpu.memory_space<hbm>> -> memref<8704x2048xf32, #tpu.memory_space<hbm>>
    tpu.wait_indirect_dma semaphore(%arg14 : memref<!tpu.dma_semaphore, #tpu.memory_space<semaphore_mem>>) src(%arg8 : memref<16x2048xf32, #tpu.memory_space<vmem>>) dst(%dma_wait3A_318 : memref<8704x2048xf32, #tpu.memory_space<hbm>>)
    return
  }
}

module attributes {stable_mosaic.version = 14 : i64} {
  func.func @_pos_body(%arg0: memref<64x128xi32, #tpu.memory_space<vmem>>, %arg1: memref<64x128xi32, #tpu.memory_space<vmem>>, %arg2: memref<8x128xi32, #tpu.memory_space<vmem>>) attributes {dimension_semantics = [], scalar_prefetch = 0 : i64, scratch_operands = 0 : i64, tpu.core_type = #tpu.core_type<tc>} {
    %get3A = arith.constant 0 : index
    %get3A_0 = arith.constant 0 : index
    %get3A_1 = vector.load %arg0[%get3A, %get3A_0] : memref<64x128xi32, #tpu.memory_space<vmem>>, vector<64x128xi32>
    %convert_element_type3A = arith.sitofp %get3A_1 : vector<64x128xi32> to vector<64x128xf32>
    %iota3A = tpu.iota {dimensions = array<i32: 0>} : vector<128x128xi32>
    %iota3A_2 = tpu.iota {dimensions = array<i32: 1>} : vector<128x128xi32>
    %le3A = arith.cmpi sle, %iota3A, %iota3A_2 : vector<128x128xi32>
    %convert_element_type3A_3 = arith.extui %le3A : vector<128x128xi1> to vector<128x128xi32>
    %convert_element_type3A_4 = arith.sitofp %convert_element_type3A_3 : vector<128x128xi32> to vector<128x128xf32>
    %dot_general3A = arith.constant dense<0.000000e+00> : vector<64x128xf32>
    %dot_general3A_5 = tpu.matmul %convert_element_type3A, %convert_element_type3A_4, %dot_general3A {dimension_numbers = #tpu.dot_dimension_numbers<[1], [0], [0], [1], [0, 0, 1, 1], [], []>, transpose_lhs_hint = false} : vector<64x128xf32>, vector<128x128xf32>, vector<64x128xf32> -> vector<64x128xf32>
    %slice3A = vector.extract_strided_slice %dot_general3A_5 {offsets = [0, 127], sizes = [64, 1], strides = [1, 1]} : vector<64x128xf32> to vector<64x1xf32>
    %iota3A_6 = tpu.iota {dimensions = array<i32: 0>} : vector<64x64xi32>
    %iota3A_7 = tpu.iota {dimensions = array<i32: 1>} : vector<64x64xi32>
    %lt3A = arith.cmpi slt, %iota3A_7, %iota3A_6 : vector<64x64xi32>
    %convert_element_type3A_8 = arith.extui %lt3A : vector<64x64xi1> to vector<64x64xi32>
    %convert_element_type3A_9 = arith.sitofp %convert_element_type3A_8 : vector<64x64xi32> to vector<64x64xf32>
    %dot_general3A_10 = arith.constant dense<0.000000e+00> : vector<64x1xf32>
    %dot_general3A_11 = tpu.matmul %convert_element_type3A_9, %slice3A, %dot_general3A_10 {dimension_numbers = #tpu.dot_dimension_numbers<[1], [0], [0], [1], [0, 0, 1, 1], [], []>, transpose_lhs_hint = false} : vector<64x64xf32>, vector<64x1xf32>, vector<64x1xf32> -> vector<64x1xf32>
    %add3A = vector.broadcast %dot_general3A_11 : vector<64x1xf32> to vector<64x128xf32>
    %add3A_12 = arith.addf %dot_general3A_5, %add3A : vector<64x128xf32>
    %reduce_sum3A = vector.shape_cast %convert_element_type3A : vector<64x128xf32> to vector<1x64x128xf32>
    %reduce_sum3A_13 = arith.constant dense<0.000000e+00> : vector<1xf32>
    %reduce_sum3A_14 = vector.multi_reduction <add>, %reduce_sum3A, %reduce_sum3A_13 [1, 2] : vector<1x64x128xf32> to vector<1xf32>
    %reduce_sum3A_15 = vector.shape_cast %reduce_sum3A_14 : vector<1xf32> to vector<1x1x1xf32>
    %reduce_sum3A_16 = vector.extract %reduce_sum3A_15[0, 0, 0] : f32 from vector<1x1x1xf32>
    %sub3A = arith.constant 8.192000e+03 : f32
    %sub3A_17 = arith.subf %sub3A, %reduce_sum3A_16 : f32
    %div3A = arith.constant 5.120000e+02 : f32
    %div3A_18 = arith.divf %sub3A_17, %div3A : f32
    %ceil3A = math.ceil %div3A_18 : f32
    %mul3A = arith.constant 5.120000e+02 : f32
    %mul3A_19 = arith.mulf %ceil3A, %mul3A : f32
    %iota3A_20 = tpu.iota {dimensions = array<i32: 0>} : vector<64x128xi32>
    %iota3A_21 = tpu.iota {dimensions = array<i32: 1>} : vector<64x128xi32>
    %mul3A_22 = arith.constant 128 : i32
    %mul3A_23 = vector.broadcast %mul3A_22 : i32 to vector<64x128xi32>
    %mul3A_24 = arith.muli %iota3A_20, %mul3A_23 : vector<64x128xi32>
    %add3A_25 = arith.addi %mul3A_24, %iota3A_21 : vector<64x128xi32>
    %convert_element_type3A_26 = arith.sitofp %add3A_25 : vector<64x128xi32> to vector<64x128xf32>
    %add3A_27 = arith.constant 1.000000e+00 : f32
    %add3A_28 = vector.broadcast %add3A_27 : f32 to vector<64x128xf32>
    %add3A_29 = arith.addf %convert_element_type3A_26, %add3A_28 : vector<64x128xf32>
    %sub3A_30 = arith.subf %add3A_29, %add3A_12 : vector<64x128xf32>
    %eq3A = arith.constant 0 : i32
    %eq3A_31 = vector.broadcast %eq3A : i32 to vector<64x128xi32>
    %eq3A_32 = arith.cmpi eq, %get3A_1, %eq3A_31 : vector<64x128xi32>
    %sub3A_33 = arith.constant 1.000000e+00 : f32
    %sub3A_34 = vector.broadcast %sub3A_33 : f32 to vector<64x128xf32>
    %sub3A_35 = arith.subf %sub3A_30, %sub3A_34 : vector<64x128xf32>
    %add3A_36 = vector.broadcast %mul3A_19 : f32 to vector<64x128xf32>
    %add3A_37 = arith.addf %add3A_36, %add3A_12 : vector<64x128xf32>
    %sub3A_38 = arith.constant 1.000000e+00 : f32
    %sub3A_39 = vector.broadcast %sub3A_38 : f32 to vector<64x128xf32>
    %sub3A_40 = arith.subf %add3A_37, %sub3A_39 : vector<64x128xf32>
    %select_n3A = arith.select %eq3A_32, %sub3A_35, %sub3A_40 : vector<64x128xi1>, vector<64x128xf32>
    %convert_element_type3A_41 = arith.fptosi %select_n3A : vector<64x128xf32> to vector<64x128xi32>
    %swap3A = arith.constant 0 : index
    %swap3A_42 = arith.constant 0 : index
    %swap3A_43 = vector.load %arg1[%swap3A, %swap3A_42] : memref<64x128xi32, #tpu.memory_space<vmem>>, vector<64x128xi32>
    tpu.vector_store %arg1[%swap3A, %swap3A_42], %convert_element_type3A_41 {strides = array<i32>} : memref<64x128xi32, #tpu.memory_space<vmem>>, vector<64x128xi32>,
    %iota3A_44 = tpu.iota {dimensions = array<i32: 1>} : vector<8x128xi32>
    %convert_element_type3A_45 = arith.sitofp %iota3A_44 : vector<8x128xi32> to vector<8x128xf32>
    %mul3A_46 = arith.constant 5.120000e+02 : f32
    %mul3A_47 = vector.broadcast %mul3A_46 : f32 to vector<8x128xf32>
    %mul3A_48 = arith.mulf %convert_element_type3A_45, %mul3A_47 : vector<8x128xf32>
    %ge3A = vector.broadcast %mul3A_19 : f32 to vector<8x128xf32>
    %ge3A_49 = arith.cmpf oge, %mul3A_48, %ge3A : vector<8x128xf32>
    %convert_element_type3A_50 = arith.extui %ge3A_49 : vector<8x128xi1> to vector<8x128xi32>
    %swap3A_51 = arith.constant 0 : index
    %swap3A_52 = arith.constant 0 : index
    %swap3A_53 = vector.load %arg2[%swap3A_51, %swap3A_52] : memref<8x128xi32, #tpu.memory_space<vmem>>, vector<8x128xi32>
    tpu.vector_store %arg2[%swap3A_51, %swap3A_52], %convert_element_type3A_50 {strides = array<i32>} : memref<8x128xi32, #tpu.memory_space<vmem>>, vector<8x128xi32>,
    return
  }
}

module attributes {stable_mosaic.version = 14 : i64} {
  func.func @_mm_body(%arg0: i32, %arg1: memref<17xi32, #tpu.memory_space<smem>>, %arg2: memref<512x2048xf32, #tpu.memory_space<vmem>>, %arg3: memref<2048x2048xbf16, #tpu.memory_space<vmem>>, %arg4: memref<2048x2048xbf16, #tpu.memory_space<vmem>>, %arg5: memref<1x2048xf32, #tpu.memory_space<vmem>>, %arg6: memref<1x2048xf32, #tpu.memory_space<vmem>>, %arg7: memref<512x2048xf32, #tpu.memory_space<vmem>>) attributes {dimension_semantics = [#tpu.dimension_semantics<arbitrary>], iteration_bounds = array<i64: 17>, scalar_prefetch = 1 : i64, scratch_operands = 0 : i64, tpu.core_type = #tpu.core_type<tc>, window_params = [{transform_indices = @transform_0, window_bounds = array<i64: 512, 2048>}, {pipeline_mode = #tpu.pipeline_mode<synchronous>, transform_indices = @transform_1, window_bounds = array<i64: 2048, 2048>}, {pipeline_mode = #tpu.pipeline_mode<synchronous>, transform_indices = @transform_2, window_bounds = array<i64: 2048, 2048>}, {pipeline_mode = #tpu.pipeline_mode<synchronous>, transform_indices = @transform_3, window_bounds = array<i64: 1, 2048>}, {pipeline_mode = #tpu.pipeline_mode<synchronous>, transform_indices = @transform_4, window_bounds = array<i64: 1, 2048>}, {transform_indices = @transform_5, window_bounds = array<i64: 512, 2048>}]} {
    %get3A = arith.index_cast %arg0 : i32 to index
    %get3A_0 = memref.load %arg1[%get3A] : memref<17xi32, #tpu.memory_space<smem>>
    %get3A_1 = arith.constant 0 : index
    %get3A_2 = arith.constant 0 : index
    %get3A_3 = vector.load %arg2[%get3A_1, %get3A_2] : memref<512x2048xf32, #tpu.memory_space<vmem>>, vector<512x2048xf32>
    %convert_element_type3A = arith.truncf %get3A_3 : vector<512x2048xf32> to vector<512x2048xbf16>
    %eq3A = arith.constant 0 : i32
    %eq3A_4 = arith.cmpi eq, %get3A_0, %eq3A : i32
    %convert_element_type3A_5 = arith.extui %eq3A_4 : i1 to i32
    %cond3A = arith.constant 0 : i32
    %cond3A_6 = arith.cmpi ne, %convert_element_type3A_5, %cond3A : i32
    scf.if %cond3A_6 {
      %get3A_11 = arith.constant 0 : index
      %get3A_12 = arith.constant 0 : index
      %get3A_13 = vector.load %arg3[%get3A_11, %get3A_12] : memref<2048x2048xbf16, #tpu.memory_space<vmem>>, vector<2048x2048xbf16>
      %dot_general3A = arith.constant dense<0.000000e+00> : vector<512x2048xf32>
      %dot_general3A_14 = tpu.matmul %convert_element_type3A, %get3A_13, %dot_general3A {dimension_numbers = #tpu.dot_dimension_numbers<[1], [0], [0], [1], [0, 0, 1, 1], [], []>, transpose_lhs_hint = false} : vector<512x2048xbf16>, vector<2048x2048xbf16>, vector<512x2048xf32> -> vector<512x2048xf32>
      %get3A_15 = arith.constant 0 : index
      %get3A_16 = arith.constant 0 : index
      %get3A_17 = vector.load %arg5[%get3A_15, %get3A_16] : memref<1x2048xf32, #tpu.memory_space<vmem>>, vector<1x2048xf32>
      %add3A = vector.broadcast %get3A_17 : vector<1x2048xf32> to vector<512x2048xf32>
      %add3A_18 = arith.addf %dot_general3A_14, %add3A : vector<512x2048xf32>
      %swap3A = arith.constant 0 : index
      %swap3A_19 = arith.constant 0 : index
      %swap3A_20 = vector.load %arg7[%swap3A, %swap3A_19] : memref<512x2048xf32, #tpu.memory_space<vmem>>, vector<512x2048xf32>
      tpu.vector_store %arg7[%swap3A, %swap3A_19], %add3A_18 {strides = array<i32>} : memref<512x2048xf32, #tpu.memory_space<vmem>>, vector<512x2048xf32>,
    } else {
    }
    %ne3A = arith.constant 0 : i32
    %ne3A_7 = arith.cmpi ne, %get3A_0, %ne3A : i32
    %convert_element_type3A_8 = arith.extui %ne3A_7 : i1 to i32
    %cond3A_9 = arith.constant 0 : i32
    %cond3A_10 = arith.cmpi ne, %convert_element_type3A_8, %cond3A_9 : i32
    scf.if %cond3A_10 {
      %get3A_11 = arith.constant 0 : index
      %get3A_12 = arith.constant 0 : index
      %get3A_13 = vector.load %arg4[%get3A_11, %get3A_12] : memref<2048x2048xbf16, #tpu.memory_space<vmem>>, vector<2048x2048xbf16>
      %dot_general3A = arith.constant dense<0.000000e+00> : vector<512x2048xf32>
      %dot_general3A_14 = tpu.matmul %convert_element_type3A, %get3A_13, %dot_general3A {dimension_numbers = #tpu.dot_dimension_numbers<[1], [0], [0], [1], [0, 0, 1, 1], [], []>, transpose_lhs_hint = false} : vector<512x2048xbf16>, vector<2048x2048xbf16>, vector<512x2048xf32> -> vector<512x2048xf32>
      %get3A_15 = arith.constant 0 : index
      %get3A_16 = arith.constant 0 : index
      %get3A_17 = vector.load %arg6[%get3A_15, %get3A_16] : memref<1x2048xf32, #tpu.memory_space<vmem>>, vector<1x2048xf32>
      %add3A = vector.broadcast %get3A_17 : vector<1x2048xf32> to vector<512x2048xf32>
      %add3A_18 = arith.addf %dot_general3A_14, %add3A : vector<512x2048xf32>
      %swap3A = arith.constant 0 : index
      %swap3A_19 = arith.constant 0 : index
      %swap3A_20 = vector.load %arg7[%swap3A, %swap3A_19] : memref<512x2048xf32, #tpu.memory_space<vmem>>, vector<512x2048xf32>
      tpu.vector_store %arg7[%swap3A, %swap3A_19], %add3A_18 {strides = array<i32>} : memref<512x2048xf32, #tpu.memory_space<vmem>>, vector<512x2048xf32>,
    } else {
    }
    return
  }
  func.func @transform_0(%arg0: i32, %arg1: memref<17xi32, #tpu.memory_space<smem>>) -> (i32, i32) {
    %c0_i32 = arith.constant 0 : i32
    %c0_i32_0 = arith.constant 0 : i32
    return %arg0, %c0_i32 : i32, i32
  }
  func.func @transform_1(%arg0: i32, %arg1: memref<17xi32, #tpu.memory_space<smem>>) -> (i32, i32) {
    %c0_i32 = arith.constant 0 : i32
    %c0_i32_0 = arith.constant 0 : i32
    %c0_i32_1 = arith.constant 0 : i32
    return %c0_i32, %c0_i32_0 : i32, i32
  }
  func.func @transform_2(%arg0: i32, %arg1: memref<17xi32, #tpu.memory_space<smem>>) -> (i32, i32) {
    %c0_i32 = arith.constant 0 : i32
    %c0_i32_0 = arith.constant 0 : i32
    %c0_i32_1 = arith.constant 0 : i32
    return %c0_i32, %c0_i32_0 : i32, i32
  }
  func.func @transform_3(%arg0: i32, %arg1: memref<17xi32, #tpu.memory_space<smem>>) -> (i32, i32) {
    %c0_i32 = arith.constant 0 : i32
    %c0_i32_0 = arith.constant 0 : i32
    %c0_i32_1 = arith.constant 0 : i32
    return %c0_i32, %c0_i32_0 : i32, i32
  }
  func.func @transform_4(%arg0: i32, %arg1: memref<17xi32, #tpu.memory_space<smem>>) -> (i32, i32) {
    %c0_i32 = arith.constant 0 : i32
    %c0_i32_0 = arith.constant 0 : i32
    %c0_i32_1 = arith.constant 0 : i32
    return %c0_i32, %c0_i32_0 : i32, i32
  }
  func.func @transform_5(%arg0: i32, %arg1: memref<17xi32, #tpu.memory_space<smem>>) -> (i32, i32) {
    %c0_i32 = arith.constant 0 : i32
    %c0_i32_0 = arith.constant 0 : i32
    return %arg0, %c0_i32 : i32, i32
  }
}

</mosaic_0001>

<sc_bundles>
// kernel: _run.6.cloned.1.call-start
scs
__scs_entry_jumppad:
0x0: {  	(pc) =	sbr.rel $0x88, $3  }
0x1: {  	(tag) =	ssettag $0x0;
	lr =	simm.s32 $0x1  }
0x2: {  	[smem:$0x3F9B] =	sst lr;
	_ =	strace $0xD0000000  }
0x3: {  	_ = 	snop  }
0x4: {  	_ = 	snop  }
0x5: {  	_ = 	snop  }
0x6: {  	_ = 	snop  }
0x7: {  	_ = 	snop  }
__scs_overlays_trampoline_lowered:
0x8: {  	[smem:$0x3FAA] =	sst s0  }
0x9: {  	[smem:$0x3FAB] =	sst s1  }
0xa: {  	[smem:$0x3FAC] =	sst s2  }
0xb: {  	[smem:$0x3FAD] =	sst s3  }
0xc: {  	[smem:$0x3FAE] =	sst s4  }
0xd: {  	[smem:$0x3FAF] =	sst s5  }
0xe: {  	[smem:$0x3FB0] =	sst s6  }
0xf: {  	[smem:$0x3FB1] =	sst s7  }
0x10: {  	[smem:$0x3FB2] =	sst s8  }
0x11: {  	[smem:$0x3FB3] =	sst s9;
	s0 =	simm.s32 @!p0 $0x0  }
0x12: {  	s1 =	sld [smem:$0x3F99];
	s0 =	simm.s32 @p0 $0x1  }
0x13: {  	[smem:$0x3FB4] =	sst s0;
	s0 =	simm.s32 @!p1 $0x0  }
0x14: {  	s2 =	sld [smem:$0x3F98];
	s0 =	simm.s32 @p1 $0x1  }
0x15: {  	[smem:$0x3FB5] =	sst s0;
	s0 =	simm.s32 @!p2 $0x0  }
0x16: {  	s3 =	sld [smem:$0x3FDB];
	s0 =	simm.s32 @p2 $0x1  }
0x17: {  	s4 =	simm.s32 $0x1BF5;
	[smem:$0x3FB7] =	sst s0  }
0x18: {  	s0 =	sld [smem:$0x3F9A];
	_ =	swait.ge [sflag:s4], $0x0  }
0x19: {  	s7 =	sld [smem:$0x3F9B]  }
0x1a: {  	s8 =	sadd.s32 $0xFFFFE003, lr  }
0x1b: {  	s9 =	sadd.s32 $0xFFFFFEF7, lr;
	s5 =	simm.s32 $0xFFFFFFFF;
	p2 =	slt.u32 s8, $0xFFFFF086  }
0x1c: {  	p1 =	slt.u32 s9, $0xF7A;
	s5 =	simm.s32 @!p2 $0x0  }
0x1d: {  	s5 =	simm.s32 @p1 $0x1;
	p0 =	seq.s32 s7, s2  }
0x1e: {  	s7 =	smul.u32 @!p0 $0xF7A, s2;
	p2 =	seq.s32 @!p0 s5, $0x0  }
0x1f: {  	s9 =	smul.u32 $0xF7A, s1;
	s8 =	simm.s32 @!p0 $0x1BF5;
	p2 =	por !p2, p0  }
0x20: {  	[sflag:s8] =	ssyncset.s32 @!p0 $0xFFFFF086;
	s6 =	sadd.s32 @!p0 s3, s7;
	s7 =	simm.s32 @!p0 $0x108  }
0x21: {  	s3 =	sadd.s32 s3, s9;
	s6 =	sadd.s32 @!p0 $0x88, s6;
	s7 =	simm.s32 @p2 $0x1082  }
0x22: {  	[simem:s7], [sflag:s8] =	dma.local @!p0 [hbm:s6], $0xF7A  }
0x23: {  	s9 =	sor.u32 $0xD0000000, s2;
	s6 =	simm.s32 $0x108;
	_ =	swait.ge @!p0 [sflag:s8], $0x0  }
0x24: {  	s3 =	sadd.s32 $0x88, s3;
	s6 =	simm.s32 @!p1 $0x1082;
	[sflag:s4] =	ssyncset.s32 $0xFFFFF086  }
0x25: {  	[simem:s6], [sflag:s4] =	dma.local [hbm:s3], $0xF7A  }
0x26: {  	[smem:$0x3F9B] =	sst s1;
	(tag) =	ssettag s2;
	_ =	strace s9  }
0x27: {  	s1 =	sld [smem:$0x3FAB]  }
0x28: {  	s2 =	sld [smem:$0x3FAC]  }
0x29: {  	s4 =	sld [smem:$0x3FAE]  }
0x2a: {  	p0 =	seq.s32 s5, $0x0;
	s5 =	sld [smem:$0x3FAF]  }
0x2b: {  	s6 =	sld [smem:$0x3FB0]  }
0x2c: {  	s7 =	sld [smem:$0x3FB1]  }
0x2d: {  	s3 =	simm.s32 $0x108;
	s8 =	sld [smem:$0x3FB2]  }
0x2e: {  	s3 =	simm.s32 @!p0 $0x1082;
	s9 =	sld [smem:$0x3FB3]  }
0x2f: {  	lr =	sadd.s32 s0, s3;
	s0 =	sld [smem:$0x3FAA]  }
0x30: {  	s3 =	sld [smem:$0x3FAD]  }
0x31: {  	[smem:$0x3FB6] =	sst s10  }
0x32: {  	s10 =	sld [smem:$0x3FB4];
	_ =	sdelay $0x3  }
0x33: {  	p0 =	seq.s32 s10, $0x1;
	s10 =	sld [smem:$0x3FB6];
	_ =	sdelay $0x3  }
0x34: {  	[smem:$0x3FB6] =	sst s10  }
0x35: {  	s10 =	sld [smem:$0x3FB5];
	_ =	sdelay $0x3  }
0x36: {  	p1 =	seq.s32 s10, $0x1;
	s10 =	sld [smem:$0x3FB6];
	_ =	sdelay $0x3  }
0x37: {  	[smem:$0x3FB6] =	sst s10  }
0x38: {  	s10 =	sld [smem:$0x3FB7]  }
0x39: {  	_ = 	snop;
	(pc) =	sbr.ind lr, $3  }
0x3a: {  	_ = 	snop  }
0x3b: {  	_ = 	snop  }
0x3c: {  	p2 =	seq.s32 s10, $0x1;
	s10 =	sld [smem:$0x3FB6]  }
0x3d: {  	_ =	shalt  }
0x3e: {  	_ =	shalt  }
0x3f: {  	_ =	shalt  }
0x40: {  	_ =	shalt  }
0x41: {  	_ =	shalt  }
0x42: {  	_ =	shalt  }
0x43: {  	_ =	shalt  }
0x44: {  	_ =	shalt  }
0x45: {  	_ =	shalt  }
0x46: {  	_ =	shalt  }
0x47: {  	_ =	shalt  }
0x48: {  	_ =	shalt  }
0x49: {  	_ =	shalt  }
0x4a: {  	_ =	shalt  }
0x4b: {  	_ =	shalt  }
0x4c: {  	_ =	shalt  }
0x4d: {  	_ =	shalt  }
0x4e: {  	_ =	shalt  }
0x4f: {  	_ =	shalt  }
0x50: {  	_ =	shalt  }
0x51: {  	_ =	shalt  }
0x52: {  	_ =	shalt  }
0x53: {  	_ =	shalt  }
0x54: {  	_ =	shalt  }
0x55: {  	_ =	shalt  }
0x56: {  	_ =	shalt  }
0x57: {  	_ =	shalt  }
0x58: {  	_ =	shalt  }
0x59: {  	_ =	shalt  }
0x5a: {  	_ =	shalt  }
0x5b: {  	_ =	shalt  }
0x5c: {  	_ =	shalt  }
0x5d: {  	_ =	shalt  }
0x5e: {  	_ =	shalt  }
0x5f: {  	_ =	shalt  }
0x60: {  	_ =	shalt  }
0x61: {  	_ =	shalt  }
0x62: {  	_ =	shalt  }
0x63: {  	_ =	shalt  }
0x64: {  	_ =	shalt  }
0x65: {  	_ =	shalt  }
0x66: {  	_ =	shalt  }
0x67: {  	_ =	shalt  }
0x68: {  	_ =	shalt  }
0x69: {  	_ =	shalt  }
0x6a: {  	_ =	shalt  }
0x6b: {  	_ =	shalt  }
0x6c: {  	_ =	shalt  }
0x6d: {  	_ =	shalt  }
0x6e: {  	_ =	shalt  }
0x6f: {  	_ =	shalt  }
0x70: {  	_ =	shalt  }
0x71: {  	_ =	shalt  }
0x72: {  	_ =	shalt  }
0x73: {  	_ =	shalt  }
0x74: {  	_ =	shalt  }
0x75: {  	_ =	shalt  }
0x76: {  	_ =	shalt  }
0x77: {  	_ =	shalt  }
0x78: {  	_ =	shalt  }
0x79: {  	_ =	shalt  }
0x7a: {  	_ =	shalt  }
0x7b: {  	_ =	shalt  }
0x7c: {  	_ =	shalt  }
0x7d: {  	_ =	shalt  }
0x7e: {  	_ =	shalt  }
0x7f: {  	_ =	shalt  }
0x80: {  	_ =	shalt  }
0x81: {  	_ =	shalt  }
0x82: {  	_ =	shalt  }
0x83: {  	_ =	shalt  }
0x84: {  	_ =	shalt  }
0x85: {  	_ =	shalt  }
0x86: {  	_ =	shalt  }
0x87: {  	_ =	shalt  }
.Lfunc_end0:
.L_simem_size_0:
called_computation_lowered:
.L_overlay_start_0:
0x88: {  	s2 =	sld [smem:$0x3FD9]  }
0x89: {  	s3 =	sld [smem:$0x3FFE];
	_ =	sdelay $0x1  }
0x8a: {  	s1 =	srdreg.scid  }
0x8b: {  	s0 =	sand.u32 $0x1, s1  }
0x8c: {  	s17 =	sshll.u32 s0, $0xA;
	s2 =	sadd.s32 s3, s2  }
0x8d: {  	s2 =	sadd.s32 s2, s17  }
0x8e: {  	[smem:$0x3FC2] =	sst s2  }
0x8f: {  	_ = 	snop  }
0x90: {  	s2 =	sld [smem:$0x3FC9];
	(tm) =	ssettm $0x1  }
0x91: {  	s18 =	sld [smem:$0x3FFB];
	_ =	sdelay $0x3  }
0x92: {  	_ =	strace s18  }
0x93: {  	s3 =	sld [smem:$0x3FFC];
	_ =	sdelay $0x3  }
0x94: {  	_ =	strace s3  }
0x95: {  	s3 =	sld [smem:$0x3FFD];
	_ =	sdelay $0x3  }
0x96: {  	_ =	strace s3  }
0x97: {  	_ =	strace $0x8FFFFFFF  }
0x98: {  	s19 =	sld [smem:$0x3FDB];
	_ =	sdelay $0x1  }
0x99: {  	s4 =	simm.s32 $_scs_section_size  }
0x9a: {  	s5 =	simm.s32 $_size__tile_overlayer_lowered;
	s6 =	simm.s32 $_tile_overlayer_lowered  }
0x9b: {  	s22 =	simm.s32 $0x1BFF;
	s21 =	sshll.u32 s6, $0x1;
	s3 =	sadd.s32 s4, s19  }
0x9c: {  	s7 =	simm.s32 $0x0;
	s20 =	sshll.u32 s5, $0x1;
	s5 =	sadd.s32 s21, s3  }
0x9d: {  	[timem:s7], [sflag:s22] =	dma.local [hbm:s5], s20  }
0x9e: {  	_ =	swait.ge [sflag:s22], s20  }
0x9f: {  	s4 =	ssub.s32 $0x0, s20;
	[sflag:s22] =	ssyncset.done $0x0  }
0xa0: {  	[sflag:s22] =	ssyncadd.s32 s4;
	_ =	sdelay $0x1  }
0xa1: {  	s23 =	simm.s32 $0x1B8B  }
0xa2: {  	_ =	swait.ge [sflag:s23], $0x1  }
0xa3: {  	[sflag:s23] =	ssyncset.done $0x0  }
0xa4: {  	s25 =	simm.s32 $0x1B8E;
	s24 =	sld [smem:$0x3FFE];
	[sflag:s23] =	ssyncadd.s32 $0xFFFFFFFF  }
0xa5: {  	s26 =	simm.s32 $execute0_lowered;
	[smem:$0x3FD2] =	sst s25  }
0xa6: {  	s5 =	sshll.u32 s26, $0x1;
	_ =	strace $0x80000046;
	[dreg:$0x1] =	wrdreg $0xFFFFFFFF  }
0xa7: {  	s28 =	simm.s32 $_size_execute0_lowered;
	s3 =	sadd.s32 s3, s5;
	[dreg:$0x0] =	wrdreg $0x0  }
0xa8: {  	s5 =	sshll.u32 s28, $0x1;
	[dreg:$0x2] =	wrdreg s3  }
0xa9: {  	[dreg:$0x3] =	wrdreg s5  }
0xaa: {  	[dreg:$0x4] =	wrdreg $0xC0  }
0xab: {  	_ =	task [dreg:s7], $0x5FFFF  }
0xac: {  	[dreg:$0x1] =	wrdreg $0xFFFFFFFF  }
0xad: {  	[dreg:$0x0] =	wrdreg $0x60  }
0xae: {  	[dreg:$0x2] =	wrdreg s2  }
0xaf: {  	[dreg:$0x3] =	wrdreg s24  }
0xb0: {  	[dreg:$0x4] =	wrdreg $0x9  }
0xb1: {  	_ =	task.clear_ibuf [dreg:s7], $0x5FFFF;
	_ =	strace $0x90000046  }
0xb2: {  	s29 =	simm.s32 $0x9;
	_ =	strace $0x80000048  }
0xb3: {  	_ =	swait.ge [sflag:s29], $0x1  }
0xb4: {  	[sflag:s29] =	ssyncadd.s32 $0xFFFFFFFF  }
0xb5: {  	_ =	strace $0x90000048  }
0xb6: {  	_ =	sfence  }
0xb7: {  	s30 =	sld [smem:$0x0];
	_ =	sdelay $0x2  }
0xb8: {  	s31 =	sshll.u32 s1, $0xD;
	s1 =	sshrl.u32 s1, $0x2  }
0xb9: {  	s3 =	sand.u32 $0x4000, s31;
	s1 =	sadd.s32 s1, s30  }
0xba: {  	s0 =	sor.u32 s3, s0;
	s1 =	sshll.u32 s1, $0x11  }
0xbb: {  	s0 =	sor.u32 s1, s0  }
0xbc: {  	s0 =	sadd.s32 $0x8F2B, s0  }
0xbd: {  	[sflag:s0] =	ssyncadd.remote.s32 $0x1  }
0xbe: {  	_ =	sfence.sel $0xFFFF  }
0xbf: {  	[dreg:$0x0] =	wrdreg $0xFFFFFFFF;
	(pc) =	sbr.abs _section_cstart, $3  }
0xc0: {  	[dreg:$0x1] =	wrdreg $0xFFFFFFFF  }
0xc1: {  	_ =	task.clear_ibuf [dreg:s7], $0x2FFFF;
	_ =	strace $0x9FFFFFFF  }
0xc2: {  	(tm) =	ssettm $0x7FFFFFFF  }
0xc3: {  	_ =	shalt  }
tec
execute0_lowered:
.L_overlay_start_1:
0x0: {  	(tag) =	ssettag $0x1  }
0x1: {  	s0 =	srdreg.scid  }
0x2: {  	s2 =	stileid.u32;
	s0 =	sand.u32 $0x1, s0  }
0x3: {  	s1 =	rddreg [dreg:$0x0];
	s2 =	sshll.u32 s2, $0x9;
	s3 =	sshll.u32 s0, $0x8  }
0x4: {  	s11 =	rddreg [dreg:$0x1];
	s3 =	sor.u32 s3, s2  }
0x5: {  	s2 =	simm.s32 $0x0;
	s4 =	sshrl.u32 s3, $0x3;
	s3 =	sshll.u32 s3, $0x8  }
0x6: {  	[smem:$0x7FF] =	sst s2;
	s4 =	sadd.s32 s4, s11;
	s12 =	sadd.s32 s1, s3  }
0x7: {  	_ =	strace $0x80000047;
	s4 =	sadd.s32 $0x1600, s4;
	[dreg:$0x13] =	wrdreg s12  }
0x8: {  	s1 =	sadd.s32 $0x1000, s12;
	[dreg:$0x3] =	wrdreg s4  }
0x9: {  	s16 =	sadd.s32 $0x2000, s12;
	[dreg:$0x4] =	wrdreg s1  }
0xa: {  	s17 =	sadd.s32 $0x3000, s12;
	[dreg:$0x5] =	wrdreg s16  }
0xb: {  	s18 =	sadd.s32 $0x4000, s12;
	[dreg:$0x6] =	wrdreg s17  }
0xc: {  	s5 =	sadd.s32 $0x1B00, s11;
	s19 =	sadd.s32 $0x5000, s12;
	[dreg:$0x7] =	wrdreg s18  }
0xd: {  	s6 =	sadd.s32 $0x1C00, s11;
	s20 =	sadd.s32 $0x6000, s12;
	[dreg:$0x8] =	wrdreg s19  }
0xe: {  	s7 =	sadd.s32 $0x1D00, s11;
	s22 =	sadd.s32 $0x7000, s12;
	[dreg:$0x9] =	wrdreg s20  }
0xf: {  	s8 =	sadd.s32 $0x1E00, s11;
	s23 =	sadd.s32 $0x8000, s12;
	[dreg:$0xa] =	wrdreg s22  }
0x10: {  	s9 =	sadd.s32 $0x1F00, s11;
	s24 =	sadd.s32 $0x9000, s12;
	[dreg:$0xb] =	wrdreg s23  }
0x11: {  	s10 =	sadd.s32 $0x2000, s11;
	s25 =	sadd.s32 $0xA000, s12;
	[dreg:$0xc] =	wrdreg s24  }
0x12: {  	s0 =	ssub.s32 $0x2, s0;
	s26 =	sadd.s32 $0xB000, s12;
	[dreg:$0xd] =	wrdreg s25  }
0x13: {  	s21 =	sshrl.u32 s0, $0x1;
	s28 =	sadd.s32 $0xC000, s12;
	[dreg:$0xe] =	wrdreg s26  }
0x14: {  	s0 =	ssub.s32 s0, s21;
	s29 =	sadd.s32 $0xD000, s12;
	[dreg:$0xf] =	wrdreg s28  }
0x15: {  	s0 =	smax.u32 s0, $0x1;
	s30 =	sadd.s32 $0xE000, s12;
	[dreg:$0x10] =	wrdreg s29  }
0x16: {  	s3 =	simm.s32 $0x4;
	s31 =	sadd.s32 $0xF000, s12;
	[dreg:$0x11] =	wrdreg s30  }
0x17: {  	v2 =	vlaneseq.u32;
	s4 =	sadd.s32 $0x1A00, s11;
	s11 =	sadd.s32 $0x2100, s11;
	[dreg:$0x12] =	wrdreg s31  }
0x18: {  	vm0 =	vmmov $0xffff;
	v1 =	vshrl.u32 v2, $0x3;
	s17 =	simm.s32 $0x1;
	s16 =	simm.s32 $0x2;
	s18 =	simm.s32 $0x5  }
0x19: {  	v0 =	vand.u32 $0x7, v2;
	v2 =	vor.u32 $0x8, v2;
	v1 =	vmul.u32 $0x8, v1;
	s19 =	simm.s32 $0x3;
	s20 =	simm.s32 $0x6;
	s23 =	simm.s32 $0x100  }
.LBB2_1:
0x1a: {  	[dreg:$0x14] =	wrdreg s0  }
0x1b: {  	s21 =	rddreg [dreg:$0x3];
	s12 =	simm.s32 $0x7  }
0x1c: {  	[tilespmem:s2], [sflag:$0x7] =	stream.linear.gather [hbm4b:s21+s2], $0x100, $0x38;
	[tilespmem:$0x18100] =	vst v63  }
0x1d: {  	_ =	swait.ge [sflag:s12], $0x100  }
0x1e: {  	[sflag:s12] =	ssyncset.done $0x0  }
0x1f: {  	s22 =	rddreg [dreg:$0x13];
	[sflag:s12] =	ssyncadd.s32 $0xFFFFFF00  }
0x20: {  	[tilespmem:s23], [sflag:$0x1] =	stream.linear.gather [hbm4b:s22+s2], $0x8000, $0x38;
	[tilespmem:$0x18100] =	vst v63  }
0x21: {  	s15 =	simm.s32 $0x8100;
	s13 =	rddreg [dreg:$0x4]  }
0x22: {  	[tilespmem:s15], [sflag:$0x2] =	stream.linear.gather [hbm4b:s13+s2], $0x8000, $0x38;
	[tilespmem:$0x18100] =	vst v63  }
0x23: {  	s24 =	simm.s32 $0x10100;
	s14 =	rddreg [dreg:$0x5]  }
0x24: {  	[tilespmem:s24], [sflag:$0x3] =	stream.linear.gather [hbm4b:s14+s2], $0x8000, $0x38;
	[tilespmem:$0x18100] =	vst v63  }
0x25: {  	_ =	swait.ge [sflag:s17], $0x8000  }
0x26: {  	[sflag:s17] =	ssyncset.done $0x0  }
0x27: {  	[sflag:s17] =	ssyncadd.s32 $0xFFFF8000  }
0x28: {  	v3 =	vld [tilespmem:$0x0];
	_ =	sdelay $0x4  }
0x29: {  	v4 =	vshll.u32 v3, $0x4  }
0x2a: {  	v3 =	vand.u32 $0x7, v3;
	v4 =	vand.u32 $0xFFFFFF80, v4  }
0x2b: {  	v3 =	vor.u32 v3, v4  }
0x2c: {  	v4 =	vperm.xlane v3, v0;
	_ =	sdelay $0x1  }
0x2d: {  	v4 =	vadd.s32 v1, v4;
	_ =	sdelay $0x4  }
0x2e: {  	[hbm4b:s4+s2] =	stream.indirect_vreg.scatter [tilespmem:s23], [sflag:$0x4], $0x80, v4, vm0, $0xb8;
	[tilespmem:$0x18100] =	vst v63  }
0x2f: {  	s25 =	simm.s32 $0x900  }
0x30: {  	[hbm4b:s5+s2] =	stream.indirect_vreg.scatter [tilespmem:s25], [sflag:$0x4], $0x80, v4, vm0, $0xb8;
	[tilespmem:$0x18100] =	vst v63  }
0x31: {  	s26 =	simm.s32 $0x1100  }
0x32: {  	[hbm4b:s6+s2] =	stream.indirect_vreg.scatter [tilespmem:s26], [sflag:$0x4], $0x80, v4, vm0, $0xb8;
	[tilespmem:$0x18100] =	vst v63  }
0x33: {  	s28 =	simm.s32 $0x1900  }
0x34: {  	[hbm4b:s7+s2] =	stream.indirect_vreg.scatter [tilespmem:s28], [sflag:$0x4], $0x80, v4, vm0, $0xb8;
	[tilespmem:$0x18100] =	vst v63  }
0x35: {  	s29 =	simm.s32 $0x2100  }
0x36: {  	[hbm4b:s8+s2] =	stream.indirect_vreg.scatter [tilespmem:s29], [sflag:$0x4], $0x80, v4, vm0, $0xb8;
	[tilespmem:$0x18100] =	vst v63  }
0x37: {  	s30 =	simm.s32 $0x2900;
	v3 =	vperm.xlane v3, v2  }
0x38: {  	[hbm4b:s9+s2] =	stream.indirect_vreg.scatter [tilespmem:s30], [sflag:$0x4], $0x80, v4, vm0, $0xb8;
	[tilespmem:$0x18100] =	vst v63  }
0x39: {  	s31 =	simm.s32 $0x3100;
	v3 =	vadd.s32 v1, v3  }
0x3a: {  	[hbm4b:s10+s2] =	stream.indirect_vreg.scatter [tilespmem:s31], [sflag:$0x4], $0x80, v4, vm0, $0xb8;
	[tilespmem:$0x18100] =	vst v63  }
0x3b: {  	s1 =	simm.s32 $0x3900  }
0x3c: {  	[hbm4b:s11+s2] =	stream.indirect_vreg.scatter [tilespmem:s1], [sflag:$0x4], $0x80, v4, vm0, $0xb8;
	[tilespmem:$0x18100] =	vst v63  }
0x3d: {  	s14 =	simm.s32 $0x4100  }
0x3e: {  	[hbm4b:s4+s2] =	stream.indirect_vreg.scatter [tilespmem:s14], [sflag:$0x4], $0x80, v3, vm0, $0xb8;
	[tilespmem:$0x18100] =	vst v63  }
0x3f: {  	s15 =	simm.s32 $0x4900  }
0x40: {  	[hbm4b:s5+s2] =	stream.indirect_vreg.scatter [tilespmem:s15], [sflag:$0x4], $0x80, v3, vm0, $0xb8;
	[tilespmem:$0x18100] =	vst v63  }
0x41: {  	s21 =	simm.s32 $0x5100  }
0x42: {  	[hbm4b:s6+s2] =	stream.indirect_vreg.scatter [tilespmem:s21], [sflag:$0x4], $0x80, v3, vm0, $0xb8;
	[tilespmem:$0x18100] =	vst v63  }
0x43: {  	s22 =	simm.s32 $0x5900  }
0x44: {  	[hbm4b:s7+s2] =	stream.indirect_vreg.scatter [tilespmem:s22], [sflag:$0x4], $0x80, v3, vm0, $0xb8;
	[tilespmem:$0x18100] =	vst v63  }
0x45: {  	s24 =	simm.s32 $0x6100  }
0x46: {  	[hbm4b:s8+s2] =	stream.indirect_vreg.scatter [tilespmem:s24], [sflag:$0x4], $0x80, v3, vm0, $0xb8;
	[tilespmem:$0x18100] =	vst v63  }
0x47: {  	s25 =	simm.s32 $0x6900  }
0x48: {  	[hbm4b:s9+s2] =	stream.indirect_vreg.scatter [tilespmem:s25], [sflag:$0x4], $0x80, v3, vm0, $0xb8;
	[tilespmem:$0x18100] =	vst v63  }
0x49: {  	s26 =	simm.s32 $0x7100  }
0x4a: {  	[hbm4b:s10+s2] =	stream.indirect_vreg.scatter [tilespmem:s26], [sflag:$0x4], $0x80, v3, vm0, $0xb8;
	[tilespmem:$0x18100] =	vst v63  }
0x4b: {  	s28 =	simm.s32 $0x7900  }
0x4c: {  	[hbm4b:s11+s2] =	stream.indirect_vreg.scatter [tilespmem:s28], [sflag:$0x4], $0x80, v3, vm0, $0xb8;
	[tilespmem:$0x18100] =	vst v63  }
0x4d: {  	_ =	swait.ge [sflag:s3], $0x8000  }
0x4e: {  	[sflag:s3] =	ssyncset.done $0x0  }
0x4f: {  	s29 =	rddreg [dreg:$0x6];
	[sflag:s3] =	ssyncadd.s32 $0xFFFF8000  }
0x50: {  	[tilespmem:s23], [sflag:$0x1] =	stream.linear.gather [hbm4b:s29+s2], $0x8000, $0x38;
	[tilespmem:$0x18100] =	vst v63  }
0x51: {  	_ =	swait.ge [sflag:s16], $0x8000  }
0x52: {  	[sflag:s16] =	ssyncset.done $0x0  }
0x53: {  	[sflag:s16] =	ssyncadd.s32 $0xFFFF8000  }
0x54: {  	v3 =	vld [tilespmem:$0x10];
	_ =	sdelay $0x4  }
0x55: {  	v49 =	vshll.u32 v3, $0x4  }
0x56: {  	v3 =	vand.u32 $0x7, v3;
	v4 =	vand.u32 $0xFFFFFF80, v49  }
0x57: {  	v3 =	vor.u32 v3, v4  }
0x58: {  	v4 =	vperm.xlane v3, v0;
	_ =	sdelay $0x1  }
0x59: {  	v4 =	vadd.s32 v1, v4;
	_ =	sdelay $0x3  }
0x5a: {  	s1 =	simm.s32 $0x8100  }
0x5b: {  	[hbm4b:s4+s2] =	stream.indirect_vreg.scatter [tilespmem:s1], [sflag:$0x5], $0x80, v4, vm0, $0xb8;
	[tilespmem:$0x18100] =	vst v63  }
0x5c: {  	s30 =	simm.s32 $0x8900  }
0x5d: {  	[hbm4b:s5+s2] =	stream.indirect_vreg.scatter [tilespmem:s30], [sflag:$0x5], $0x80, v4, vm0, $0xb8;
	[tilespmem:$0x18100] =	vst v63  }
0x5e: {  	s31 =	simm.s32 $0x9100  }
0x5f: {  	[hbm4b:s6+s2] =	stream.indirect_vreg.scatter [tilespmem:s31], [sflag:$0x5], $0x80, v4, vm0, $0xb8;
	[tilespmem:$0x18100] =	vst v63  }
0x60: {  	s14 =	simm.s32 $0x9900  }
0x61: {  	[hbm4b:s7+s2] =	stream.indirect_vreg.scatter [tilespmem:s14], [sflag:$0x5], $0x80, v4, vm0, $0xb8;
	[tilespmem:$0x18100] =	vst v63  }
0x62: {  	s15 =	simm.s32 $0xA100  }
0x63: {  	[hbm4b:s8+s2] =	stream.indirect_vreg.scatter [tilespmem:s15], [sflag:$0x5], $0x80, v4, vm0, $0xb8;
	[tilespmem:$0x18100] =	vst v63  }
0x64: {  	s21 =	simm.s32 $0xA900;
	v3 =	vperm.xlane v3, v2  }
0x65: {  	[hbm4b:s9+s2] =	stream.indirect_vreg.scatter [tilespmem:s21], [sflag:$0x5], $0x80, v4, vm0, $0xb8;
	[tilespmem:$0x18100] =	vst v63  }
0x66: {  	s24 =	simm.s32 $0xB100;
	v3 =	vadd.s32 v1, v3  }
0x67: {  	[hbm4b:s10+s2] =	stream.indirect_vreg.scatter [tilespmem:s24], [sflag:$0x5], $0x80, v4, vm0, $0xb8;
	[tilespmem:$0x18100] =	vst v63  }
0x68: {  	s25 =	simm.s32 $0xB900  }
0x69: {  	[hbm4b:s11+s2] =	stream.indirect_vreg.scatter [tilespmem:s25], [sflag:$0x5], $0x80, v4, vm0, $0xb8;
	[tilespmem:$0x18100] =	vst v63  }
0x6a: {  	s26 =	simm.s32 $0xC100  }
0x6b: {  	[hbm4b:s4+s2] =	stream.indirect_vreg.scatter [tilespmem:s26], [sflag:$0x5], $0x80, v3, vm0, $0xb8;
	[tilespmem:$0x18100] =	vst v63  }
0x6c: {  	s28 =	simm.s32 $0xC900  }
0x6d: {  	[hbm4b:s5+s2] =	stream.indirect_vreg.scatter [tilespmem:s28], [sflag:$0x5], $0x80, v3, vm0, $0xb8;
	[tilespmem:$0x18100] =	vst v63  }
0x6e: {  	s29 =	simm.s32 $0xD100  }
0x6f: {  	[hbm4b:s6+s2] =	stream.indirect_vreg.scatter [tilespmem:s29], [sflag:$0x5], $0x80, v3, vm0, $0xb8;
	[tilespmem:$0x18100] =	vst v63  }
0x70: {  	s30 =	simm.s32 $0xD900  }
0x71: {  	[hbm4b:s7+s2] =	stream.indirect_vreg.scatter [tilespmem:s30], [sflag:$0x5], $0x80, v3, vm0, $0xb8;
	[tilespmem:$0x18100] =	vst v63  }
0x72: {  	s31 =	simm.s32 $0xE100  }
0x73: {  	[hbm4b:s8+s2] =	stream.indirect_vreg.scatter [tilespmem:s31], [sflag:$0x5], $0x80, v3, vm0, $0xb8;
	[tilespmem:$0x18100] =	vst v63  }
0x74: {  	s14 =	simm.s32 $0xE900  }
0x75: {  	[hbm4b:s9+s2] =	stream.indirect_vreg.scatter [tilespmem:s14], [sflag:$0x5], $0x80, v3, vm0, $0xb8;
	[tilespmem:$0x18100] =	vst v63  }
0x76: {  	s15 =	simm.s32 $0xF100  }
0x77: {  	[hbm4b:s10+s2] =	stream.indirect_vreg.scatter [tilespmem:s15], [sflag:$0x5], $0x80, v3, vm0, $0xb8;
	[tilespmem:$0x18100] =	vst v63  }
0x78: {  	s21 =	simm.s32 $0xF900  }
0x79: {  	[hbm4b:s11+s2] =	stream.indirect_vreg.scatter [tilespmem:s21], [sflag:$0x5], $0x80, v3, vm0, $0xb8;
	[tilespmem:$0x18100] =	vst v63  }
0x7a: {  	_ =	swait.ge [sflag:s18], $0x8000  }
0x7b: {  	[sflag:s18] =	ssyncset.done $0x0  }
0x7c: {  	s24 =	rddreg [dreg:$0x7];
	[sflag:s18] =	ssyncadd.s32 $0xFFFF8000  }
0x7d: {  	[tilespmem:s1], [sflag:$0x2] =	stream.linear.gather [hbm4b:s24+s2], $0x8000, $0x38;
	[tilespmem:$0x18100] =	vst v63  }
0x7e: {  	_ =	swait.ge [sflag:s19], $0x8000  }
0x7f: {  	[sflag:s19] =	ssyncset.done $0x0  }
0x80: {  	[sflag:s19] =	ssyncadd.s32 $0xFFFF8000  }
0x81: {  	v3 =	vld [tilespmem:$0x20];
	_ =	sdelay $0x4  }
0x82: {  	v50 =	vshll.u32 v3, $0x4  }
0x83: {  	v3 =	vand.u32 $0x7, v3;
	v4 =	vand.u32 $0xFFFFFF80, v50  }
0x84: {  	v3 =	vor.u32 v3, v4  }
0x85: {  	v4 =	vperm.xlane v3, v0;
	_ =	sdelay $0x1  }
0x86: {  	v4 =	vadd.s32 v1, v4;
	_ =	sdelay $0x3  }
0x87: {  	s0 =	simm.s32 $0x10100  }
0x88: {  	[hbm4b:s4+s2] =	stream.indirect_vreg.scatter [tilespmem:s0], [sflag:$0x6], $0x80, v4, vm0, $0xb8;
	[tilespmem:$0x18100] =	vst v63  }
0x89: {  	s25 =	simm.s32 $0x10900  }
0x8a: {  	[hbm4b:s5+s2] =	stream.indirect_vreg.scatter [tilespmem:s25], [sflag:$0x6], $0x80, v4, vm0, $0xb8;
	[tilespmem:$0x18100] =	vst v63  }
0x8b: {  	s26 =	simm.s32 $0x11100  }
0x8c: {  	[hbm4b:s6+s2] =	stream.indirect_vreg.scatter [tilespmem:s26], [sflag:$0x6], $0x80, v4, vm0, $0xb8;
	[tilespmem:$0x18100] =	vst v63  }
0x8d: {  	s28 =	simm.s32 $0x11900  }
0x8e: {  	[hbm4b:s7+s2] =	stream.indirect_vreg.scatter [tilespmem:s28], [sflag:$0x6], $0x80, v4, vm0, $0xb8;
	[tilespmem:$0x18100] =	vst v63  }
0x8f: {  	s29 =	simm.s32 $0x12100  }
0x90: {  	[hbm4b:s8+s2] =	stream.indirect_vreg.scatter [tilespmem:s29], [sflag:$0x6], $0x80, v4, vm0, $0xb8;
	[tilespmem:$0x18100] =	vst v63  }
0x91: {  	s30 =	simm.s32 $0x12900;
	v3 =	vperm.xlane v3, v2  }
0x92: {  	[hbm4b:s9+s2] =	stream.indirect_vreg.scatter [tilespmem:s30], [sflag:$0x6], $0x80, v4, vm0, $0xb8;
	[tilespmem:$0x18100] =	vst v63  }
0x93: {  	s31 =	simm.s32 $0x13100;
	v3 =	vadd.s32 v1, v3  }
0x94: {  	[hbm4b:s10+s2] =	stream.indirect_vreg.scatter [tilespmem:s31], [sflag:$0x6], $0x80, v4, vm0, $0xb8;
	[tilespmem:$0x18100] =	vst v63  }
0x95: {  	s14 =	simm.s32 $0x13900  }
0x96: {  	[hbm4b:s11+s2] =	stream.indirect_vreg.scatter [tilespmem:s14], [sflag:$0x6], $0x80, v4, vm0, $0xb8;
	[tilespmem:$0x18100] =	vst v63  }
0x97: {  	s15 =	simm.s32 $0x14100  }
0x98: {  	[hbm4b:s4+s2] =	stream.indirect_vreg.scatter [tilespmem:s15], [sflag:$0x6], $0x80, v3, vm0, $0xb8;
	[tilespmem:$0x18100] =	vst v63  }
0x99: {  	s21 =	simm.s32 $0x14900  }
0x9a: {  	[hbm4b:s5+s2] =	stream.indirect_vreg.scatter [tilespmem:s21], [sflag:$0x6], $0x80, v3, vm0, $0xb8;
	[tilespmem:$0x18100] =	vst v63  }
0x9b: {  	s24 =	simm.s32 $0x15100  }
0x9c: {  	[hbm4b:s6+s2] =	stream.indirect_vreg.scatter [tilespmem:s24], [sflag:$0x6], $0x80, v3, vm0, $0xb8;
	[tilespmem:$0x18100] =	vst v63  }
0x9d: {  	s25 =	simm.s32 $0x15900  }
0x9e: {  	[hbm4b:s7+s2] =	stream.indirect_vreg.scatter [tilespmem:s25], [sflag:$0x6], $0x80, v3, vm0, $0xb8;
	[tilespmem:$0x18100] =	vst v63  }
0x9f: {  	s26 =	simm.s32 $0x16100  }
0xa0: {  	[hbm4b:s8+s2] =	stream.indirect_vreg.scatter [tilespmem:s26], [sflag:$0x6], $0x80, v3, vm0, $0xb8;
	[tilespmem:$0x18100] =	vst v63  }
0xa1: {  	s28 =	simm.s32 $0x16900  }
0xa2: {  	[hbm4b:s9+s2] =	stream.indirect_vreg.scatter [tilespmem:s28], [sflag:$0x6], $0x80, v3, vm0, $0xb8;
	[tilespmem:$0x18100] =	vst v63  }
0xa3: {  	s29 =	simm.s32 $0x17100  }
0xa4: {  	[hbm4b:s10+s2] =	stream.indirect_vreg.scatter [tilespmem:s29], [sflag:$0x6], $0x80, v3, vm0, $0xb8;
	[tilespmem:$0x18100] =	vst v63  }
0xa5: {  	s30 =	simm.s32 $0x17900  }
0xa6: {  	[hbm4b:s11+s2] =	stream.indirect_vreg.scatter [tilespmem:s30], [sflag:$0x6], $0x80, v3, vm0, $0xb8;
	[tilespmem:$0x18100] =	vst v63  }
0xa7: {  	_ =	swait.ge [sflag:s20], $0x8000  }
0xa8: {  	[sflag:s20] =	ssyncset.done $0x0  }
0xa9: {  	s31 =	rddreg [dreg:$0x8];
	[sflag:s20] =	ssyncadd.s32 $0xFFFF8000  }
0xaa: {  	[tilespmem:s0], [sflag:$0x3] =	stream.linear.gather [hbm4b:s31+s2], $0x8000, $0x38;
	[tilespmem:$0x18100] =	vst v63  }
0xab: {  	_ =	swait.ge [sflag:s17], $0x8000  }
0xac: {  	[sflag:s17] =	ssyncset.done $0x0  }
0xad: {  	[sflag:s17] =	ssyncadd.s32 $0xFFFF8000  }
0xae: {  	v3 =	vld [tilespmem:$0x30];
	_ =	sdelay $0x4  }
0xaf: {  	v51 =	vshll.u32 v3, $0x4  }
0xb0: {  	v3 =	vand.u32 $0x7, v3;
	v4 =	vand.u32 $0xFFFFFF80, v51  }
0xb1: {  	v3 =	vor.u32 v3, v4  }
0xb2: {  	v4 =	vperm.xlane v3, v0;
	_ =	sdelay $0x1  }
0xb3: {  	v4 =	vadd.s32 v1, v4;
	_ =	sdelay $0x4  }
0xb4: {  	[hbm4b:s4+s2] =	stream.indirect_vreg.scatter [tilespmem:s23], [sflag:$0x4], $0x80, v4, vm0, $0xb8;
	[tilespmem:$0x18100] =	vst v63  }
0xb5: {  	s1 =	simm.s32 $0x900  }
0xb6: {  	[hbm4b:s5+s2] =	stream.indirect_vreg.scatter [tilespmem:s1], [sflag:$0x4], $0x80, v4, vm0, $0xb8;
	[tilespmem:$0x18100] =	vst v63  }
0xb7: {  	s1 =	simm.s32 $0x1100  }
0xb8: {  	[hbm4b:s6+s2] =	stream.indirect_vreg.scatter [tilespmem:s1], [sflag:$0x4], $0x80, v4, vm0, $0xb8;
	[tilespmem:$0x18100] =	vst v63  }
0xb9: {  	s15 =	simm.s32 $0x1900  }
0xba: {  	[hbm4b:s7+s2] =	stream.indirect_vreg.scatter [tilespmem:s15], [sflag:$0x4], $0x80, v4, vm0, $0xb8;
	[tilespmem:$0x18100] =	vst v63  }
0xbb: {  	s12 =	simm.s32 $0x2100  }
0xbc: {  	[hbm4b:s8+s2] =	stream.indirect_vreg.scatter [tilespmem:s12], [sflag:$0x4], $0x80, v4, vm0, $0xb8;
	[tilespmem:$0x18100] =	vst v63  }
0xbd: {  	s13 =	simm.s32 $0x2900;
	v3 =	vperm.xlane v3, v2  }
0xbe: {  	[hbm4b:s9+s2] =	stream.indirect_vreg.scatter [tilespmem:s13], [sflag:$0x4], $0x80, v4, vm0, $0xb8;
	[tilespmem:$0x18100] =	vst v63  }
0xbf: {  	s14 =	simm.s32 $0x3100;
	v3 =	vadd.s32 v1, v3  }
0xc0: {  	[hbm4b:s10+s2] =	stream.indirect_vreg.scatter [tilespmem:s14], [sflag:$0x4], $0x80, v4, vm0, $0xb8;
	[tilespmem:$0x18100] =	vst v63  }
0xc1: {  	s24 =	simm.s32 $0x3900  }
0xc2: {  	[hbm4b:s11+s2] =	stream.indirect_vreg.scatter [tilespmem:s24], [sflag:$0x4], $0x80, v4, vm0, $0xb8;
	[tilespmem:$0x18100] =	vst v63  }
0xc3: {  	s25 =	simm.s32 $0x4100  }
0xc4: {  	[hbm4b:s4+s2] =	stream.indirect_vreg.scatter [tilespmem:s25], [sflag:$0x4], $0x80, v3, vm0, $0xb8;
	[tilespmem:$0x18100] =	vst v63  }
0xc5: {  	s26 =	simm.s32 $0x4900  }
0xc6: {  	[hbm4b:s5+s2] =	stream.indirect_vreg.scatter [tilespmem:s26], [sflag:$0x4], $0x80, v3, vm0, $0xb8;
	[tilespmem:$0x18100] =	vst v63  }
0xc7: {  	s28 =	simm.s32 $0x5100  }
0xc8: {  	[hbm4b:s6+s2] =	stream.indirect_vreg.scatter [tilespmem:s28], [sflag:$0x4], $0x80, v3, vm0, $0xb8;
	[tilespmem:$0x18100] =	vst v63  }
0xc9: {  	s29 =	simm.s32 $0x5900  }
0xca: {  	[hbm4b:s7+s2] =	stream.indirect_vreg.scatter [tilespmem:s29], [sflag:$0x4], $0x80, v3, vm0, $0xb8;
	[tilespmem:$0x18100] =	vst v63  }
0xcb: {  	s30 =	simm.s32 $0x6100  }
0xcc: {  	[hbm4b:s8+s2] =	stream.indirect_vreg.scatter [tilespmem:s30], [sflag:$0x4], $0x80, v3, vm0, $0xb8;
	[tilespmem:$0x18100] =	vst v63  }
0xcd: {  	s31 =	simm.s32 $0x6900  }
0xce: {  	[hbm4b:s9+s2] =	stream.indirect_vreg.scatter [tilespmem:s31], [sflag:$0x4], $0x80, v3, vm0, $0xb8;
	[tilespmem:$0x18100] =	vst v63  }
0xcf: {  	s12 =	simm.s32 $0x7100  }
0xd0: {  	[hbm4b:s10+s2] =	stream.indirect_vreg.scatter [tilespmem:s12], [sflag:$0x4], $0x80, v3, vm0, $0xb8;
	[tilespmem:$0x18100] =	vst v63  }
0xd1: {  	s22 =	simm.s32 $0x7900  }
0xd2: {  	[hbm4b:s11+s2] =	stream.indirect_vreg.scatter [tilespmem:s22], [sflag:$0x4], $0x80, v3, vm0, $0xb8;
	[tilespmem:$0x18100] =	vst v63  }
0xd3: {  	_ =	swait.ge [sflag:s3], $0x8000  }
0xd4: {  	[sflag:s3] =	ssyncset.done $0x0  }
0xd5: {  	s13 =	rddreg [dreg:$0x9];
	[sflag:s3] =	ssyncadd.s32 $0xFFFF8000  }
0xd6: {  	[tilespmem:s23], [sflag:$0x1] =	stream.linear.gather [hbm4b:s13+s2], $0x8000, $0x38;
	[tilespmem:$0x18100] =	vst v63  }
0xd7: {  	_ =	swait.ge [sflag:s16], $0x8000  }
0xd8: {  	[sflag:s16] =	ssyncset.done $0x0  }
0xd9: {  	[sflag:s16] =	ssyncadd.s32 $0xFFFF8000  }
0xda: {  	v3 =	vld [tilespmem:$0x40];
	_ =	sdelay $0x4  }
0xdb: {  	v52 =	vshll.u32 v3, $0x4  }
0xdc: {  	v3 =	vand.u32 $0x7, v3;
	v4 =	vand.u32 $0xFFFFFF80, v52  }
0xdd: {  	v3 =	vor.u32 v3, v4  }
0xde: {  	v4 =	vperm.xlane v3, v0;
	_ =	sdelay $0x1  }
0xdf: {  	v4 =	vadd.s32 v1, v4;
	_ =	sdelay $0x3  }
0xe0: {  	s0 =	simm.s32 $0x8100  }
0xe1: {  	[hbm4b:s4+s2] =	stream.indirect_vreg.scatter [tilespmem:s0], [sflag:$0x5], $0x80, v4, vm0, $0xb8;
	[tilespmem:$0x18100] =	vst v63  }
0xe2: {  	s13 =	simm.s32 $0x8900  }
0xe3: {  	[hbm4b:s5+s2] =	stream.indirect_vreg.scatter [tilespmem:s13], [sflag:$0x5], $0x80, v4, vm0, $0xb8;
	[tilespmem:$0x18100] =	vst v63  }
0xe4: {  	s22 =	simm.s32 $0x9100  }
0xe5: {  	[hbm4b:s6+s2] =	stream.indirect_vreg.scatter [tilespmem:s22], [sflag:$0x5], $0x80, v4, vm0, $0xb8;
	[tilespmem:$0x18100] =	vst v63  }
0xe6: {  	s21 =	simm.s32 $0x9900  }
0xe7: {  	[hbm4b:s7+s2] =	stream.indirect_vreg.scatter [tilespmem:s21], [sflag:$0x5], $0x80, v4, vm0, $0xb8;
	[tilespmem:$0x18100] =	vst v63  }
0xe8: {  	s21 =	simm.s32 $0xA100  }
0xe9: {  	[hbm4b:s8+s2] =	stream.indirect_vreg.scatter [tilespmem:s21], [sflag:$0x5], $0x80, v4, vm0, $0xb8;
	[tilespmem:$0x18100] =	vst v63  }
0xea: {  	v3 =	vperm.xlane v3, v2;
	s21 =	simm.s32 $0xA900  }
0xeb: {  	[hbm4b:s9+s2] =	stream.indirect_vreg.scatter [tilespmem:s21], [sflag:$0x5], $0x80, v4, vm0, $0xb8;
	[tilespmem:$0x18100] =	vst v63  }
0xec: {  	v3 =	vadd.s32 v1, v3;
	s21 =	simm.s32 $0xB100  }
0xed: {  	[hbm4b:s10+s2] =	stream.indirect_vreg.scatter [tilespmem:s21], [sflag:$0x5], $0x80, v4, vm0, $0xb8;
	[tilespmem:$0x18100] =	vst v63  }
0xee: {  	s21 =	simm.s32 $0xB900  }
0xef: {  	[hbm4b:s11+s2] =	stream.indirect_vreg.scatter [tilespmem:s21], [sflag:$0x5], $0x80, v4, vm0, $0xb8;
	[tilespmem:$0x18100] =	vst v63  }
0xf0: {  	s21 =	simm.s32 $0xC100  }
0xf1: {  	[hbm4b:s4+s2] =	stream.indirect_vreg.scatter [tilespmem:s21], [sflag:$0x5], $0x80, v3, vm0, $0xb8;
	[tilespmem:$0x18100] =	vst v63  }
0xf2: {  	s21 =	simm.s32 $0xC900  }
0xf3: {  	[hbm4b:s5+s2] =	stream.indirect_vreg.scatter [tilespmem:s21], [sflag:$0x5], $0x80, v3, vm0, $0xb8;
	[tilespmem:$0x18100] =	vst v63  }
0xf4: {  	s21 =	simm.s32 $0xD100  }
0xf5: {  	[hbm4b:s6+s2] =	stream.indirect_vreg.scatter [tilespmem:s21], [sflag:$0x5], $0x80, v3, vm0, $0xb8;
	[tilespmem:$0x18100] =	vst v63  }
0xf6: {  	s21 =	simm.s32 $0xD900  }
0xf7: {  	[hbm4b:s7+s2] =	stream.indirect_vreg.scatter [tilespmem:s21], [sflag:$0x5], $0x80, v3, vm0, $0xb8;
	[tilespmem:$0x18100] =	vst v63  }
0xf8: {  	s21 =	simm.s32 $0xE100  }
0xf9: {  	[hbm4b:s8+s2] =	stream.indirect_vreg.scatter [tilespmem:s21], [sflag:$0x5], $0x80, v3, vm0, $0xb8;
	[tilespmem:$0x18100] =	vst v63  }
0xfa: {  	s21 =	simm.s32 $0xE900  }
0xfb: {  	[hbm4b:s9+s2] =	stream.indirect_vreg.scatter [tilespmem:s21], [sflag:$0x5], $0x80, v3, vm0, $0xb8;
	[tilespmem:$0x18100] =	vst v63  }
0xfc: {  	s21 =	simm.s32 $0xF100  }
0xfd: {  	[hbm4b:s10+s2] =	stream.indirect_vreg.scatter [tilespmem:s21], [sflag:$0x5], $0x80, v3, vm0, $0xb8;
	[tilespmem:$0x18100] =	vst v63  }
0xfe: {  	s21 =	simm.s32 $0xF900  }
0xff: {  	[hbm4b:s11+s2] =	stream.indirect_vreg.scatter [tilespmem:s21], [sflag:$0x5], $0x80, v3, vm0, $0xb8;
	[tilespmem:$0x18100] =	vst v63  }
0x100: {  	_ =	swait.ge [sflag:s18], $0x8000  }
0x101: {  	[sflag:s18] =	ssyncset.done $0x0  }
0x102: {  	s21 =	rddreg [dreg:$0xa];
	[sflag:s18] =	ssyncadd.s32 $0xFFFF8000  }
0x103: {  	[tilespmem:s0], [sflag:$0x2] =	stream.linear.gather [hbm4b:s21+s2], $0x8000, $0x38;
	[tilespmem:$0x18100] =	vst v63  }
0x104: {  	_ =	swait.ge [sflag:s19], $0x8000  }
0x105: {  	[sflag:s19] =	ssyncset.done $0x0  }
0x106: {  	[sflag:s19] =	ssyncadd.s32 $0xFFFF8000  }
0x107: {  	v3 =	vld [tilespmem:$0x50];
	_ =	sdelay $0x4  }
0x108: {  	v53 =	vshll.u32 v3, $0x4  }
0x109: {  	v3 =	vand.u32 $0x7, v3;
	v4 =	vand.u32 $0xFFFFFF80, v53  }
0x10a: {  	v3 =	vor.u32 v3, v4  }
0x10b: {  	v4 =	vperm.xlane v3, v0;
	_ =	sdelay $0x1  }
0x10c: {  	v4 =	vadd.s32 v1, v4;
	_ =	sdelay $0x3  }
0x10d: {  	s0 =	simm.s32 $0x10100  }
0x10e: {  	[hbm4b:s4+s2] =	stream.indirect_vreg.scatter [tilespmem:s0], [sflag:$0x6], $0x80, v4, vm0, $0xb8;
	[tilespmem:$0x18100] =	vst v63  }
0x10f: {  	s21 =	simm.s32 $0x10900  }
0x110: {  	[hbm4b:s5+s2] =	stream.indirect_vreg.scatter [tilespmem:s21], [sflag:$0x6], $0x80, v4, vm0, $0xb8;
	[tilespmem:$0x18100] =	vst v63  }
0x111: {  	s21 =	simm.s32 $0x11100  }
0x112: {  	[hbm4b:s6+s2] =	stream.indirect_vreg.scatter [tilespmem:s21], [sflag:$0x6], $0x80, v4, vm0, $0xb8;
	[tilespmem:$0x18100] =	vst v63  }
0x113: {  	s21 =	simm.s32 $0x11900  }
0x114: {  	[hbm4b:s7+s2] =	stream.indirect_vreg.scatter [tilespmem:s21], [sflag:$0x6], $0x80, v4, vm0, $0xb8;
	[tilespmem:$0x18100] =	vst v63  }
0x115: {  	s21 =	simm.s32 $0x12100  }
0x116: {  	[hbm4b:s8+s2] =	stream.indirect_vreg.scatter [tilespmem:s21], [sflag:$0x6], $0x80, v4, vm0, $0xb8;
	[tilespmem:$0x18100] =	vst v63  }
0x117: {  	v3 =	vperm.xlane v3, v2;
	s21 =	simm.s32 $0x12900  }
0x118: {  	[hbm4b:s9+s2] =	stream.indirect_vreg.scatter [tilespmem:s21], [sflag:$0x6], $0x80, v4, vm0, $0xb8;
	[tilespmem:$0x18100] =	vst v63  }
0x119: {  	v3 =	vadd.s32 v1, v3;
	s21 =	simm.s32 $0x13100  }
0x11a: {  	[hbm4b:s10+s2] =	stream.indirect_vreg.scatter [tilespmem:s21], [sflag:$0x6], $0x80, v4, vm0, $0xb8;
	[tilespmem:$0x18100] =	vst v63  }
0x11b: {  	s21 =	simm.s32 $0x13900  }
0x11c: {  	[hbm4b:s11+s2] =	stream.indirect_vreg.scatter [tilespmem:s21], [sflag:$0x6], $0x80, v4, vm0, $0xb8;
	[tilespmem:$0x18100] =	vst v63  }
0x11d: {  	s21 =	simm.s32 $0x14100  }
0x11e: {  	[hbm4b:s4+s2] =	stream.indirect_vreg.scatter [tilespmem:s21], [sflag:$0x6], $0x80, v3, vm0, $0xb8;
	[tilespmem:$0x18100] =	vst v63  }
0x11f: {  	s21 =	simm.s32 $0x14900  }
0x120: {  	[hbm4b:s5+s2] =	stream.indirect_vreg.scatter [tilespmem:s21], [sflag:$0x6], $0x80, v3, vm0, $0xb8;
	[tilespmem:$0x18100] =	vst v63  }
0x121: {  	s21 =	simm.s32 $0x15100  }
0x122: {  	[hbm4b:s6+s2] =	stream.indirect_vreg.scatter [tilespmem:s21], [sflag:$0x6], $0x80, v3, vm0, $0xb8;
	[tilespmem:$0x18100] =	vst v63  }
0x123: {  	s21 =	simm.s32 $0x15900  }
0x124: {  	[hbm4b:s7+s2] =	stream.indirect_vreg.scatter [tilespmem:s21], [sflag:$0x6], $0x80, v3, vm0, $0xb8;
	[tilespmem:$0x18100] =	vst v63  }
0x125: {  	s21 =	simm.s32 $0x16100  }
0x126: {  	[hbm4b:s8+s2] =	stream.indirect_vreg.scatter [tilespmem:s21], [sflag:$0x6], $0x80, v3, vm0, $0xb8;
	[tilespmem:$0x18100] =	vst v63  }
0x127: {  	s21 =	simm.s32 $0x16900  }
0x128: {  	[hbm4b:s9+s2] =	stream.indirect_vreg.scatter [tilespmem:s21], [sflag:$0x6], $0x80, v3, vm0, $0xb8;
	[tilespmem:$0x18100] =	vst v63  }
0x129: {  	s21 =	simm.s32 $0x17100  }
0x12a: {  	[hbm4b:s10+s2] =	stream.indirect_vreg.scatter [tilespmem:s21], [sflag:$0x6], $0x80, v3, vm0, $0xb8;
	[tilespmem:$0x18100] =	vst v63  }
0x12b: {  	s21 =	simm.s32 $0x17900  }
0x12c: {  	[hbm4b:s11+s2] =	stream.indirect_vreg.scatter [tilespmem:s21], [sflag:$0x6], $0x80, v3, vm0, $0xb8;
	[tilespmem:$0x18100] =	vst v63  }
0x12d: {  	_ =	swait.ge [sflag:s20], $0x8000  }
0x12e: {  	[sflag:s20] =	ssyncset.done $0x0  }
0x12f: {  	s21 =	rddreg [dreg:$0xb];
	[sflag:s20] =	ssyncadd.s32 $0xFFFF8000  }
0x130: {  	[tilespmem:s0], [sflag:$0x3] =	stream.linear.gather [hbm4b:s21+s2], $0x8000, $0x38;
	[tilespmem:$0x18100] =	vst v63  }
0x131: {  	_ =	swait.ge [sflag:s17], $0x8000  }
0x132: {  	[sflag:s17] =	ssyncset.done $0x0  }
0x133: {  	[sflag:s17] =	ssyncadd.s32 $0xFFFF8000  }
0x134: {  	v3 =	vld [tilespmem:$0x60];
	_ =	sdelay $0x4  }
0x135: {  	v54 =	vshll.u32 v3, $0x4  }
0x136: {  	v3 =	vand.u32 $0x7, v3;
	v4 =	vand.u32 $0xFFFFFF80, v54  }
0x137: {  	v3 =	vor.u32 v3, v4  }
0x138: {  	v4 =	vperm.xlane v3, v0;
	_ =	sdelay $0x1  }
0x139: {  	v4 =	vadd.s32 v1, v4;
	_ =	sdelay $0x4  }
0x13a: {  	[hbm4b:s4+s2] =	stream.indirect_vreg.scatter [tilespmem:s23], [sflag:$0x4], $0x80, v4, vm0, $0xb8;
	[tilespmem:$0x18100] =	vst v63  }
0x13b: {  	s21 =	simm.s32 $0x900  }
0x13c: {  	[hbm4b:s5+s2] =	stream.indirect_vreg.scatter [tilespmem:s21], [sflag:$0x4], $0x80, v4, vm0, $0xb8;
	[tilespmem:$0x18100] =	vst v63  }
0x13d: {  	_ = 	snop  }
0x13e: {  	[hbm4b:s6+s2] =	stream.indirect_vreg.scatter [tilespmem:s1], [sflag:$0x4], $0x80, v4, vm0, $0xb8;
	[tilespmem:$0x18100] =	vst v63  }
0x13f: {  	_ = 	snop  }
0x140: {  	[hbm4b:s7+s2] =	stream.indirect_vreg.scatter [tilespmem:s15], [sflag:$0x4], $0x80, v4, vm0, $0xb8;
	[tilespmem:$0x18100] =	vst v63  }
0x141: {  	s21 =	simm.s32 $0x2100  }
0x142: {  	[hbm4b:s8+s2] =	stream.indirect_vreg.scatter [tilespmem:s21], [sflag:$0x4], $0x80, v4, vm0, $0xb8;
	[tilespmem:$0x18100] =	vst v63  }
0x143: {  	v3 =	vperm.xlane v3, v2;
	s21 =	simm.s32 $0x2900  }
0x144: {  	[hbm4b:s9+s2] =	stream.indirect_vreg.scatter [tilespmem:s21], [sflag:$0x4], $0x80, v4, vm0, $0xb8;
	[tilespmem:$0x18100] =	vst v63  }
0x145: {  	v3 =	vadd.s32 v1, v3  }
0x146: {  	[hbm4b:s10+s2] =	stream.indirect_vreg.scatter [tilespmem:s14], [sflag:$0x4], $0x80, v4, vm0, $0xb8;
	[tilespmem:$0x18100] =	vst v63  }
0x147: {  	_ = 	snop  }
0x148: {  	[hbm4b:s11+s2] =	stream.indirect_vreg.scatter [tilespmem:s24], [sflag:$0x4], $0x80, v4, vm0, $0xb8;
	[tilespmem:$0x18100] =	vst v63  }
0x149: {  	_ = 	snop  }
0x14a: {  	[hbm4b:s4+s2] =	stream.indirect_vreg.scatter [tilespmem:s25], [sflag:$0x4], $0x80, v3, vm0, $0xb8;
	[tilespmem:$0x18100] =	vst v63  }
0x14b: {  	_ = 	snop  }
0x14c: {  	[hbm4b:s5+s2] =	stream.indirect_vreg.scatter [tilespmem:s26], [sflag:$0x4], $0x80, v3, vm0, $0xb8;
	[tilespmem:$0x18100] =	vst v63  }
0x14d: {  	_ = 	snop  }
0x14e: {  	[hbm4b:s6+s2] =	stream.indirect_vreg.scatter [tilespmem:s28], [sflag:$0x4], $0x80, v3, vm0, $0xb8;
	[tilespmem:$0x18100] =	vst v63  }
0x14f: {  	_ = 	snop  }
0x150: {  	[hbm4b:s7+s2] =	stream.indirect_vreg.scatter [tilespmem:s29], [sflag:$0x4], $0x80, v3, vm0, $0xb8;
	[tilespmem:$0x18100] =	vst v63  }
0x151: {  	_ = 	snop  }
0x152: {  	[hbm4b:s8+s2] =	stream.indirect_vreg.scatter [tilespmem:s30], [sflag:$0x4], $0x80, v3, vm0, $0xb8;
	[tilespmem:$0x18100] =	vst v63  }
0x153: {  	_ = 	snop  }
0x154: {  	[hbm4b:s9+s2] =	stream.indirect_vreg.scatter [tilespmem:s31], [sflag:$0x4], $0x80, v3, vm0, $0xb8;
	[tilespmem:$0x18100] =	vst v63  }
0x155: {  	_ = 	snop  }
0x156: {  	[hbm4b:s10+s2] =	stream.indirect_vreg.scatter [tilespmem:s12], [sflag:$0x4], $0x80, v3, vm0, $0xb8;
	[tilespmem:$0x18100] =	vst v63  }
0x157: {  	s24 =	simm.s32 $0x7900  }
0x158: {  	[hbm4b:s11+s2] =	stream.indirect_vreg.scatter [tilespmem:s24], [sflag:$0x4], $0x80, v3, vm0, $0xb8;
	[tilespmem:$0x18100] =	vst v63  }
0x159: {  	_ =	swait.ge [sflag:s3], $0x8000  }
0x15a: {  	[sflag:s3] =	ssyncset.done $0x0  }
0x15b: {  	s12 =	rddreg [dreg:$0xc];
	[sflag:s3] =	ssyncadd.s32 $0xFFFF8000  }
0x15c: {  	[tilespmem:s23], [sflag:$0x1] =	stream.linear.gather [hbm4b:s12+s2], $0x8000, $0x38;
	[tilespmem:$0x18100] =	vst v63  }
0x15d: {  	_ =	swait.ge [sflag:s16], $0x8000  }
0x15e: {  	[sflag:s16] =	ssyncset.done $0x0  }
0x15f: {  	[sflag:s16] =	ssyncadd.s32 $0xFFFF8000  }
0x160: {  	v3 =	vld [tilespmem:$0x70];
	_ =	sdelay $0x4  }
0x161: {  	v55 =	vshll.u32 v3, $0x4  }
0x162: {  	v3 =	vand.u32 $0x7, v3;
	v4 =	vand.u32 $0xFFFFFF80, v55  }
0x163: {  	v3 =	vor.u32 v3, v4  }
0x164: {  	v4 =	vperm.xlane v3, v0;
	_ =	sdelay $0x1  }
0x165: {  	v4 =	vadd.s32 v1, v4;
	_ =	sdelay $0x3  }
0x166: {  	s1 =	simm.s32 $0x8100  }
0x167: {  	[hbm4b:s4+s2] =	stream.indirect_vreg.scatter [tilespmem:s1], [sflag:$0x5], $0x80, v4, vm0, $0xb8;
	[tilespmem:$0x18100] =	vst v63  }
0x168: {  	_ = 	snop  }
0x169: {  	[hbm4b:s5+s2] =	stream.indirect_vreg.scatter [tilespmem:s13], [sflag:$0x5], $0x80, v4, vm0, $0xb8;
	[tilespmem:$0x18100] =	vst v63  }
0x16a: {  	_ = 	snop  }
0x16b: {  	[hbm4b:s6+s2] =	stream.indirect_vreg.scatter [tilespmem:s22], [sflag:$0x5], $0x80, v4, vm0, $0xb8;
	[tilespmem:$0x18100] =	vst v63  }
0x16c: {  	s22 =	simm.s32 $0x9900  }
0x16d: {  	[hbm4b:s7+s2] =	stream.indirect_vreg.scatter [tilespmem:s22], [sflag:$0x5], $0x80, v4, vm0, $0xb8;
	[tilespmem:$0x18100] =	vst v63  }
0x16e: {  	s24 =	simm.s32 $0xA100  }
0x16f: {  	[hbm4b:s8+s2] =	stream.indirect_vreg.scatter [tilespmem:s24], [sflag:$0x5], $0x80, v4, vm0, $0xb8;
	[tilespmem:$0x18100] =	vst v63  }
0x170: {  	v3 =	vperm.xlane v3, v2;
	s22 =	simm.s32 $0xA900  }
0x171: {  	[hbm4b:s9+s2] =	stream.indirect_vreg.scatter [tilespmem:s22], [sflag:$0x5], $0x80, v4, vm0, $0xb8;
	[tilespmem:$0x18100] =	vst v63  }
0x172: {  	v3 =	vadd.s32 v1, v3;
	s24 =	simm.s32 $0xB100  }
0x173: {  	[hbm4b:s10+s2] =	stream.indirect_vreg.scatter [tilespmem:s24], [sflag:$0x5], $0x80, v4, vm0, $0xb8;
	[tilespmem:$0x18100] =	vst v63  }
0x174: {  	s22 =	simm.s32 $0xB900  }
0x175: {  	[hbm4b:s11+s2] =	stream.indirect_vreg.scatter [tilespmem:s22], [sflag:$0x5], $0x80, v4, vm0, $0xb8;
	[tilespmem:$0x18100] =	vst v63  }
0x176: {  	s24 =	simm.s32 $0xC100  }
0x177: {  	[hbm4b:s4+s2] =	stream.indirect_vreg.scatter [tilespmem:s24], [sflag:$0x5], $0x80, v3, vm0, $0xb8;
	[tilespmem:$0x18100] =	vst v63  }
0x178: {  	s22 =	simm.s32 $0xC900  }
0x179: {  	[hbm4b:s5+s2] =	stream.indirect_vreg.scatter [tilespmem:s22], [sflag:$0x5], $0x80, v3, vm0, $0xb8;
	[tilespmem:$0x18100] =	vst v63  }
0x17a: {  	s24 =	simm.s32 $0xD100  }
0x17b: {  	[hbm4b:s6+s2] =	stream.indirect_vreg.scatter [tilespmem:s24], [sflag:$0x5], $0x80, v3, vm0, $0xb8;
	[tilespmem:$0x18100] =	vst v63  }
0x17c: {  	s22 =	simm.s32 $0xD900  }
0x17d: {  	[hbm4b:s7+s2] =	stream.indirect_vreg.scatter [tilespmem:s22], [sflag:$0x5], $0x80, v3, vm0, $0xb8;
	[tilespmem:$0x18100] =	vst v63  }
0x17e: {  	s24 =	simm.s32 $0xE100  }
0x17f: {  	[hbm4b:s8+s2] =	stream.indirect_vreg.scatter [tilespmem:s24], [sflag:$0x5], $0x80, v3, vm0, $0xb8;
	[tilespmem:$0x18100] =	vst v63  }
0x180: {  	s22 =	simm.s32 $0xE900  }
0x181: {  	[hbm4b:s9+s2] =	stream.indirect_vreg.scatter [tilespmem:s22], [sflag:$0x5], $0x80, v3, vm0, $0xb8;
	[tilespmem:$0x18100] =	vst v63  }
0x182: {  	s24 =	simm.s32 $0xF100  }
0x183: {  	[hbm4b:s10+s2] =	stream.indirect_vreg.scatter [tilespmem:s24], [sflag:$0x5], $0x80, v3, vm0, $0xb8;
	[tilespmem:$0x18100] =	vst v63  }
0x184: {  	s22 =	simm.s32 $0xF900  }
0x185: {  	[hbm4b:s11+s2] =	stream.indirect_vreg.scatter [tilespmem:s22], [sflag:$0x5], $0x80, v3, vm0, $0xb8;
	[tilespmem:$0x18100] =	vst v63  }
0x186: {  	_ =	swait.ge [sflag:s18], $0x8000  }
0x187: {  	[sflag:s18] =	ssyncset.done $0x0  }
0x188: {  	s24 =	rddreg [dreg:$0xd];
	[sflag:s18] =	ssyncadd.s32 $0xFFFF8000  }
0x189: {  	[tilespmem:s1], [sflag:$0x2] =	stream.linear.gather [hbm4b:s24+s2], $0x8000, $0x38;
	[tilespmem:$0x18100] =	vst v63  }
0x18a: {  	_ =	swait.ge [sflag:s19], $0x8000  }
0x18b: {  	[sflag:s19] =	ssyncset.done $0x0  }
0x18c: {  	[sflag:s19] =	ssyncadd.s32 $0xFFFF8000  }
0x18d: {  	v3 =	vld [tilespmem:$0x80];
	_ =	sdelay $0x4  }
0x18e: {  	v56 =	vshll.u32 v3, $0x4  }
0x18f: {  	v3 =	vand.u32 $0x7, v3;
	v4 =	vand.u32 $0xFFFFFF80, v56  }
0x190: {  	v3 =	vor.u32 v3, v4  }
0x191: {  	v4 =	vperm.xlane v3, v0;
	_ =	sdelay $0x1  }
0x192: {  	v4 =	vadd.s32 v1, v4;
	_ =	sdelay $0x3  }
0x193: {  	s0 =	simm.s32 $0x10100  }
0x194: {  	[hbm4b:s4+s2] =	stream.indirect_vreg.scatter [tilespmem:s0], [sflag:$0x6], $0x80, v4, vm0, $0xb8;
	[tilespmem:$0x18100] =	vst v63  }
0x195: {  	s22 =	simm.s32 $0x10900  }
0x196: {  	[hbm4b:s5+s2] =	stream.indirect_vreg.scatter [tilespmem:s22], [sflag:$0x6], $0x80, v4, vm0, $0xb8;
	[tilespmem:$0x18100] =	vst v63  }
0x197: {  	s21 =	simm.s32 $0x11100  }
0x198: {  	[hbm4b:s6+s2] =	stream.indirect_vreg.scatter [tilespmem:s21], [sflag:$0x6], $0x80, v4, vm0, $0xb8;
	[tilespmem:$0x18100] =	vst v63  }
0x199: {  	s22 =	simm.s32 $0x11900  }
0x19a: {  	[hbm4b:s7+s2] =	stream.indirect_vreg.scatter [tilespmem:s22], [sflag:$0x6], $0x80, v4, vm0, $0xb8;
	[tilespmem:$0x18100] =	vst v63  }
0x19b: {  	s21 =	simm.s32 $0x12100  }
0x19c: {  	[hbm4b:s8+s2] =	stream.indirect_vreg.scatter [tilespmem:s21], [sflag:$0x6], $0x80, v4, vm0, $0xb8;
	[tilespmem:$0x18100] =	vst v63  }
0x19d: {  	v3 =	vperm.xlane v3, v2;
	s22 =	simm.s32 $0x12900  }
0x19e: {  	[hbm4b:s9+s2] =	stream.indirect_vreg.scatter [tilespmem:s22], [sflag:$0x6], $0x80, v4, vm0, $0xb8;
	[tilespmem:$0x18100] =	vst v63  }
0x19f: {  	v3 =	vadd.s32 v1, v3;
	s21 =	simm.s32 $0x13100  }
0x1a0: {  	[hbm4b:s10+s2] =	stream.indirect_vreg.scatter [tilespmem:s21], [sflag:$0x6], $0x80, v4, vm0, $0xb8;
	[tilespmem:$0x18100] =	vst v63  }
0x1a1: {  	s22 =	simm.s32 $0x13900  }
0x1a2: {  	[hbm4b:s11+s2] =	stream.indirect_vreg.scatter [tilespmem:s22], [sflag:$0x6], $0x80, v4, vm0, $0xb8;
	[tilespmem:$0x18100] =	vst v63  }
0x1a3: {  	s21 =	simm.s32 $0x14100  }
0x1a4: {  	[hbm4b:s4+s2] =	stream.indirect_vreg.scatter [tilespmem:s21], [sflag:$0x6], $0x80, v3, vm0, $0xb8;
	[tilespmem:$0x18100] =	vst v63  }
0x1a5: {  	s22 =	simm.s32 $0x14900  }
0x1a6: {  	[hbm4b:s5+s2] =	stream.indirect_vreg.scatter [tilespmem:s22], [sflag:$0x6], $0x80, v3, vm0, $0xb8;
	[tilespmem:$0x18100] =	vst v63  }
0x1a7: {  	s21 =	simm.s32 $0x15100  }
0x1a8: {  	[hbm4b:s6+s2] =	stream.indirect_vreg.scatter [tilespmem:s21], [sflag:$0x6], $0x80, v3, vm0, $0xb8;
	[tilespmem:$0x18100] =	vst v63  }
0x1a9: {  	s22 =	simm.s32 $0x15900  }
0x1aa: {  	[hbm4b:s7+s2] =	stream.indirect_vreg.scatter [tilespmem:s22], [sflag:$0x6], $0x80, v3, vm0, $0xb8;
	[tilespmem:$0x18100] =	vst v63  }
0x1ab: {  	s21 =	simm.s32 $0x16100  }
0x1ac: {  	[hbm4b:s8+s2] =	stream.indirect_vreg.scatter [tilespmem:s21], [sflag:$0x6], $0x80, v3, vm0, $0xb8;
	[tilespmem:$0x18100] =	vst v63  }
0x1ad: {  	s22 =	simm.s32 $0x16900  }
0x1ae: {  	[hbm4b:s9+s2] =	stream.indirect_vreg.scatter [tilespmem:s22], [sflag:$0x6], $0x80, v3, vm0, $0xb8;
	[tilespmem:$0x18100] =	vst v63  }
0x1af: {  	s21 =	simm.s32 $0x17100  }
0x1b0: {  	[hbm4b:s10+s2] =	stream.indirect_vreg.scatter [tilespmem:s21], [sflag:$0x6], $0x80, v3, vm0, $0xb8;
	[tilespmem:$0x18100] =	vst v63  }
0x1b1: {  	s22 =	simm.s32 $0x17900  }
0x1b2: {  	[hbm4b:s11+s2] =	stream.indirect_vreg.scatter [tilespmem:s22], [sflag:$0x6], $0x80, v3, vm0, $0xb8;
	[tilespmem:$0x18100] =	vst v63  }
0x1b3: {  	_ =	swait.ge [sflag:s20], $0x8000  }
0x1b4: {  	[sflag:s20] =	ssyncset.done $0x0  }
0x1b5: {  	s1 =	rddreg [dreg:$0xe];
	[sflag:s20] =	ssyncadd.s32 $0xFFFF8000  }
0x1b6: {  	[tilespmem:s0], [sflag:$0x3] =	stream.linear.gather [hbm4b:s1+s2], $0x8000, $0x38;
	[tilespmem:$0x18100] =	vst v63  }
0x1b7: {  	_ =	swait.ge [sflag:s17], $0x8000  }
0x1b8: {  	[sflag:s17] =	ssyncset.done $0x0  }
0x1b9: {  	[sflag:s17] =	ssyncadd.s32 $0xFFFF8000  }
0x1ba: {  	v3 =	vld [tilespmem:$0x90];
	_ =	sdelay $0x4  }
0x1bb: {  	v57 =	vshll.u32 v3, $0x4  }
0x1bc: {  	v3 =	vand.u32 $0x7, v3;
	v4 =	vand.u32 $0xFFFFFF80, v57  }
0x1bd: {  	v3 =	vor.u32 v3, v4  }
0x1be: {  	v4 =	vperm.xlane v3, v0;
	_ =	sdelay $0x1  }
0x1bf: {  	v4 =	vadd.s32 v1, v4;
	_ =	sdelay $0x4  }
0x1c0: {  	[hbm4b:s4+s2] =	stream.indirect_vreg.scatter [tilespmem:s23], [sflag:$0x4], $0x80, v4, vm0, $0xb8;
	[tilespmem:$0x18100] =	vst v63  }
0x1c1: {  	s22 =	simm.s32 $0x900  }
0x1c2: {  	[hbm4b:s5+s2] =	stream.indirect_vreg.scatter [tilespmem:s22], [sflag:$0x4], $0x80, v4, vm0, $0xb8;
	[tilespmem:$0x18100] =	vst v63  }
0x1c3: {  	s1 =	simm.s32 $0x1100  }
0x1c4: {  	[hbm4b:s6+s2] =	stream.indirect_vreg.scatter [tilespmem:s1], [sflag:$0x4], $0x80, v4, vm0, $0xb8;
	[tilespmem:$0x18100] =	vst v63  }
0x1c5: {  	s15 =	simm.s32 $0x1900  }
0x1c6: {  	[hbm4b:s7+s2] =	stream.indirect_vreg.scatter [tilespmem:s15], [sflag:$0x4], $0x80, v4, vm0, $0xb8;
	[tilespmem:$0x18100] =	vst v63  }
0x1c7: {  	s15 =	simm.s32 $0x2100  }
0x1c8: {  	[hbm4b:s8+s2] =	stream.indirect_vreg.scatter [tilespmem:s15], [sflag:$0x4], $0x80, v4, vm0, $0xb8;
	[tilespmem:$0x18100] =	vst v63  }
0x1c9: {  	s21 =	simm.s32 $0x2900;
	v3 =	vperm.xlane v3, v2  }
0x1ca: {  	[hbm4b:s9+s2] =	stream.indirect_vreg.scatter [tilespmem:s21], [sflag:$0x4], $0x80, v4, vm0, $0xb8;
	[tilespmem:$0x18100] =	vst v63  }
0x1cb: {  	s14 =	simm.s32 $0x3100;
	v3 =	vadd.s32 v1, v3  }
0x1cc: {  	[hbm4b:s10+s2] =	stream.indirect_vreg.scatter [tilespmem:s14], [sflag:$0x4], $0x80, v4, vm0, $0xb8;
	[tilespmem:$0x18100] =	vst v63  }
0x1cd: {  	s22 =	simm.s32 $0x3900  }
0x1ce: {  	[hbm4b:s11+s2] =	stream.indirect_vreg.scatter [tilespmem:s22], [sflag:$0x4], $0x80, v4, vm0, $0xb8;
	[tilespmem:$0x18100] =	vst v63  }
0x1cf: {  	s25 =	simm.s32 $0x4100  }
0x1d0: {  	[hbm4b:s4+s2] =	stream.indirect_vreg.scatter [tilespmem:s25], [sflag:$0x4], $0x80, v3, vm0, $0xb8;
	[tilespmem:$0x18100] =	vst v63  }
0x1d1: {  	s26 =	simm.s32 $0x4900  }
0x1d2: {  	[hbm4b:s5+s2] =	stream.indirect_vreg.scatter [tilespmem:s26], [sflag:$0x4], $0x80, v3, vm0, $0xb8;
	[tilespmem:$0x18100] =	vst v63  }
0x1d3: {  	s28 =	simm.s32 $0x5100  }
0x1d4: {  	[hbm4b:s6+s2] =	stream.indirect_vreg.scatter [tilespmem:s28], [sflag:$0x4], $0x80, v3, vm0, $0xb8;
	[tilespmem:$0x18100] =	vst v63  }
0x1d5: {  	s29 =	simm.s32 $0x5900  }
0x1d6: {  	[hbm4b:s7+s2] =	stream.indirect_vreg.scatter [tilespmem:s29], [sflag:$0x4], $0x80, v3, vm0, $0xb8;
	[tilespmem:$0x18100] =	vst v63  }
0x1d7: {  	s30 =	simm.s32 $0x6100  }
0x1d8: {  	[hbm4b:s8+s2] =	stream.indirect_vreg.scatter [tilespmem:s30], [sflag:$0x4], $0x80, v3, vm0, $0xb8;
	[tilespmem:$0x18100] =	vst v63  }
0x1d9: {  	s31 =	simm.s32 $0x6900  }
0x1da: {  	[hbm4b:s9+s2] =	stream.indirect_vreg.scatter [tilespmem:s31], [sflag:$0x4], $0x80, v3, vm0, $0xb8;
	[tilespmem:$0x18100] =	vst v63  }
0x1db: {  	s1 =	simm.s32 $0x7100  }
0x1dc: {  	[hbm4b:s10+s2] =	stream.indirect_vreg.scatter [tilespmem:s1], [sflag:$0x4], $0x80, v3, vm0, $0xb8;
	[tilespmem:$0x18100] =	vst v63  }
0x1dd: {  	s14 =	simm.s32 $0x7900  }
0x1de: {  	[hbm4b:s11+s2] =	stream.indirect_vreg.scatter [tilespmem:s14], [sflag:$0x4], $0x80, v3, vm0, $0xb8;
	[tilespmem:$0x18100] =	vst v63  }
0x1df: {  	_ =	swait.ge [sflag:s3], $0x8000  }
0x1e0: {  	[sflag:s3] =	ssyncset.done $0x0  }
0x1e1: {  	s15 =	rddreg [dreg:$0xf];
	[sflag:s3] =	ssyncadd.s32 $0xFFFF8000  }
0x1e2: {  	[tilespmem:s23], [sflag:$0x1] =	stream.linear.gather [hbm4b:s15+s2], $0x8000, $0x38;
	[tilespmem:$0x18100] =	vst v63  }
0x1e3: {  	_ =	swait.ge [sflag:s16], $0x8000  }
0x1e4: {  	[sflag:s16] =	ssyncset.done $0x0  }
0x1e5: {  	[sflag:s16] =	ssyncadd.s32 $0xFFFF8000  }
0x1e6: {  	v3 =	vld [tilespmem:$0xA0];
	_ =	sdelay $0x4  }
0x1e7: {  	v58 =	vshll.u32 v3, $0x4  }
0x1e8: {  	v3 =	vand.u32 $0x7, v3;
	v4 =	vand.u32 $0xFFFFFF80, v58  }
0x1e9: {  	v3 =	vor.u32 v3, v4  }
0x1ea: {  	v4 =	vperm.xlane v3, v0;
	_ =	sdelay $0x1  }
0x1eb: {  	v4 =	vadd.s32 v1, v4;
	_ =	sdelay $0x3  }
0x1ec: {  	s24 =	simm.s32 $0x8100  }
0x1ed: {  	[hbm4b:s4+s2] =	stream.indirect_vreg.scatter [tilespmem:s24], [sflag:$0x5], $0x80, v4, vm0, $0xb8;
	[tilespmem:$0x18100] =	vst v63  }
0x1ee: {  	s12 =	simm.s32 $0x8900  }
0x1ef: {  	[hbm4b:s5+s2] =	stream.indirect_vreg.scatter [tilespmem:s12], [sflag:$0x5], $0x80, v4, vm0, $0xb8;
	[tilespmem:$0x18100] =	vst v63  }
0x1f0: {  	s13 =	simm.s32 $0x9100  }
0x1f1: {  	[hbm4b:s6+s2] =	stream.indirect_vreg.scatter [tilespmem:s13], [sflag:$0x5], $0x80, v4, vm0, $0xb8;
	[tilespmem:$0x18100] =	vst v63  }
0x1f2: {  	s22 =	simm.s32 $0x9900  }
0x1f3: {  	[hbm4b:s7+s2] =	stream.indirect_vreg.scatter [tilespmem:s22], [sflag:$0x5], $0x80, v4, vm0, $0xb8;
	[tilespmem:$0x18100] =	vst v63  }
0x1f4: {  	s25 =	simm.s32 $0xA100  }
0x1f5: {  	[hbm4b:s8+s2] =	stream.indirect_vreg.scatter [tilespmem:s25], [sflag:$0x5], $0x80, v4, vm0, $0xb8;
	[tilespmem:$0x18100] =	vst v63  }
0x1f6: {  	s26 =	simm.s32 $0xA900;
	v3 =	vperm.xlane v3, v2  }
0x1f7: {  	[hbm4b:s9+s2] =	stream.indirect_vreg.scatter [tilespmem:s26], [sflag:$0x5], $0x80, v4, vm0, $0xb8;
	[tilespmem:$0x18100] =	vst v63  }
0x1f8: {  	s28 =	simm.s32 $0xB100;
	v3 =	vadd.s32 v1, v3  }
0x1f9: {  	[hbm4b:s10+s2] =	stream.indirect_vreg.scatter [tilespmem:s28], [sflag:$0x5], $0x80, v4, vm0, $0xb8;
	[tilespmem:$0x18100] =	vst v63  }
0x1fa: {  	s29 =	simm.s32 $0xB900  }
0x1fb: {  	[hbm4b:s11+s2] =	stream.indirect_vreg.scatter [tilespmem:s29], [sflag:$0x5], $0x80, v4, vm0, $0xb8;
	[tilespmem:$0x18100] =	vst v63  }
0x1fc: {  	s30 =	simm.s32 $0xC100  }
0x1fd: {  	[hbm4b:s4+s2] =	stream.indirect_vreg.scatter [tilespmem:s30], [sflag:$0x5], $0x80, v3, vm0, $0xb8;
	[tilespmem:$0x18100] =	vst v63  }
0x1fe: {  	s31 =	simm.s32 $0xC900  }
0x1ff: {  	[hbm4b:s5+s2] =	stream.indirect_vreg.scatter [tilespmem:s31], [sflag:$0x5], $0x80, v3, vm0, $0xb8;
	[tilespmem:$0x18100] =	vst v63  }
0x200: {  	s0 =	simm.s32 $0xD100  }
0x201: {  	[hbm4b:s6+s2] =	stream.indirect_vreg.scatter [tilespmem:s0], [sflag:$0x5], $0x80, v3, vm0, $0xb8;
	[tilespmem:$0x18100] =	vst v63  }
0x202: {  	s1 =	simm.s32 $0xD900  }
0x203: {  	[hbm4b:s7+s2] =	stream.indirect_vreg.scatter [tilespmem:s1], [sflag:$0x5], $0x80, v3, vm0, $0xb8;
	[tilespmem:$0x18100] =	vst v63  }
0x204: {  	s12 =	simm.s32 $0xE100  }
0x205: {  	[hbm4b:s8+s2] =	stream.indirect_vreg.scatter [tilespmem:s12], [sflag:$0x5], $0x80, v3, vm0, $0xb8;
	[tilespmem:$0x18100] =	vst v63  }
0x206: {  	s13 =	simm.s32 $0xE900  }
0x207: {  	[hbm4b:s9+s2] =	stream.indirect_vreg.scatter [tilespmem:s13], [sflag:$0x5], $0x80, v3, vm0, $0xb8;
	[tilespmem:$0x18100] =	vst v63  }
0x208: {  	s14 =	simm.s32 $0xF100  }
0x209: {  	[hbm4b:s10+s2] =	stream.indirect_vreg.scatter [tilespmem:s14], [sflag:$0x5], $0x80, v3, vm0, $0xb8;
	[tilespmem:$0x18100] =	vst v63  }
0x20a: {  	s15 =	simm.s32 $0xF900  }
0x20b: {  	[hbm4b:s11+s2] =	stream.indirect_vreg.scatter [tilespmem:s15], [sflag:$0x5], $0x80, v3, vm0, $0xb8;
	[tilespmem:$0x18100] =	vst v63  }
0x20c: {  	_ =	swait.ge [sflag:s18], $0x8000  }
0x20d: {  	[sflag:s18] =	ssyncset.done $0x0  }
0x20e: {  	s22 =	rddreg [dreg:$0x10];
	[sflag:s18] =	ssyncadd.s32 $0xFFFF8000  }
0x20f: {  	[tilespmem:s24], [sflag:$0x2] =	stream.linear.gather [hbm4b:s22+s2], $0x8000, $0x38;
	[tilespmem:$0x18100] =	vst v63  }
0x210: {  	_ =	swait.ge [sflag:s19], $0x8000  }
0x211: {  	[sflag:s19] =	ssyncset.done $0x0  }
0x212: {  	[sflag:s19] =	ssyncadd.s32 $0xFFFF8000  }
0x213: {  	v3 =	vld [tilespmem:$0xB0];
	_ =	sdelay $0x4  }
0x214: {  	v59 =	vshll.u32 v3, $0x4  }
0x215: {  	v3 =	vand.u32 $0x7, v3;
	v4 =	vand.u32 $0xFFFFFF80, v59  }
0x216: {  	v3 =	vor.u32 v3, v4  }
0x217: {  	v4 =	vperm.xlane v3, v0;
	_ =	sdelay $0x1  }
0x218: {  	v4 =	vadd.s32 v1, v4;
	_ =	sdelay $0x3  }
0x219: {  	s1 =	simm.s32 $0x10100  }
0x21a: {  	[hbm4b:s4+s2] =	stream.indirect_vreg.scatter [tilespmem:s1], [sflag:$0x6], $0x80, v4, vm0, $0xb8;
	[tilespmem:$0x18100] =	vst v63  }
0x21b: {  	s0 =	simm.s32 $0x10900  }
0x21c: {  	[hbm4b:s5+s2] =	stream.indirect_vreg.scatter [tilespmem:s0], [sflag:$0x6], $0x80, v4, vm0, $0xb8;
	[tilespmem:$0x18100] =	vst v63  }
0x21d: {  	s12 =	simm.s32 $0x11100  }
0x21e: {  	[hbm4b:s6+s2] =	stream.indirect_vreg.scatter [tilespmem:s12], [sflag:$0x6], $0x80, v4, vm0, $0xb8;
	[tilespmem:$0x18100] =	vst v63  }
0x21f: {  	s13 =	simm.s32 $0x11900  }
0x220: {  	[hbm4b:s7+s2] =	stream.indirect_vreg.scatter [tilespmem:s13], [sflag:$0x6], $0x80, v4, vm0, $0xb8;
	[tilespmem:$0x18100] =	vst v63  }
0x221: {  	s25 =	simm.s32 $0x12100  }
0x222: {  	[hbm4b:s8+s2] =	stream.indirect_vreg.scatter [tilespmem:s25], [sflag:$0x6], $0x80, v4, vm0, $0xb8;
	[tilespmem:$0x18100] =	vst v63  }
0x223: {  	s26 =	simm.s32 $0x12900;
	v3 =	vperm.xlane v3, v2  }
0x224: {  	[hbm4b:s9+s2] =	stream.indirect_vreg.scatter [tilespmem:s26], [sflag:$0x6], $0x80, v4, vm0, $0xb8;
	[tilespmem:$0x18100] =	vst v63  }
0x225: {  	s14 =	simm.s32 $0x13100;
	v3 =	vadd.s32 v1, v3  }
0x226: {  	[hbm4b:s10+s2] =	stream.indirect_vreg.scatter [tilespmem:s14], [sflag:$0x6], $0x80, v4, vm0, $0xb8;
	[tilespmem:$0x18100] =	vst v63  }
0x227: {  	s15 =	simm.s32 $0x13900  }
0x228: {  	[hbm4b:s11+s2] =	stream.indirect_vreg.scatter [tilespmem:s15], [sflag:$0x6], $0x80, v4, vm0, $0xb8;
	[tilespmem:$0x18100] =	vst v63  }
0x229: {  	s28 =	simm.s32 $0x14100  }
0x22a: {  	[hbm4b:s4+s2] =	stream.indirect_vreg.scatter [tilespmem:s28], [sflag:$0x6], $0x80, v3, vm0, $0xb8;
	[tilespmem:$0x18100] =	vst v63  }
0x22b: {  	s29 =	simm.s32 $0x14900  }
0x22c: {  	[hbm4b:s5+s2] =	stream.indirect_vreg.scatter [tilespmem:s29], [sflag:$0x6], $0x80, v3, vm0, $0xb8;
	[tilespmem:$0x18100] =	vst v63  }
0x22d: {  	s30 =	simm.s32 $0x15100  }
0x22e: {  	[hbm4b:s6+s2] =	stream.indirect_vreg.scatter [tilespmem:s30], [sflag:$0x6], $0x80, v3, vm0, $0xb8;
	[tilespmem:$0x18100] =	vst v63  }
0x22f: {  	s31 =	simm.s32 $0x15900  }
0x230: {  	[hbm4b:s7+s2] =	stream.indirect_vreg.scatter [tilespmem:s31], [sflag:$0x6], $0x80, v3, vm0, $0xb8;
	[tilespmem:$0x18100] =	vst v63  }
0x231: {  	s22 =	simm.s32 $0x16100  }
0x232: {  	[hbm4b:s8+s2] =	stream.indirect_vreg.scatter [tilespmem:s22], [sflag:$0x6], $0x80, v3, vm0, $0xb8;
	[tilespmem:$0x18100] =	vst v63  }
0x233: {  	s25 =	simm.s32 $0x16900  }
0x234: {  	[hbm4b:s9+s2] =	stream.indirect_vreg.scatter [tilespmem:s25], [sflag:$0x6], $0x80, v3, vm0, $0xb8;
	[tilespmem:$0x18100] =	vst v63  }
0x235: {  	s26 =	simm.s32 $0x17100  }
0x236: {  	[hbm4b:s10+s2] =	stream.indirect_vreg.scatter [tilespmem:s26], [sflag:$0x6], $0x80, v3, vm0, $0xb8;
	[tilespmem:$0x18100] =	vst v63  }
0x237: {  	s28 =	simm.s32 $0x17900  }
0x238: {  	[hbm4b:s11+s2] =	stream.indirect_vreg.scatter [tilespmem:s28], [sflag:$0x6], $0x80, v3, vm0, $0xb8;
	[tilespmem:$0x18100] =	vst v63  }
0x239: {  	_ =	swait.ge [sflag:s20], $0x8000  }
0x23a: {  	[sflag:s20] =	ssyncset.done $0x0  }
0x23b: {  	s29 =	rddreg [dreg:$0x11];
	[sflag:s20] =	ssyncadd.s32 $0xFFFF8000  }
0x23c: {  	[tilespmem:s1], [sflag:$0x3] =	stream.linear.gather [hbm4b:s29+s2], $0x8000, $0x38;
	[tilespmem:$0x18100] =	vst v63  }
0x23d: {  	_ =	swait.ge [sflag:s17], $0x8000  }
0x23e: {  	[sflag:s17] =	ssyncset.done $0x0  }
0x23f: {  	[sflag:s17] =	ssyncadd.s32 $0xFFFF8000  }
0x240: {  	v3 =	vld [tilespmem:$0xC0];
	_ =	sdelay $0x4  }
0x241: {  	v60 =	vshll.u32 v3, $0x4  }
0x242: {  	v3 =	vand.u32 $0x7, v3;
	v4 =	vand.u32 $0xFFFFFF80, v60  }
0x243: {  	v3 =	vor.u32 v3, v4  }
0x244: {  	v4 =	vperm.xlane v3, v0;
	_ =	sdelay $0x1  }
0x245: {  	v4 =	vadd.s32 v1, v4;
	_ =	sdelay $0x4  }
0x246: {  	[hbm4b:s4+s2] =	stream.indirect_vreg.scatter [tilespmem:s23], [sflag:$0x4], $0x80, v4, vm0, $0xb8;
	[tilespmem:$0x18100] =	vst v63  }
0x247: {  	s30 =	simm.s32 $0x900  }
0x248: {  	[hbm4b:s5+s2] =	stream.indirect_vreg.scatter [tilespmem:s30], [sflag:$0x4], $0x80, v4, vm0, $0xb8;
	[tilespmem:$0x18100] =	vst v63  }
0x249: {  	s31 =	simm.s32 $0x1100  }
0x24a: {  	[hbm4b:s6+s2] =	stream.indirect_vreg.scatter [tilespmem:s31], [sflag:$0x4], $0x80, v4, vm0, $0xb8;
	[tilespmem:$0x18100] =	vst v63  }
0x24b: {  	s1 =	simm.s32 $0x1900  }
0x24c: {  	[hbm4b:s7+s2] =	stream.indirect_vreg.scatter [tilespmem:s1], [sflag:$0x4], $0x80, v4, vm0, $0xb8;
	[tilespmem:$0x18100] =	vst v63  }
0x24d: {  	s21 =	simm.s32 $0x2100  }
0x24e: {  	[hbm4b:s8+s2] =	stream.indirect_vreg.scatter [tilespmem:s21], [sflag:$0x4], $0x80, v4, vm0, $0xb8;
	[tilespmem:$0x18100] =	vst v63  }
0x24f: {  	s28 =	simm.s32 $0x2900;
	v3 =	vperm.xlane v3, v2  }
0x250: {  	[hbm4b:s9+s2] =	stream.indirect_vreg.scatter [tilespmem:s28], [sflag:$0x4], $0x80, v4, vm0, $0xb8;
	[tilespmem:$0x18100] =	vst v63  }
0x251: {  	s29 =	simm.s32 $0x3100;
	v3 =	vadd.s32 v1, v3  }
0x252: {  	[hbm4b:s10+s2] =	stream.indirect_vreg.scatter [tilespmem:s29], [sflag:$0x4], $0x80, v4, vm0, $0xb8;
	[tilespmem:$0x18100] =	vst v63  }
0x253: {  	s30 =	simm.s32 $0x3900  }
0x254: {  	[hbm4b:s11+s2] =	stream.indirect_vreg.scatter [tilespmem:s30], [sflag:$0x4], $0x80, v4, vm0, $0xb8;
	[tilespmem:$0x18100] =	vst v63  }
0x255: {  	s31 =	simm.s32 $0x4100  }
0x256: {  	[hbm4b:s4+s2] =	stream.indirect_vreg.scatter [tilespmem:s31], [sflag:$0x4], $0x80, v3, vm0, $0xb8;
	[tilespmem:$0x18100] =	vst v63  }
0x257: {  	s1 =	simm.s32 $0x4900  }
0x258: {  	[hbm4b:s5+s2] =	stream.indirect_vreg.scatter [tilespmem:s1], [sflag:$0x4], $0x80, v3, vm0, $0xb8;
	[tilespmem:$0x18100] =	vst v63  }
0x259: {  	s1 =	simm.s32 $0x5100  }
0x25a: {  	[hbm4b:s6+s2] =	stream.indirect_vreg.scatter [tilespmem:s1], [sflag:$0x4], $0x80, v3, vm0, $0xb8;
	[tilespmem:$0x18100] =	vst v63  }
0x25b: {  	s21 =	simm.s32 $0x5900  }
0x25c: {  	[hbm4b:s7+s2] =	stream.indirect_vreg.scatter [tilespmem:s21], [sflag:$0x4], $0x80, v3, vm0, $0xb8;
	[tilespmem:$0x18100] =	vst v63  }
0x25d: {  	s21 =	simm.s32 $0x6100  }
0x25e: {  	[hbm4b:s8+s2] =	stream.indirect_vreg.scatter [tilespmem:s21], [sflag:$0x4], $0x80, v3, vm0, $0xb8;
	[tilespmem:$0x18100] =	vst v63  }
0x25f: {  	s21 =	simm.s32 $0x6900  }
0x260: {  	[hbm4b:s9+s2] =	stream.indirect_vreg.scatter [tilespmem:s21], [sflag:$0x4], $0x80, v3, vm0, $0xb8;
	[tilespmem:$0x18100] =	vst v63  }
0x261: {  	s21 =	simm.s32 $0x7100  }
0x262: {  	[hbm4b:s10+s2] =	stream.indirect_vreg.scatter [tilespmem:s21], [sflag:$0x4], $0x80, v3, vm0, $0xb8;
	[tilespmem:$0x18100] =	vst v63  }
0x263: {  	s21 =	simm.s32 $0x7900  }
0x264: {  	[hbm4b:s11+s2] =	stream.indirect_vreg.scatter [tilespmem:s21], [sflag:$0x4], $0x80, v3, vm0, $0xb8;
	[tilespmem:$0x18100] =	vst v63  }
0x265: {  	_ =	swait.ge [sflag:s3], $0x8000  }
0x266: {  	[sflag:s3] =	ssyncset.done $0x0  }
0x267: {  	s21 =	rddreg [dreg:$0x12];
	[sflag:s3] =	ssyncadd.s32 $0xFFFF8000  }
0x268: {  	[tilespmem:s23], [sflag:$0x1] =	stream.linear.gather [hbm4b:s21+s2], $0x8000, $0x38;
	[tilespmem:$0x18100] =	vst v63  }
0x269: {  	_ =	swait.ge [sflag:s16], $0x8000  }
0x26a: {  	[sflag:s16] =	ssyncset.done $0x0  }
0x26b: {  	[sflag:s16] =	ssyncadd.s32 $0xFFFF8000  }
0x26c: {  	v3 =	vld [tilespmem:$0xD0];
	_ =	sdelay $0x4  }
0x26d: {  	v61 =	vshll.u32 v3, $0x4  }
0x26e: {  	v3 =	vand.u32 $0x7, v3;
	v4 =	vand.u32 $0xFFFFFF80, v61  }
0x26f: {  	v3 =	vor.u32 v3, v4  }
0x270: {  	v4 =	vperm.xlane v3, v0;
	_ =	sdelay $0x1  }
0x271: {  	v4 =	vadd.s32 v1, v4;
	_ =	sdelay $0x4  }
0x272: {  	[hbm4b:s4+s2] =	stream.indirect_vreg.scatter [tilespmem:s24], [sflag:$0x5], $0x80, v4, vm0, $0xb8;
	[tilespmem:$0x18100] =	vst v63  }
0x273: {  	s24 =	simm.s32 $0x8900  }
0x274: {  	[hbm4b:s5+s2] =	stream.indirect_vreg.scatter [tilespmem:s24], [sflag:$0x5], $0x80, v4, vm0, $0xb8;
	[tilespmem:$0x18100] =	vst v63  }
0x275: {  	s24 =	simm.s32 $0x9100  }
0x276: {  	[hbm4b:s6+s2] =	stream.indirect_vreg.scatter [tilespmem:s24], [sflag:$0x5], $0x80, v4, vm0, $0xb8;
	[tilespmem:$0x18100] =	vst v63  }
0x277: {  	s24 =	simm.s32 $0x9900  }
0x278: {  	[hbm4b:s7+s2] =	stream.indirect_vreg.scatter [tilespmem:s24], [sflag:$0x5], $0x80, v4, vm0, $0xb8;
	[tilespmem:$0x18100] =	vst v63  }
0x279: {  	s24 =	simm.s32 $0xA100  }
0x27a: {  	[hbm4b:s8+s2] =	stream.indirect_vreg.scatter [tilespmem:s24], [sflag:$0x5], $0x80, v4, vm0, $0xb8;
	[tilespmem:$0x18100] =	vst v63  }
0x27b: {  	v3 =	vperm.xlane v3, v2;
	s24 =	simm.s32 $0xA900  }
0x27c: {  	[hbm4b:s9+s2] =	stream.indirect_vreg.scatter [tilespmem:s24], [sflag:$0x5], $0x80, v4, vm0, $0xb8;
	[tilespmem:$0x18100] =	vst v63  }
0x27d: {  	v3 =	vadd.s32 v1, v3;
	s24 =	simm.s32 $0xB100  }
0x27e: {  	[hbm4b:s10+s2] =	stream.indirect_vreg.scatter [tilespmem:s24], [sflag:$0x5], $0x80, v4, vm0, $0xb8;
	[tilespmem:$0x18100] =	vst v63  }
0x27f: {  	s24 =	simm.s32 $0xB900  }
0x280: {  	[hbm4b:s11+s2] =	stream.indirect_vreg.scatter [tilespmem:s24], [sflag:$0x5], $0x80, v4, vm0, $0xb8;
	[tilespmem:$0x18100] =	vst v63  }
0x281: {  	s24 =	simm.s32 $0xC100  }
0x282: {  	[hbm4b:s4+s2] =	stream.indirect_vreg.scatter [tilespmem:s24], [sflag:$0x5], $0x80, v3, vm0, $0xb8;
	[tilespmem:$0x18100] =	vst v63  }
0x283: {  	s24 =	simm.s32 $0xC900  }
0x284: {  	[hbm4b:s5+s2] =	stream.indirect_vreg.scatter [tilespmem:s24], [sflag:$0x5], $0x80, v3, vm0, $0xb8;
	[tilespmem:$0x18100] =	vst v63  }
0x285: {  	s24 =	simm.s32 $0xD100  }
0x286: {  	[hbm4b:s6+s2] =	stream.indirect_vreg.scatter [tilespmem:s24], [sflag:$0x5], $0x80, v3, vm0, $0xb8;
	[tilespmem:$0x18100] =	vst v63  }
0x287: {  	s24 =	simm.s32 $0xD900  }
0x288: {  	[hbm4b:s7+s2] =	stream.indirect_vreg.scatter [tilespmem:s24], [sflag:$0x5], $0x80, v3, vm0, $0xb8;
	[tilespmem:$0x18100] =	vst v63  }
0x289: {  	s24 =	simm.s32 $0xE100  }
0x28a: {  	[hbm4b:s8+s2] =	stream.indirect_vreg.scatter [tilespmem:s24], [sflag:$0x5], $0x80, v3, vm0, $0xb8;
	[tilespmem:$0x18100] =	vst v63  }
0x28b: {  	s24 =	simm.s32 $0xE900  }
0x28c: {  	[hbm4b:s9+s2] =	stream.indirect_vreg.scatter [tilespmem:s24], [sflag:$0x5], $0x80, v3, vm0, $0xb8;
	[tilespmem:$0x18100] =	vst v63  }
0x28d: {  	s24 =	simm.s32 $0xF100  }
0x28e: {  	[hbm4b:s10+s2] =	stream.indirect_vreg.scatter [tilespmem:s24], [sflag:$0x5], $0x80, v3, vm0, $0xb8;
	[tilespmem:$0x18100] =	vst v63  }
0x28f: {  	s24 =	simm.s32 $0xF900  }
0x290: {  	[hbm4b:s11+s2] =	stream.indirect_vreg.scatter [tilespmem:s24], [sflag:$0x5], $0x80, v3, vm0, $0xb8;
	[tilespmem:$0x18100] =	vst v63  }
0x291: {  	_ =	swait.ge [sflag:s19], $0x8000  }
0x292: {  	[sflag:s19] =	ssyncset.done $0x0  }
0x293: {  	[sflag:s19] =	ssyncadd.s32 $0xFFFF8000  }
0x294: {  	v3 =	vld [tilespmem:$0xE0];
	_ =	sdelay $0x4  }
0x295: {  	v62 =	vshll.u32 v3, $0x4  }
0x296: {  	v3 =	vand.u32 $0x7, v3;
	v4 =	vand.u32 $0xFFFFFF80, v62  }
0x297: {  	v3 =	vor.u32 v3, v4  }
0x298: {  	v4 =	vperm.xlane v3, v0;
	_ =	sdelay $0x1  }
0x299: {  	v4 =	vadd.s32 v1, v4;
	_ =	sdelay $0x3  }
0x29a: {  	s22 =	simm.s32 $0x10100  }
0x29b: {  	[hbm4b:s4+s2] =	stream.indirect_vreg.scatter [tilespmem:s22], [sflag:$0x6], $0x80, v4, vm0, $0xb8;
	[tilespmem:$0x18100] =	vst v63  }
0x29c: {  	_ = 	snop  }
0x29d: {  	[hbm4b:s5+s2] =	stream.indirect_vreg.scatter [tilespmem:s0], [sflag:$0x6], $0x80, v4, vm0, $0xb8;
	[tilespmem:$0x18100] =	vst v63  }
0x29e: {  	_ = 	snop  }
0x29f: {  	[hbm4b:s6+s2] =	stream.indirect_vreg.scatter [tilespmem:s12], [sflag:$0x6], $0x80, v4, vm0, $0xb8;
	[tilespmem:$0x18100] =	vst v63  }
0x2a0: {  	_ = 	snop  }
0x2a1: {  	[hbm4b:s7+s2] =	stream.indirect_vreg.scatter [tilespmem:s13], [sflag:$0x6], $0x80, v4, vm0, $0xb8;
	[tilespmem:$0x18100] =	vst v63  }
0x2a2: {  	s12 =	simm.s32 $0x12100  }
0x2a3: {  	[hbm4b:s8+s2] =	stream.indirect_vreg.scatter [tilespmem:s12], [sflag:$0x6], $0x80, v4, vm0, $0xb8;
	[tilespmem:$0x18100] =	vst v63  }
0x2a4: {  	v3 =	vperm.xlane v3, v2;
	s13 =	simm.s32 $0x12900  }
0x2a5: {  	[hbm4b:s9+s2] =	stream.indirect_vreg.scatter [tilespmem:s13], [sflag:$0x6], $0x80, v4, vm0, $0xb8;
	[tilespmem:$0x18100] =	vst v63  }
0x2a6: {  	v3 =	vadd.s32 v1, v3  }
0x2a7: {  	[hbm4b:s10+s2] =	stream.indirect_vreg.scatter [tilespmem:s14], [sflag:$0x6], $0x80, v4, vm0, $0xb8;
	[tilespmem:$0x18100] =	vst v63  }
0x2a8: {  	_ = 	snop  }
0x2a9: {  	[hbm4b:s11+s2] =	stream.indirect_vreg.scatter [tilespmem:s15], [sflag:$0x6], $0x80, v4, vm0, $0xb8;
	[tilespmem:$0x18100] =	vst v63  }
0x2aa: {  	s15 =	simm.s32 $0x14100  }
0x2ab: {  	[hbm4b:s4+s2] =	stream.indirect_vreg.scatter [tilespmem:s15], [sflag:$0x6], $0x80, v3, vm0, $0xb8;
	[tilespmem:$0x18100] =	vst v63  }
0x2ac: {  	s21 =	simm.s32 $0x14900  }
0x2ad: {  	[hbm4b:s5+s2] =	stream.indirect_vreg.scatter [tilespmem:s21], [sflag:$0x6], $0x80, v3, vm0, $0xb8;
	[tilespmem:$0x18100] =	vst v63  }
0x2ae: {  	s22 =	simm.s32 $0x15100  }
0x2af: {  	[hbm4b:s6+s2] =	stream.indirect_vreg.scatter [tilespmem:s22], [sflag:$0x6], $0x80, v3, vm0, $0xb8;
	[tilespmem:$0x18100] =	vst v63  }
0x2b0: {  	s24 =	simm.s32 $0x15900  }
0x2b1: {  	[hbm4b:s7+s2] =	stream.indirect_vreg.scatter [tilespmem:s24], [sflag:$0x6], $0x80, v3, vm0, $0xb8;
	[tilespmem:$0x18100] =	vst v63  }
0x2b2: {  	s12 =	simm.s32 $0x16100  }
0x2b3: {  	[hbm4b:s8+s2] =	stream.indirect_vreg.scatter [tilespmem:s12], [sflag:$0x6], $0x80, v3, vm0, $0xb8;
	[tilespmem:$0x18100] =	vst v63  }
0x2b4: {  	s13 =	simm.s32 $0x16900  }
0x2b5: {  	[hbm4b:s9+s2] =	stream.indirect_vreg.scatter [tilespmem:s13], [sflag:$0x6], $0x80, v3, vm0, $0xb8;
	[tilespmem:$0x18100] =	vst v63  }
0x2b6: {  	s14 =	simm.s32 $0x17100  }
0x2b7: {  	[hbm4b:s10+s2] =	stream.indirect_vreg.scatter [tilespmem:s14], [sflag:$0x6], $0x80, v3, vm0, $0xb8;
	[tilespmem:$0x18100] =	vst v63  }
0x2b8: {  	s15 =	simm.s32 $0x17900  }
0x2b9: {  	[hbm4b:s11+s2] =	stream.indirect_vreg.scatter [tilespmem:s15], [sflag:$0x6], $0x80, v3, vm0, $0xb8;
	[tilespmem:$0x18100] =	vst v63  }
0x2ba: {  	_ =	swait.ge [sflag:s17], $0x8000  }
0x2bb: {  	[sflag:s17] =	ssyncset.done $0x0  }
0x2bc: {  	[sflag:s17] =	ssyncadd.s32 $0xFFFF8000  }
0x2bd: {  	v3 =	vld [tilespmem:$0xF0];
	_ =	sdelay $0x4  }
0x2be: {  	v63 =	vshll.u32 v3, $0x4  }
0x2bf: {  	v3 =	vand.u32 $0x7, v3;
	v4 =	vand.u32 $0xFFFFFF80, v63  }
0x2c0: {  	v3 =	vor.u32 v3, v4  }
0x2c1: {  	v4 =	vperm.xlane v3, v0;
	_ =	sdelay $0x1  }
0x2c2: {  	v4 =	vadd.s32 v1, v4;
	_ =	sdelay $0x4  }
0x2c3: {  	[hbm4b:s4+s2] =	stream.indirect_vreg.scatter [tilespmem:s23], [sflag:$0x4], $0x80, v4, vm0, $0xb8;
	[tilespmem:$0x18100] =	vst v63  }
0x2c4: {  	s21 =	simm.s32 $0x900  }
0x2c5: {  	[hbm4b:s5+s2] =	stream.indirect_vreg.scatter [tilespmem:s21], [sflag:$0x4], $0x80, v4, vm0, $0xb8;
	[tilespmem:$0x18100] =	vst v63  }
0x2c6: {  	s25 =	simm.s32 $0x1100  }
0x2c7: {  	[hbm4b:s6+s2] =	stream.indirect_vreg.scatter [tilespmem:s25], [sflag:$0x4], $0x80, v4, vm0, $0xb8;
	[tilespmem:$0x18100] =	vst v63  }
0x2c8: {  	s26 =	simm.s32 $0x1900  }
0x2c9: {  	[hbm4b:s7+s2] =	stream.indirect_vreg.scatter [tilespmem:s26], [sflag:$0x4], $0x80, v4, vm0, $0xb8;
	[tilespmem:$0x18100] =	vst v63  }
0x2ca: {  	s24 =	simm.s32 $0x2100  }
0x2cb: {  	[hbm4b:s8+s2] =	stream.indirect_vreg.scatter [tilespmem:s24], [sflag:$0x4], $0x80, v4, vm0, $0xb8;
	[tilespmem:$0x18100] =	vst v63  }
0x2cc: {  	v3 =	vperm.xlane v3, v2;
	s25 =	simm.s32 $0x2900  }
0x2cd: {  	[hbm4b:s9+s2] =	stream.indirect_vreg.scatter [tilespmem:s25], [sflag:$0x4], $0x80, v4, vm0, $0xb8;
	[tilespmem:$0x18100] =	vst v63  }
0x2ce: {  	s28 =	simm.s32 $0x3100;
	v3 =	vadd.s32 v1, v3  }
0x2cf: {  	[hbm4b:s10+s2] =	stream.indirect_vreg.scatter [tilespmem:s28], [sflag:$0x4], $0x80, v4, vm0, $0xb8;
	[tilespmem:$0x18100] =	vst v63  }
0x2d0: {  	s29 =	simm.s32 $0x3900  }
0x2d1: {  	[hbm4b:s11+s2] =	stream.indirect_vreg.scatter [tilespmem:s29], [sflag:$0x4], $0x80, v4, vm0, $0xb8;
	[tilespmem:$0x18100] =	vst v63  }
0x2d2: {  	s30 =	simm.s32 $0x4100  }
0x2d3: {  	[hbm4b:s4+s2] =	stream.indirect_vreg.scatter [tilespmem:s30], [sflag:$0x4], $0x80, v3, vm0, $0xb8;
	[tilespmem:$0x18100] =	vst v63  }
0x2d4: {  	s31 =	simm.s32 $0x4900  }
0x2d5: {  	[hbm4b:s5+s2] =	stream.indirect_vreg.scatter [tilespmem:s31], [sflag:$0x4], $0x80, v3, vm0, $0xb8;
	[tilespmem:$0x18100] =	vst v63  }
0x2d6: {  	_ = 	snop  }
0x2d7: {  	[hbm4b:s6+s2] =	stream.indirect_vreg.scatter [tilespmem:s1], [sflag:$0x4], $0x80, v3, vm0, $0xb8;
	[tilespmem:$0x18100] =	vst v63  }
0x2d8: {  	s26 =	simm.s32 $0x5900  }
0x2d9: {  	[hbm4b:s7+s2] =	stream.indirect_vreg.scatter [tilespmem:s26], [sflag:$0x4], $0x80, v3, vm0, $0xb8;
	[tilespmem:$0x18100] =	vst v63  }
0x2da: {  	s28 =	simm.s32 $0x6100  }
0x2db: {  	[hbm4b:s8+s2] =	stream.indirect_vreg.scatter [tilespmem:s28], [sflag:$0x4], $0x80, v3, vm0, $0xb8;
	[tilespmem:$0x18100] =	vst v63  }
0x2dc: {  	s29 =	simm.s32 $0x6900  }
0x2dd: {  	[hbm4b:s9+s2] =	stream.indirect_vreg.scatter [tilespmem:s29], [sflag:$0x4], $0x80, v3, vm0, $0xb8;
	[tilespmem:$0x18100] =	vst v63  }
0x2de: {  	s30 =	simm.s32 $0x7100  }
0x2df: {  	[hbm4b:s10+s2] =	stream.indirect_vreg.scatter [tilespmem:s30], [sflag:$0x4], $0x80, v3, vm0, $0xb8;
	[tilespmem:$0x18100] =	vst v63  }
0x2e0: {  	s31 =	simm.s32 $0x7900  }
0x2e1: {  	[hbm4b:s11+s2] =	stream.indirect_vreg.scatter [tilespmem:s31], [sflag:$0x4], $0x80, v3, vm0, $0xb8;
	[tilespmem:$0x18100] =	vst v63  }
0x2e2: {  	s22 =	rddreg [dreg:$0x14];
	_ =	swait.ge [sflag:s3], $0x8000  }
0x2e3: {  	[sflag:s3] =	ssyncset.done $0x0  }
0x2e4: {  	[sflag:s3] =	ssyncadd.s32 $0xFFFF8000  }
0x2e5: {  	p0 =	sne.s32 s22, $0x1;
	_ =	swait.ge [sflag:s18], $0x8000  }
.Ltmp0:
0x2e6: {  	[sflag:s18] =	ssyncset.done $0x0;
	(pc) =	sbr.rel @p0 .LBB2_1-.Ltmp0, $4  }
0x2e7: {  	[sflag:s18] =	ssyncadd.s32 $0xFFFF8000  }
0x2e8: {  	_ =	swait.ge [sflag:s20], $0x8000  }
0x2e9: {  	[sflag:s20] =	ssyncset.done $0x0  }
0x2ea: {  	s0 =	sadd.s32 $0xFFFFFFFF, s22;
	[sflag:s20] =	ssyncadd.s32 $0xFFFF8000  }
0x2eb: {  	_ =	sfence.sel $0x180000  }
0x2ec: {  	[bflag:$0x0] =	sbarrier.arrive $0xFFFF  }
0x2ed: {  	_ =	strace $0x90000047  }
0x2ee: {  	s0 =	stileid.u32;
	[bflag:$0x2] =	sbarrier.arrive $0xFFFF  }
0x2ef: {  	p0 =	sne.s32 s0, $0x0;
	s0 =	rddreg [dreg:$0x2]  }
0x2f0: {  	s0 =	sadd.s32 @!p0 $0x100000, s0  }
0x2f1: {  	[sflag:s0] =	ssyncadd.tile.s32 @!p0 $0x1;
	_ =	shalt  }
.Lfunc_end2:
_tile_overlayer_lowered:
.L_overlay_start_2:
0x2f2: {  	(tag) =	ssettag $0x2  }
0x2f3: {  	s0 =	rddreg [dreg:$0x0];
	s2 =	stileid.u32  }
0x2f4: {  	s1 =	rddreg [dreg:$0x1];
	p0 =	sne.s32 s2, $0x0  }
0x2f5: {  	s3 =	rddreg [dreg:$0x2];
	[bflag:$0x3] =	sbarrier.arrive $0xFFFF;
	s2 =	simm.s32 @!p0 $0x1C07  }
0x2f6: {  	[timem:s3], [sflag:s2] =	dma.local @!p0 [hbm:s0], s1  }
0x2f7: {  	s0 =	simm.s32 @!p0 $0x7  }
0x2f8: {  	_ =	swait.ge @!p0 [sflag:s0], s1  }
0x2f9: {  	s1 =	ssub.s32 @!p0 $0x0, s1;
	[sflag:s0] =	ssyncset.done @!p0 $0x0  }
0x2fa: {  	[sflag:s0] =	ssyncadd.s32 @!p0 s1  }
0x2fb: {  	[bflag:$0x3] =	sbarrier.arrive $0xFFFF  }
0x2fc: {  	_ =	shalt  }

// kernel: _run.9.cloned.1.call-start
scs
__scs_entry_jumppad:
0x0: {  	(pc) =	sbr.rel $0x88, $3  }
0x1: {  	(tag) =	ssettag $0x0;
	lr =	simm.s32 $0x1  }
0x2: {  	[smem:$0x3F9B] =	sst lr;
	_ =	strace $0xD0000000  }
0x3: {  	_ = 	snop  }
0x4: {  	_ = 	snop  }
0x5: {  	_ = 	snop  }
0x6: {  	_ = 	snop  }
0x7: {  	_ = 	snop  }
__scs_overlays_trampoline_lowered:
0x8: {  	[smem:$0x3FAA] =	sst s0  }
0x9: {  	[smem:$0x3FAB] =	sst s1  }
0xa: {  	[smem:$0x3FAC] =	sst s2  }
0xb: {  	[smem:$0x3FAD] =	sst s3  }
0xc: {  	[smem:$0x3FAE] =	sst s4  }
0xd: {  	[smem:$0x3FAF] =	sst s5  }
0xe: {  	[smem:$0x3FB0] =	sst s6  }
0xf: {  	[smem:$0x3FB1] =	sst s7  }
0x10: {  	[smem:$0x3FB2] =	sst s8  }
0x11: {  	[smem:$0x3FB3] =	sst s9;
	s0 =	simm.s32 @!p0 $0x0  }
0x12: {  	s1 =	sld [smem:$0x3F99];
	s0 =	simm.s32 @p0 $0x1  }
0x13: {  	[smem:$0x3FB4] =	sst s0;
	s0 =	simm.s32 @!p1 $0x0  }
0x14: {  	s2 =	sld [smem:$0x3F98];
	s0 =	simm.s32 @p1 $0x1  }
0x15: {  	[smem:$0x3FB5] =	sst s0;
	s0 =	simm.s32 @!p2 $0x0  }
0x16: {  	s3 =	sld [smem:$0x3FDB];
	s0 =	simm.s32 @p2 $0x1  }
0x17: {  	s4 =	simm.s32 $0x1BF5;
	[smem:$0x3FB7] =	sst s0  }
0x18: {  	s0 =	sld [smem:$0x3F9A];
	_ =	swait.ge [sflag:s4], $0x0  }
0x19: {  	s7 =	sld [smem:$0x3F9B]  }
0x1a: {  	s8 =	sadd.s32 $0xFFFFE003, lr  }
0x1b: {  	s9 =	sadd.s32 $0xFFFFFEF7, lr;
	s5 =	simm.s32 $0xFFFFFFFF;
	p2 =	slt.u32 s8, $0xFFFFF086  }
0x1c: {  	p1 =	slt.u32 s9, $0xF7A;
	s5 =	simm.s32 @!p2 $0x0  }
0x1d: {  	s5 =	simm.s32 @p1 $0x1;
	p0 =	seq.s32 s7, s2  }
0x1e: {  	s7 =	smul.u32 @!p0 $0xF7A, s2;
	p2 =	seq.s32 @!p0 s5, $0x0  }
0x1f: {  	s9 =	smul.u32 $0xF7A, s1;
	s8 =	simm.s32 @!p0 $0x1BF5;
	p2 =	por !p2, p0  }
0x20: {  	[sflag:s8] =	ssyncset.s32 @!p0 $0xFFFFF086;
	s6 =	sadd.s32 @!p0 s3, s7;
	s7 =	simm.s32 @!p0 $0x108  }
0x21: {  	s3 =	sadd.s32 s3, s9;
	s6 =	sadd.s32 @!p0 $0x88, s6;
	s7 =	simm.s32 @p2 $0x1082  }
0x22: {  	[simem:s7], [sflag:s8] =	dma.local @!p0 [hbm:s6], $0xF7A  }
0x23: {  	s9 =	sor.u32 $0xD0000000, s2;
	s6 =	simm.s32 $0x108;
	_ =	swait.ge @!p0 [sflag:s8], $0x0  }
0x24: {  	s3 =	sadd.s32 $0x88, s3;
	s6 =	simm.s32 @!p1 $0x1082;
	[sflag:s4] =	ssyncset.s32 $0xFFFFF086  }
0x25: {  	[simem:s6], [sflag:s4] =	dma.local [hbm:s3], $0xF7A  }
0x26: {  	[smem:$0x3F9B] =	sst s1;
	(tag) =	ssettag s2;
	_ =	strace s9  }
0x27: {  	s1 =	sld [smem:$0x3FAB]  }
0x28: {  	s2 =	sld [smem:$0x3FAC]  }
0x29: {  	s4 =	sld [smem:$0x3FAE]  }
0x2a: {  	p0 =	seq.s32 s5, $0x0;
	s5 =	sld [smem:$0x3FAF]  }
0x2b: {  	s6 =	sld [smem:$0x3FB0]  }
0x2c: {  	s7 =	sld [smem:$0x3FB1]  }
0x2d: {  	s3 =	simm.s32 $0x108;
	s8 =	sld [smem:$0x3FB2]  }
0x2e: {  	s3 =	simm.s32 @!p0 $0x1082;
	s9 =	sld [smem:$0x3FB3]  }
0x2f: {  	lr =	sadd.s32 s0, s3;
	s0 =	sld [smem:$0x3FAA]  }
0x30: {  	s3 =	sld [smem:$0x3FAD]  }
0x31: {  	[smem:$0x3FB6] =	sst s10  }
0x32: {  	s10 =	sld [smem:$0x3FB4];
	_ =	sdelay $0x3  }
0x33: {  	p0 =	seq.s32 s10, $0x1;
	s10 =	sld [smem:$0x3FB6];
	_ =	sdelay $0x3  }
0x34: {  	[smem:$0x3FB6] =	sst s10  }
0x35: {  	s10 =	sld [smem:$0x3FB5];
	_ =	sdelay $0x3  }
0x36: {  	p1 =	seq.s32 s10, $0x1;
	s10 =	sld [smem:$0x3FB6];
	_ =	sdelay $0x3  }
0x37: {  	[smem:$0x3FB6] =	sst s10  }
0x38: {  	s10 =	sld [smem:$0x3FB7]  }
0x39: {  	_ = 	snop;
	(pc) =	sbr.ind lr, $3  }
0x3a: {  	_ = 	snop  }
0x3b: {  	_ = 	snop  }
0x3c: {  	p2 =	seq.s32 s10, $0x1;
	s10 =	sld [smem:$0x3FB6]  }
0x3d: {  	_ =	shalt  }
0x3e: {  	_ =	shalt  }
0x3f: {  	_ =	shalt  }
0x40: {  	_ =	shalt  }
0x41: {  	_ =	shalt  }
0x42: {  	_ =	shalt  }
0x43: {  	_ =	shalt  }
0x44: {  	_ =	shalt  }
0x45: {  	_ =	shalt  }
0x46: {  	_ =	shalt  }
0x47: {  	_ =	shalt  }
0x48: {  	_ =	shalt  }
0x49: {  	_ =	shalt  }
0x4a: {  	_ =	shalt  }
0x4b: {  	_ =	shalt  }
0x4c: {  	_ =	shalt  }
0x4d: {  	_ =	shalt  }
0x4e: {  	_ =	shalt  }
0x4f: {  	_ =	shalt  }
0x50: {  	_ =	shalt  }
0x51: {  	_ =	shalt  }
0x52: {  	_ =	shalt  }
0x53: {  	_ =	shalt  }
0x54: {  	_ =	shalt  }
0x55: {  	_ =	shalt  }
0x56: {  	_ =	shalt  }
0x57: {  	_ =	shalt  }
0x58: {  	_ =	shalt  }
0x59: {  	_ =	shalt  }
0x5a: {  	_ =	shalt  }
0x5b: {  	_ =	shalt  }
0x5c: {  	_ =	shalt  }
0x5d: {  	_ =	shalt  }
0x5e: {  	_ =	shalt  }
0x5f: {  	_ =	shalt  }
0x60: {  	_ =	shalt  }
0x61: {  	_ =	shalt  }
0x62: {  	_ =	shalt  }
0x63: {  	_ =	shalt  }
0x64: {  	_ =	shalt  }
0x65: {  	_ =	shalt  }
0x66: {  	_ =	shalt  }
0x67: {  	_ =	shalt  }
0x68: {  	_ =	shalt  }
0x69: {  	_ =	shalt  }
0x6a: {  	_ =	shalt  }
0x6b: {  	_ =	shalt  }
0x6c: {  	_ =	shalt  }
0x6d: {  	_ =	shalt  }
0x6e: {  	_ =	shalt  }
0x6f: {  	_ =	shalt  }
0x70: {  	_ =	shalt  }
0x71: {  	_ =	shalt  }
0x72: {  	_ =	shalt  }
0x73: {  	_ =	shalt  }
0x74: {  	_ =	shalt  }
0x75: {  	_ =	shalt  }
0x76: {  	_ =	shalt  }
0x77: {  	_ =	shalt  }
0x78: {  	_ =	shalt  }
0x79: {  	_ =	shalt  }
0x7a: {  	_ =	shalt  }
0x7b: {  	_ =	shalt  }
0x7c: {  	_ =	shalt  }
0x7d: {  	_ =	shalt  }
0x7e: {  	_ =	shalt  }
0x7f: {  	_ =	shalt  }
0x80: {  	_ =	shalt  }
0x81: {  	_ =	shalt  }
0x82: {  	_ =	shalt  }
0x83: {  	_ =	shalt  }
0x84: {  	_ =	shalt  }
0x85: {  	_ =	shalt  }
0x86: {  	_ =	shalt  }
0x87: {  	_ =	shalt  }
.Lfunc_end0:
.L_simem_size_0:
called_computation.1_lowered:
.L_overlay_start_0:
0x88: {  	s2 =	sld [smem:$0x3FD9]  }
0x89: {  	s3 =	sld [smem:$0x3FFE];
	_ =	sdelay $0x1  }
0x8a: {  	s1 =	srdreg.scid  }
0x8b: {  	s0 =	sand.u32 $0x1, s1  }
0x8c: {  	s17 =	sshll.u32 s0, $0xA;
	s2 =	sadd.s32 s3, s2  }
0x8d: {  	s2 =	sadd.s32 s2, s17  }
0x8e: {  	[smem:$0x3FC2] =	sst s2  }
0x8f: {  	_ = 	snop  }
0x90: {  	s2 =	sld [smem:$0x3FD0];
	(tm) =	ssettm $0x1  }
0x91: {  	s18 =	sld [smem:$0x3FFB];
	_ =	sdelay $0x3  }
0x92: {  	_ =	strace s18  }
0x93: {  	s3 =	sld [smem:$0x3FFC];
	_ =	sdelay $0x3  }
0x94: {  	_ =	strace s3  }
0x95: {  	s3 =	sld [smem:$0x3FFD];
	_ =	sdelay $0x3  }
0x96: {  	_ =	strace s3  }
0x97: {  	_ =	strace $0x8FFFFFFF  }
0x98: {  	s19 =	sld [smem:$0x3FDB];
	_ =	sdelay $0x1  }
0x99: {  	s4 =	simm.s32 $_scs_section_size  }
0x9a: {  	s5 =	simm.s32 $_size__tile_overlayer_lowered;
	s6 =	simm.s32 $_tile_overlayer_lowered  }
0x9b: {  	s22 =	simm.s32 $0x1BFF;
	s21 =	sshll.u32 s6, $0x1;
	s3 =	sadd.s32 s4, s19  }
0x9c: {  	s7 =	simm.s32 $0x0;
	s20 =	sshll.u32 s5, $0x1;
	s5 =	sadd.s32 s21, s3  }
0x9d: {  	[timem:s7], [sflag:s22] =	dma.local [hbm:s5], s20  }
0x9e: {  	_ =	swait.ge [sflag:s22], s20  }
0x9f: {  	s4 =	ssub.s32 $0x0, s20;
	[sflag:s22] =	ssyncset.done $0x0  }
0xa0: {  	[sflag:s22] =	ssyncadd.s32 s4;
	_ =	sdelay $0x1  }
0xa1: {  	s23 =	simm.s32 $0x1B8B  }
0xa2: {  	_ =	swait.ge [sflag:s23], $0x1  }
0xa3: {  	[sflag:s23] =	ssyncset.done $0x0  }
0xa4: {  	s25 =	simm.s32 $0x1B8E;
	s24 =	sld [smem:$0x3FFE];
	[sflag:s23] =	ssyncadd.s32 $0xFFFFFFFF  }
0xa5: {  	s26 =	simm.s32 $execute0_lowered;
	[smem:$0x3FD2] =	sst s25  }
0xa6: {  	s5 =	sshll.u32 s26, $0x1;
	_ =	strace $0x80000049;
	[dreg:$0x1] =	wrdreg $0xFFFFFFFF  }
0xa7: {  	s28 =	simm.s32 $_size_execute0_lowered;
	s3 =	sadd.s32 s3, s5;
	[dreg:$0x0] =	wrdreg $0x0  }
0xa8: {  	s5 =	sshll.u32 s28, $0x1;
	[dreg:$0x2] =	wrdreg s3  }
0xa9: {  	[dreg:$0x3] =	wrdreg s5  }
0xaa: {  	[dreg:$0x4] =	wrdreg $0xC0  }
0xab: {  	_ =	task [dreg:s7], $0x5FFFF  }
0xac: {  	[dreg:$0x1] =	wrdreg $0xFFFFFFFF  }
0xad: {  	[dreg:$0x0] =	wrdreg $0x60  }
0xae: {  	[dreg:$0x2] =	wrdreg s24  }
0xaf: {  	[dreg:$0x3] =	wrdreg s2  }
0xb0: {  	[dreg:$0x4] =	wrdreg $0x9  }
0xb1: {  	_ =	task.clear_ibuf [dreg:s7], $0x5FFFF;
	_ =	strace $0x90000049  }
0xb2: {  	s29 =	simm.s32 $0x9;
	_ =	strace $0x8000004B  }
0xb3: {  	_ =	swait.ge [sflag:s29], $0x1  }
0xb4: {  	[sflag:s29] =	ssyncadd.s32 $0xFFFFFFFF  }
0xb5: {  	_ =	strace $0x9000004B  }
0xb6: {  	_ =	sfence  }
0xb7: {  	s30 =	sld [smem:$0x0];
	_ =	sdelay $0x2  }
0xb8: {  	s31 =	sshll.u32 s1, $0xD;
	s1 =	sshrl.u32 s1, $0x2  }
0xb9: {  	s3 =	sand.u32 $0x4000, s31;
	s1 =	sadd.s32 s1, s30  }
0xba: {  	s0 =	sor.u32 s3, s0;
	s1 =	sshll.u32 s1, $0x11  }
0xbb: {  	s0 =	sor.u32 s1, s0  }
0xbc: {  	s0 =	sadd.s32 $0x8F2B, s0  }
0xbd: {  	[sflag:s0] =	ssyncadd.remote.s32 $0x1  }
0xbe: {  	_ =	sfence.sel $0xFFFF  }
0xbf: {  	[dreg:$0x0] =	wrdreg $0xFFFFFFFF;
	(pc) =	sbr.abs _section_cstart, $3  }
0xc0: {  	[dreg:$0x1] =	wrdreg $0xFFFFFFFF  }
0xc1: {  	_ =	task.clear_ibuf [dreg:s7], $0x2FFFF;
	_ =	strace $0x9FFFFFFF  }
0xc2: {  	(tm) =	ssettm $0x7FFFFFFF  }
0xc3: {  	_ =	shalt  }
tec
execute0_lowered:
.L_overlay_start_1:
0x0: {  	(tag) =	ssettag $0x1  }
0x1: {  	s0 =	srdreg.scid  }
0x2: {  	s2 =	stileid.u32;
	s0 =	sand.u32 $0x1, s0  }
0x3: {  	s1 =	rddreg [dreg:$0x0];
	s2 =	sshll.u32 s2, $0x9;
	s3 =	sshll.u32 s0, $0x8  }
0x4: {  	s4 =	rddreg [dreg:$0x1];
	s3 =	sor.u32 s3, s2  }
0x5: {  	s2 =	simm.s32 $0x0;
	s5 =	sshrl.u32 s3, $0x3;
	s3 =	sshll.u32 s3, $0x8  }
0x6: {  	[smem:$0x7FF] =	sst s2;
	s5 =	sadd.s32 s5, s1;
	s12 =	sadd.s32 s4, s3  }
0x7: {  	_ =	strace $0x8000004A;
	s5 =	sadd.s32 $0x1600, s5;
	[dreg:$0x13] =	wrdreg s12  }
0x8: {  	s3 =	sadd.s32 $0x1000, s12;
	[dreg:$0x3] =	wrdreg s5  }
0x9: {  	s15 =	simm.s32 $0x5;
	s16 =	sadd.s32 $0x2000, s12;
	[dreg:$0x4] =	wrdreg s3  }
0xa: {  	s6 =	sadd.s32 $0x221C00, s1;
	s17 =	sadd.s32 $0x3000, s12;
	[dreg:$0x5] =	wrdreg s16  }
0xb: {  	s7 =	sadd.s32 $0x221D00, s1;
	s18 =	sadd.s32 $0x4000, s12;
	[dreg:$0x6] =	wrdreg s17  }
0xc: {  	s8 =	sadd.s32 $0x221E00, s1;
	s19 =	sadd.s32 $0x5000, s12;
	[dreg:$0x7] =	wrdreg s18  }
0xd: {  	s9 =	sadd.s32 $0x221F00, s1;
	s20 =	sadd.s32 $0x6000, s12;
	[dreg:$0x8] =	wrdreg s19  }
0xe: {  	s10 =	sadd.s32 $0x222000, s1;
	s22 =	sadd.s32 $0x7000, s12;
	[dreg:$0x9] =	wrdreg s20  }
0xf: {  	s11 =	sadd.s32 $0x222100, s1;
	s23 =	sadd.s32 $0x8000, s12;
	[dreg:$0xa] =	wrdreg s22  }
0x10: {  	s0 =	ssub.s32 $0x2, s0;
	s24 =	sadd.s32 $0x9000, s12;
	[dreg:$0xb] =	wrdreg s23  }
0x11: {  	s21 =	sshrl.u32 s0, $0x1;
	s25 =	sadd.s32 $0xA000, s12;
	[dreg:$0xc] =	wrdreg s24  }
0x12: {  	s0 =	ssub.s32 s0, s21;
	s26 =	sadd.s32 $0xB000, s12;
	[dreg:$0xd] =	wrdreg s25  }
0x13: {  	s21 =	simm.s32 $0x100;
	s28 =	sadd.s32 $0xC000, s12;
	[dreg:$0xe] =	wrdreg s26  }
0x14: {  	s4 =	sadd.s32 $0x221A00, s1;
	s29 =	sadd.s32 $0xD000, s12;
	[dreg:$0xf] =	wrdreg s28  }
0x15: {  	s30 =	sadd.s32 $0xE000, s12;
	s31 =	sadd.s32 $0xF000, s12;
	[dreg:$0x10] =	wrdreg s29  }
0x16: {  	v2 =	vlaneseq.u32;
	s12 =	smax.u32 s0, $0x1;
	s0 =	simm.s32 $0x4;
	[dreg:$0x11] =	wrdreg s30  }
0x17: {  	vm0 =	vmmov $0xffff;
	v1 =	vshrl.u32 v2, $0x3;
	s5 =	sadd.s32 $0x221B00, s1;
	[dreg:$0x12] =	wrdreg s31;
	s1 =	simm.s32 $0x1  }
0x18: {  	v0 =	vand.u32 $0x7, v2;
	v2 =	vor.u32 $0x8, v2;
	v1 =	vmul.u32 $0x8, v1;
	s22 =	simm.s32 $0x2;
	s16 =	simm.s32 $0x3;
	s17 =	simm.s32 $0x6  }
.LBB2_1:
0x19: {  	[dreg:$0x14] =	wrdreg s12  }
0x1a: {  	s18 =	rddreg [dreg:$0x3];
	s31 =	simm.s32 $0x7  }
0x1b: {  	[tilespmem:s2], [sflag:$0x7] =	stream.linear.gather [hbm4b:s18+s2], $0x100, $0x38;
	[tilespmem:$0x18100] =	vst v63  }
0x1c: {  	_ =	swait.ge [sflag:s31], $0x100  }
0x1d: {  	[sflag:s31] =	ssyncset.done $0x0  }
0x1e: {  	[sflag:s31] =	ssyncadd.s32 $0xFFFFFF00  }
0x1f: {  	v3 =	vld [tilespmem:$0x0];
	_ =	sdelay $0x4  }
0x20: {  	v4 =	vshll.u32 v3, $0x4  }
0x21: {  	v3 =	vand.u32 $0x7, v3;
	v4 =	vand.u32 $0xFFFFFF80, v4  }
0x22: {  	v3 =	vor.u32 v3, v4  }
0x23: {  	v4 =	vperm.xlane v3, v0;
	_ =	sdelay $0x1  }
0x24: {  	v4 =	vadd.s32 v1, v4;
	_ =	sdelay $0x4  }
0x25: {  	[tilespmem:s21], [sflag:$0x1] =	stream.indirect_vreg.gather [hbm4b:s4+s2], $0x80, v4, vm0, $0xb8;
	[tilespmem:$0x18100] =	vst v63  }
0x26: {  	s3 =	simm.s32 $0x900  }
0x27: {  	[tilespmem:s3], [sflag:$0x1] =	stream.indirect_vreg.gather [hbm4b:s5+s2], $0x80, v4, vm0, $0xb8;
	[tilespmem:$0x18100] =	vst v63  }
0x28: {  	s12 =	simm.s32 $0x1100  }
0x29: {  	[tilespmem:s12], [sflag:$0x1] =	stream.indirect_vreg.gather [hbm4b:s6+s2], $0x80, v4, vm0, $0xb8;
	[tilespmem:$0x18100] =	vst v63  }
0x2a: {  	s13 =	simm.s32 $0x1900  }
0x2b: {  	[tilespmem:s13], [sflag:$0x1] =	stream.indirect_vreg.gather [hbm4b:s7+s2], $0x80, v4, vm0, $0xb8;
	[tilespmem:$0x18100] =	vst v63  }
0x2c: {  	s14 =	simm.s32 $0x2100  }
0x2d: {  	[tilespmem:s14], [sflag:$0x1] =	stream.indirect_vreg.gather [hbm4b:s8+s2], $0x80, v4, vm0, $0xb8;
	[tilespmem:$0x18100] =	vst v63  }
0x2e: {  	s19 =	simm.s32 $0x2900;
	v3 =	vperm.xlane v3, v2  }
0x2f: {  	[tilespmem:s19], [sflag:$0x1] =	stream.indirect_vreg.gather [hbm4b:s9+s2], $0x80, v4, vm0, $0xb8;
	[tilespmem:$0x18100] =	vst v63  }
0x30: {  	s20 =	simm.s32 $0x3100;
	v3 =	vadd.s32 v1, v3  }
0x31: {  	[tilespmem:s20], [sflag:$0x1] =	stream.indirect_vreg.gather [hbm4b:s10+s2], $0x80, v4, vm0, $0xb8;
	[tilespmem:$0x18100] =	vst v63  }
0x32: {  	s23 =	simm.s32 $0x3900  }
0x33: {  	[tilespmem:s23], [sflag:$0x1] =	stream.indirect_vreg.gather [hbm4b:s11+s2], $0x80, v4, vm0, $0xb8;
	[tilespmem:$0x18100] =	vst v63  }
0x34: {  	s24 =	simm.s32 $0x4100  }
0x35: {  	[tilespmem:s24], [sflag:$0x1] =	stream.indirect_vreg.gather [hbm4b:s4+s2], $0x80, v3, vm0, $0xb8;
	[tilespmem:$0x18100] =	vst v63  }
0x36: {  	s25 =	simm.s32 $0x4900  }
0x37: {  	[tilespmem:s25], [sflag:$0x1] =	stream.indirect_vreg.gather [hbm4b:s5+s2], $0x80, v3, vm0, $0xb8;
	[tilespmem:$0x18100] =	vst v63  }
0x38: {  	s26 =	simm.s32 $0x5100  }
0x39: {  	[tilespmem:s26], [sflag:$0x1] =	stream.indirect_vreg.gather [hbm4b:s6+s2], $0x80, v3, vm0, $0xb8;
	[tilespmem:$0x18100] =	vst v63  }
0x3a: {  	s28 =	simm.s32 $0x5900  }
0x3b: {  	[tilespmem:s28], [sflag:$0x1] =	stream.indirect_vreg.gather [hbm4b:s7+s2], $0x80, v3, vm0, $0xb8;
	[tilespmem:$0x18100] =	vst v63  }
0x3c: {  	s29 =	simm.s32 $0x6100  }
0x3d: {  	[tilespmem:s29], [sflag:$0x1] =	stream.indirect_vreg.gather [hbm4b:s8+s2], $0x80, v3, vm0, $0xb8;
	[tilespmem:$0x18100] =	vst v63  }
0x3e: {  	s12 =	simm.s32 $0x6900  }
0x3f: {  	[tilespmem:s12], [sflag:$0x1] =	stream.indirect_vreg.gather [hbm4b:s9+s2], $0x80, v3, vm0, $0xb8;
	[tilespmem:$0x18100] =	vst v63  }
0x40: {  	s13 =	simm.s32 $0x7100  }
0x41: {  	[tilespmem:s13], [sflag:$0x1] =	stream.indirect_vreg.gather [hbm4b:s10+s2], $0x80, v3, vm0, $0xb8;
	[tilespmem:$0x18100] =	vst v63  }
0x42: {  	s14 =	simm.s32 $0x7900  }
0x43: {  	[tilespmem:s14], [sflag:$0x1] =	stream.indirect_vreg.gather [hbm4b:s11+s2], $0x80, v3, vm0, $0xb8;
	[tilespmem:$0x18100] =	vst v63  }
0x44: {  	v3 =	vld [tilespmem:$0x10];
	_ =	sdelay $0x4  }
0x45: {  	v49 =	vshll.u32 v3, $0x4  }
0x46: {  	v3 =	vand.u32 $0x7, v3;
	v4 =	vand.u32 $0xFFFFFF80, v49  }
0x47: {  	v3 =	vor.u32 v3, v4  }
0x48: {  	v4 =	vperm.xlane v3, v0;
	_ =	sdelay $0x1  }
0x49: {  	v4 =	vadd.s32 v1, v4;
	_ =	sdelay $0x3  }
0x4a: {  	s14 =	simm.s32 $0x8100  }
0x4b: {  	[tilespmem:s14], [sflag:$0x2] =	stream.indirect_vreg.gather [hbm4b:s4+s2], $0x80, v4, vm0, $0xb8;
	[tilespmem:$0x18100] =	vst v63  }
0x4c: {  	s20 =	simm.s32 $0x8900  }
0x4d: {  	[tilespmem:s20], [sflag:$0x2] =	stream.indirect_vreg.gather [hbm4b:s5+s2], $0x80, v4, vm0, $0xb8;
	[tilespmem:$0x18100] =	vst v63  }
0x4e: {  	s13 =	simm.s32 $0x9100  }
0x4f: {  	[tilespmem:s13], [sflag:$0x2] =	stream.indirect_vreg.gather [hbm4b:s6+s2], $0x80, v4, vm0, $0xb8;
	[tilespmem:$0x18100] =	vst v63  }
0x50: {  	s18 =	simm.s32 $0x9900  }
0x51: {  	[tilespmem:s18], [sflag:$0x2] =	stream.indirect_vreg.gather [hbm4b:s7+s2], $0x80, v4, vm0, $0xb8;
	[tilespmem:$0x18100] =	vst v63  }
0x52: {  	s20 =	simm.s32 $0xA100  }
0x53: {  	[tilespmem:s20], [sflag:$0x2] =	stream.indirect_vreg.gather [hbm4b:s8+s2], $0x80, v4, vm0, $0xb8;
	[tilespmem:$0x18100] =	vst v63  }
0x54: {  	v3 =	vperm.xlane v3, v2;
	s13 =	simm.s32 $0xA900  }
0x55: {  	[tilespmem:s13], [sflag:$0x2] =	stream.indirect_vreg.gather [hbm4b:s9+s2], $0x80, v4, vm0, $0xb8;
	[tilespmem:$0x18100] =	vst v63  }
0x56: {  	v3 =	vadd.s32 v1, v3;
	s18 =	simm.s32 $0xB100  }
0x57: {  	[tilespmem:s18], [sflag:$0x2] =	stream.indirect_vreg.gather [hbm4b:s10+s2], $0x80, v4, vm0, $0xb8;
	[tilespmem:$0x18100] =	vst v63  }
0x58: {  	s13 =	simm.s32 $0xB900  }
0x59: {  	[tilespmem:s13], [sflag:$0x2] =	stream.indirect_vreg.gather [hbm4b:s11+s2], $0x80, v4, vm0, $0xb8;
	[tilespmem:$0x18100] =	vst v63  }
0x5a: {  	s18 =	simm.s32 $0xC100  }
0x5b: {  	[tilespmem:s18], [sflag:$0x2] =	stream.indirect_vreg.gather [hbm4b:s4+s2], $0x80, v3, vm0, $0xb8;
	[tilespmem:$0x18100] =	vst v63  }
0x5c: {  	s13 =	simm.s32 $0xC900  }
0x5d: {  	[tilespmem:s13], [sflag:$0x2] =	stream.indirect_vreg.gather [hbm4b:s5+s2], $0x80, v3, vm0, $0xb8;
	[tilespmem:$0x18100] =	vst v63  }
0x5e: {  	s18 =	simm.s32 $0xD100  }
0x5f: {  	[tilespmem:s18], [sflag:$0x2] =	stream.indirect_vreg.gather [hbm4b:s6+s2], $0x80, v3, vm0, $0xb8;
	[tilespmem:$0x18100] =	vst v63  }
0x60: {  	s13 =	simm.s32 $0xD900  }
0x61: {  	[tilespmem:s13], [sflag:$0x2] =	stream.indirect_vreg.gather [hbm4b:s7+s2], $0x80, v3, vm0, $0xb8;
	[tilespmem:$0x18100] =	vst v63  }
0x62: {  	s18 =	simm.s32 $0xE100  }
0x63: {  	[tilespmem:s18], [sflag:$0x2] =	stream.indirect_vreg.gather [hbm4b:s8+s2], $0x80, v3, vm0, $0xb8;
	[tilespmem:$0x18100] =	vst v63  }
0x64: {  	s13 =	simm.s32 $0xE900  }
0x65: {  	[tilespmem:s13], [sflag:$0x2] =	stream.indirect_vreg.gather [hbm4b:s9+s2], $0x80, v3, vm0, $0xb8;
	[tilespmem:$0x18100] =	vst v63  }
0x66: {  	s18 =	simm.s32 $0xF100  }
0x67: {  	[tilespmem:s18], [sflag:$0x2] =	stream.indirect_vreg.gather [hbm4b:s10+s2], $0x80, v3, vm0, $0xb8;
	[tilespmem:$0x18100] =	vst v63  }
0x68: {  	s13 =	simm.s32 $0xF900  }
0x69: {  	[tilespmem:s13], [sflag:$0x2] =	stream.indirect_vreg.gather [hbm4b:s11+s2], $0x80, v3, vm0, $0xb8;
	[tilespmem:$0x18100] =	vst v63  }
0x6a: {  	v3 =	vld [tilespmem:$0x20];
	_ =	sdelay $0x4  }
0x6b: {  	v50 =	vshll.u32 v3, $0x4  }
0x6c: {  	v3 =	vand.u32 $0x7, v3;
	v4 =	vand.u32 $0xFFFFFF80, v50  }
0x6d: {  	v3 =	vor.u32 v3, v4  }
0x6e: {  	v4 =	vperm.xlane v3, v0;
	_ =	sdelay $0x1  }
0x6f: {  	v4 =	vadd.s32 v1, v4;
	_ =	sdelay $0x3  }
0x70: {  	s13 =	simm.s32 $0x10100  }
0x71: {  	[tilespmem:s13], [sflag:$0x3] =	stream.indirect_vreg.gather [hbm4b:s4+s2], $0x80, v4, vm0, $0xb8;
	[tilespmem:$0x18100] =	vst v63  }
0x72: {  	s14 =	simm.s32 $0x10900  }
0x73: {  	[tilespmem:s14], [sflag:$0x3] =	stream.indirect_vreg.gather [hbm4b:s5+s2], $0x80, v4, vm0, $0xb8;
	[tilespmem:$0x18100] =	vst v63  }
0x74: {  	s13 =	simm.s32 $0x11100  }
0x75: {  	[tilespmem:s13], [sflag:$0x3] =	stream.indirect_vreg.gather [hbm4b:s6+s2], $0x80, v4, vm0, $0xb8;
	[tilespmem:$0x18100] =	vst v63  }
0x76: {  	s14 =	simm.s32 $0x11900  }
0x77: {  	[tilespmem:s14], [sflag:$0x3] =	stream.indirect_vreg.gather [hbm4b:s7+s2], $0x80, v4, vm0, $0xb8;
	[tilespmem:$0x18100] =	vst v63  }
0x78: {  	s13 =	simm.s32 $0x12100  }
0x79: {  	[tilespmem:s13], [sflag:$0x3] =	stream.indirect_vreg.gather [hbm4b:s8+s2], $0x80, v4, vm0, $0xb8;
	[tilespmem:$0x18100] =	vst v63  }
0x7a: {  	v3 =	vperm.xlane v3, v2;
	s14 =	simm.s32 $0x12900  }
0x7b: {  	[tilespmem:s14], [sflag:$0x3] =	stream.indirect_vreg.gather [hbm4b:s9+s2], $0x80, v4, vm0, $0xb8;
	[tilespmem:$0x18100] =	vst v63  }
0x7c: {  	v3 =	vadd.s32 v1, v3;
	s13 =	simm.s32 $0x13100  }
0x7d: {  	[tilespmem:s13], [sflag:$0x3] =	stream.indirect_vreg.gather [hbm4b:s10+s2], $0x80, v4, vm0, $0xb8;
	[tilespmem:$0x18100] =	vst v63  }
0x7e: {  	s14 =	simm.s32 $0x13900  }
0x7f: {  	[tilespmem:s14], [sflag:$0x3] =	stream.indirect_vreg.gather [hbm4b:s11+s2], $0x80, v4, vm0, $0xb8;
	[tilespmem:$0x18100] =	vst v63  }
0x80: {  	s13 =	simm.s32 $0x14100  }
0x81: {  	[tilespmem:s13], [sflag:$0x3] =	stream.indirect_vreg.gather [hbm4b:s4+s2], $0x80, v3, vm0, $0xb8;
	[tilespmem:$0x18100] =	vst v63  }
0x82: {  	s14 =	simm.s32 $0x14900  }
0x83: {  	[tilespmem:s14], [sflag:$0x3] =	stream.indirect_vreg.gather [hbm4b:s5+s2], $0x80, v3, vm0, $0xb8;
	[tilespmem:$0x18100] =	vst v63  }
0x84: {  	s13 =	simm.s32 $0x15100  }
0x85: {  	[tilespmem:s13], [sflag:$0x3] =	stream.indirect_vreg.gather [hbm4b:s6+s2], $0x80, v3, vm0, $0xb8;
	[tilespmem:$0x18100] =	vst v63  }
0x86: {  	s14 =	simm.s32 $0x15900  }
0x87: {  	[tilespmem:s14], [sflag:$0x3] =	stream.indirect_vreg.gather [hbm4b:s7+s2], $0x80, v3, vm0, $0xb8;
	[tilespmem:$0x18100] =	vst v63  }
0x88: {  	s13 =	simm.s32 $0x16100  }
0x89: {  	[tilespmem:s13], [sflag:$0x3] =	stream.indirect_vreg.gather [hbm4b:s8+s2], $0x80, v3, vm0, $0xb8;
	[tilespmem:$0x18100] =	vst v63  }
0x8a: {  	s14 =	simm.s32 $0x16900  }
0x8b: {  	[tilespmem:s14], [sflag:$0x3] =	stream.indirect_vreg.gather [hbm4b:s9+s2], $0x80, v3, vm0, $0xb8;
	[tilespmem:$0x18100] =	vst v63  }
0x8c: {  	s13 =	simm.s32 $0x17100  }
0x8d: {  	[tilespmem:s13], [sflag:$0x3] =	stream.indirect_vreg.gather [hbm4b:s10+s2], $0x80, v3, vm0, $0xb8;
	[tilespmem:$0x18100] =	vst v63  }
0x8e: {  	s14 =	simm.s32 $0x17900  }
0x8f: {  	[tilespmem:s14], [sflag:$0x3] =	stream.indirect_vreg.gather [hbm4b:s11+s2], $0x80, v3, vm0, $0xb8;
	[tilespmem:$0x18100] =	vst v63  }
0x90: {  	_ =	swait.ge [sflag:s1], $0x8000  }
0x91: {  	[sflag:s1] =	ssyncset.done $0x0  }
0x92: {  	s13 =	rddreg [dreg:$0x13];
	[sflag:s1] =	ssyncadd.s32 $0xFFFF8000  }
0x93: {  	[hbm4b:s13+s2] =	stream.linear.scatter [tilespmem:s21], [sflag:$0x4], $0x8000, $0x38;
	[tilespmem:$0x18100] =	vst v63  }
0x94: {  	_ =	swait.ge [sflag:s0], $0x8000  }
0x95: {  	[sflag:s0] =	ssyncset.done $0x0  }
0x96: {  	[sflag:s0] =	ssyncadd.s32 $0xFFFF8000  }
0x97: {  	v3 =	vld [tilespmem:$0x30];
	_ =	sdelay $0x4  }
0x98: {  	v51 =	vshll.u32 v3, $0x4  }
0x99: {  	v3 =	vand.u32 $0x7, v3;
	v4 =	vand.u32 $0xFFFFFF80, v51  }
0x9a: {  	v3 =	vor.u32 v3, v4  }
0x9b: {  	v4 =	vperm.xlane v3, v0;
	_ =	sdelay $0x1  }
0x9c: {  	v4 =	vadd.s32 v1, v4;
	_ =	sdelay $0x4  }
0x9d: {  	[tilespmem:s21], [sflag:$0x1] =	stream.indirect_vreg.gather [hbm4b:s4+s2], $0x80, v4, vm0, $0xb8;
	[tilespmem:$0x18100] =	vst v63  }
0x9e: {  	s30 =	simm.s32 $0x900  }
0x9f: {  	[tilespmem:s30], [sflag:$0x1] =	stream.indirect_vreg.gather [hbm4b:s5+s2], $0x80, v4, vm0, $0xb8;
	[tilespmem:$0x18100] =	vst v63  }
0xa0: {  	s14 =	simm.s32 $0x1100  }
0xa1: {  	[tilespmem:s14], [sflag:$0x1] =	stream.indirect_vreg.gather [hbm4b:s6+s2], $0x80, v4, vm0, $0xb8;
	[tilespmem:$0x18100] =	vst v63  }
0xa2: {  	s18 =	simm.s32 $0x1900  }
0xa3: {  	[tilespmem:s18], [sflag:$0x1] =	stream.indirect_vreg.gather [hbm4b:s7+s2], $0x80, v4, vm0, $0xb8;
	[tilespmem:$0x18100] =	vst v63  }
0xa4: {  	s31 =	simm.s32 $0x2100  }
0xa5: {  	[tilespmem:s31], [sflag:$0x1] =	stream.indirect_vreg.gather [hbm4b:s8+s2], $0x80, v4, vm0, $0xb8;
	[tilespmem:$0x18100] =	vst v63  }
0xa6: {  	s3 =	simm.s32 $0x2900;
	v3 =	vperm.xlane v3, v2  }
0xa7: {  	[tilespmem:s3], [sflag:$0x1] =	stream.indirect_vreg.gather [hbm4b:s9+s2], $0x80, v4, vm0, $0xb8;
	[tilespmem:$0x18100] =	vst v63  }
0xa8: {  	v3 =	vadd.s32 v1, v3;
	s30 =	simm.s32 $0x3100  }
0xa9: {  	[tilespmem:s30], [sflag:$0x1] =	stream.indirect_vreg.gather [hbm4b:s10+s2], $0x80, v4, vm0, $0xb8;
	[tilespmem:$0x18100] =	vst v63  }
0xaa: {  	s31 =	simm.s32 $0x3900  }
0xab: {  	[tilespmem:s31], [sflag:$0x1] =	stream.indirect_vreg.gather [hbm4b:s11+s2], $0x80, v4, vm0, $0xb8;
	[tilespmem:$0x18100] =	vst v63  }
0xac: {  	s19 =	simm.s32 $0x4100  }
0xad: {  	[tilespmem:s19], [sflag:$0x1] =	stream.indirect_vreg.gather [hbm4b:s4+s2], $0x80, v3, vm0, $0xb8;
	[tilespmem:$0x18100] =	vst v63  }
0xae: {  	s23 =	simm.s32 $0x4900  }
0xaf: {  	[tilespmem:s23], [sflag:$0x1] =	stream.indirect_vreg.gather [hbm4b:s5+s2], $0x80, v3, vm0, $0xb8;
	[tilespmem:$0x18100] =	vst v63  }
0xb0: {  	s24 =	simm.s32 $0x5100  }
0xb1: {  	[tilespmem:s24], [sflag:$0x1] =	stream.indirect_vreg.gather [hbm4b:s6+s2], $0x80, v3, vm0, $0xb8;
	[tilespmem:$0x18100] =	vst v63  }
0xb2: {  	s25 =	simm.s32 $0x5900  }
0xb3: {  	[tilespmem:s25], [sflag:$0x1] =	stream.indirect_vreg.gather [hbm4b:s7+s2], $0x80, v3, vm0, $0xb8;
	[tilespmem:$0x18100] =	vst v63  }
0xb4: {  	s26 =	simm.s32 $0x6100  }
0xb5: {  	[tilespmem:s26], [sflag:$0x1] =	stream.indirect_vreg.gather [hbm4b:s8+s2], $0x80, v3, vm0, $0xb8;
	[tilespmem:$0x18100] =	vst v63  }
0xb6: {  	s28 =	simm.s32 $0x6900  }
0xb7: {  	[tilespmem:s28], [sflag:$0x1] =	stream.indirect_vreg.gather [hbm4b:s9+s2], $0x80, v3, vm0, $0xb8;
	[tilespmem:$0x18100] =	vst v63  }
0xb8: {  	s29 =	simm.s32 $0x7100  }
0xb9: {  	[tilespmem:s29], [sflag:$0x1] =	stream.indirect_vreg.gather [hbm4b:s10+s2], $0x80, v3, vm0, $0xb8;
	[tilespmem:$0x18100] =	vst v63  }
0xba: {  	s12 =	simm.s32 $0x7900  }
0xbb: {  	[tilespmem:s12], [sflag:$0x1] =	stream.indirect_vreg.gather [hbm4b:s11+s2], $0x80, v3, vm0, $0xb8;
	[tilespmem:$0x18100] =	vst v63  }
0xbc: {  	_ =	swait.ge [sflag:s22], $0x8000  }
0xbd: {  	[sflag:s22] =	ssyncset.done $0x0  }
0xbe: {  	s13 =	simm.s32 $0x8100;
	s12 =	rddreg [dreg:$0x4];
	[sflag:s22] =	ssyncadd.s32 $0xFFFF8000  }
0xbf: {  	[hbm4b:s12+s2] =	stream.linear.scatter [tilespmem:s13], [sflag:$0x5], $0x8000, $0x38;
	[tilespmem:$0x18100] =	vst v63  }
0xc0: {  	_ =	swait.ge [sflag:s15], $0x8000  }
0xc1: {  	[sflag:s15] =	ssyncset.done $0x0  }
0xc2: {  	[sflag:s15] =	ssyncadd.s32 $0xFFFF8000  }
0xc3: {  	v3 =	vld [tilespmem:$0x40];
	_ =	sdelay $0x4  }
0xc4: {  	v52 =	vshll.u32 v3, $0x4  }
0xc5: {  	v3 =	vand.u32 $0x7, v3;
	v4 =	vand.u32 $0xFFFFFF80, v52  }
0xc6: {  	v3 =	vor.u32 v3, v4  }
0xc7: {  	v4 =	vperm.xlane v3, v0;
	_ =	sdelay $0x1  }
0xc8: {  	v4 =	vadd.s32 v1, v4;
	_ =	sdelay $0x4  }
0xc9: {  	[tilespmem:s13], [sflag:$0x2] =	stream.indirect_vreg.gather [hbm4b:s4+s2], $0x80, v4, vm0, $0xb8;
	[tilespmem:$0x18100] =	vst v63  }
0xca: {  	s19 =	simm.s32 $0x8900  }
0xcb: {  	[tilespmem:s19], [sflag:$0x2] =	stream.indirect_vreg.gather [hbm4b:s5+s2], $0x80, v4, vm0, $0xb8;
	[tilespmem:$0x18100] =	vst v63  }
0xcc: {  	s23 =	simm.s32 $0x9100  }
0xcd: {  	[tilespmem:s23], [sflag:$0x2] =	stream.indirect_vreg.gather [hbm4b:s6+s2], $0x80, v4, vm0, $0xb8;
	[tilespmem:$0x18100] =	vst v63  }
0xce: {  	s24 =	simm.s32 $0x9900  }
0xcf: {  	[tilespmem:s24], [sflag:$0x2] =	stream.indirect_vreg.gather [hbm4b:s7+s2], $0x80, v4, vm0, $0xb8;
	[tilespmem:$0x18100] =	vst v63  }
0xd0: {  	s20 =	simm.s32 $0xA100  }
0xd1: {  	[tilespmem:s20], [sflag:$0x2] =	stream.indirect_vreg.gather [hbm4b:s8+s2], $0x80, v4, vm0, $0xb8;
	[tilespmem:$0x18100] =	vst v63  }
0xd2: {  	v3 =	vperm.xlane v3, v2;
	s13 =	simm.s32 $0xA900  }
0xd3: {  	[tilespmem:s13], [sflag:$0x2] =	stream.indirect_vreg.gather [hbm4b:s9+s2], $0x80, v4, vm0, $0xb8;
	[tilespmem:$0x18100] =	vst v63  }
0xd4: {  	s25 =	simm.s32 $0xB100;
	v3 =	vadd.s32 v1, v3  }
0xd5: {  	[tilespmem:s25], [sflag:$0x2] =	stream.indirect_vreg.gather [hbm4b:s10+s2], $0x80, v4, vm0, $0xb8;
	[tilespmem:$0x18100] =	vst v63  }
0xd6: {  	s26 =	simm.s32 $0xB900  }
0xd7: {  	[tilespmem:s26], [sflag:$0x2] =	stream.indirect_vreg.gather [hbm4b:s11+s2], $0x80, v4, vm0, $0xb8;
	[tilespmem:$0x18100] =	vst v63  }
0xd8: {  	s28 =	simm.s32 $0xC100  }
0xd9: {  	[tilespmem:s28], [sflag:$0x2] =	stream.indirect_vreg.gather [hbm4b:s4+s2], $0x80, v3, vm0, $0xb8;
	[tilespmem:$0x18100] =	vst v63  }
0xda: {  	s29 =	simm.s32 $0xC900  }
0xdb: {  	[tilespmem:s29], [sflag:$0x2] =	stream.indirect_vreg.gather [hbm4b:s5+s2], $0x80, v3, vm0, $0xb8;
	[tilespmem:$0x18100] =	vst v63  }
0xdc: {  	s30 =	simm.s32 $0xD100  }
0xdd: {  	[tilespmem:s30], [sflag:$0x2] =	stream.indirect_vreg.gather [hbm4b:s6+s2], $0x80, v3, vm0, $0xb8;
	[tilespmem:$0x18100] =	vst v63  }
0xde: {  	s31 =	simm.s32 $0xD900  }
0xdf: {  	[tilespmem:s31], [sflag:$0x2] =	stream.indirect_vreg.gather [hbm4b:s7+s2], $0x80, v3, vm0, $0xb8;
	[tilespmem:$0x18100] =	vst v63  }
0xe0: {  	s14 =	simm.s32 $0xE100  }
0xe1: {  	[tilespmem:s14], [sflag:$0x2] =	stream.indirect_vreg.gather [hbm4b:s8+s2], $0x80, v3, vm0, $0xb8;
	[tilespmem:$0x18100] =	vst v63  }
0xe2: {  	s12 =	simm.s32 $0xE900  }
0xe3: {  	[tilespmem:s12], [sflag:$0x2] =	stream.indirect_vreg.gather [hbm4b:s9+s2], $0x80, v3, vm0, $0xb8;
	[tilespmem:$0x18100] =	vst v63  }
0xe4: {  	s20 =	simm.s32 $0xF100  }
0xe5: {  	[tilespmem:s20], [sflag:$0x2] =	stream.indirect_vreg.gather [hbm4b:s10+s2], $0x80, v3, vm0, $0xb8;
	[tilespmem:$0x18100] =	vst v63  }
0xe6: {  	s14 =	simm.s32 $0xF900  }
0xe7: {  	[tilespmem:s14], [sflag:$0x2] =	stream.indirect_vreg.gather [hbm4b:s11+s2], $0x80, v3, vm0, $0xb8;
	[tilespmem:$0x18100] =	vst v63  }
0xe8: {  	_ =	swait.ge [sflag:s16], $0x8000  }
0xe9: {  	[sflag:s16] =	ssyncset.done $0x0  }
0xea: {  	s3 =	simm.s32 $0x10100;
	s18 =	rddreg [dreg:$0x5];
	[sflag:s16] =	ssyncadd.s32 $0xFFFF8000  }
0xeb: {  	[hbm4b:s18+s2] =	stream.linear.scatter [tilespmem:s3], [sflag:$0x6], $0x8000, $0x38;
	[tilespmem:$0x18100] =	vst v63  }
0xec: {  	_ =	swait.ge [sflag:s17], $0x8000  }
0xed: {  	[sflag:s17] =	ssyncset.done $0x0  }
0xee: {  	[sflag:s17] =	ssyncadd.s32 $0xFFFF8000  }
0xef: {  	v3 =	vld [tilespmem:$0x50];
	_ =	sdelay $0x4  }
0xf0: {  	v53 =	vshll.u32 v3, $0x4  }
0xf1: {  	v3 =	vand.u32 $0x7, v3;
	v4 =	vand.u32 $0xFFFFFF80, v53  }
0xf2: {  	v3 =	vor.u32 v3, v4  }
0xf3: {  	v4 =	vperm.xlane v3, v0;
	_ =	sdelay $0x1  }
0xf4: {  	v4 =	vadd.s32 v1, v4;
	_ =	sdelay $0x4  }
0xf5: {  	[tilespmem:s3], [sflag:$0x3] =	stream.indirect_vreg.gather [hbm4b:s4+s2], $0x80, v4, vm0, $0xb8;
	[tilespmem:$0x18100] =	vst v63  }
0xf6: {  	s18 =	simm.s32 $0x10900  }
0xf7: {  	[tilespmem:s18], [sflag:$0x3] =	stream.indirect_vreg.gather [hbm4b:s5+s2], $0x80, v4, vm0, $0xb8;
	[tilespmem:$0x18100] =	vst v63  }
0xf8: {  	s18 =	simm.s32 $0x11100  }
0xf9: {  	[tilespmem:s18], [sflag:$0x3] =	stream.indirect_vreg.gather [hbm4b:s6+s2], $0x80, v4, vm0, $0xb8;
	[tilespmem:$0x18100] =	vst v63  }
0xfa: {  	s18 =	simm.s32 $0x11900  }
0xfb: {  	[tilespmem:s18], [sflag:$0x3] =	stream.indirect_vreg.gather [hbm4b:s7+s2], $0x80, v4, vm0, $0xb8;
	[tilespmem:$0x18100] =	vst v63  }
0xfc: {  	s18 =	simm.s32 $0x12100  }
0xfd: {  	[tilespmem:s18], [sflag:$0x3] =	stream.indirect_vreg.gather [hbm4b:s8+s2], $0x80, v4, vm0, $0xb8;
	[tilespmem:$0x18100] =	vst v63  }
0xfe: {  	v3 =	vperm.xlane v3, v2;
	s18 =	simm.s32 $0x12900  }
0xff: {  	[tilespmem:s18], [sflag:$0x3] =	stream.indirect_vreg.gather [hbm4b:s9+s2], $0x80, v4, vm0, $0xb8;
	[tilespmem:$0x18100] =	vst v63  }
0x100: {  	v3 =	vadd.s32 v1, v3;
	s18 =	simm.s32 $0x13100  }
0x101: {  	[tilespmem:s18], [sflag:$0x3] =	stream.indirect_vreg.gather [hbm4b:s10+s2], $0x80, v4, vm0, $0xb8;
	[tilespmem:$0x18100] =	vst v63  }
0x102: {  	s18 =	simm.s32 $0x13900  }
0x103: {  	[tilespmem:s18], [sflag:$0x3] =	stream.indirect_vreg.gather [hbm4b:s11+s2], $0x80, v4, vm0, $0xb8;
	[tilespmem:$0x18100] =	vst v63  }
0x104: {  	s18 =	simm.s32 $0x14100  }
0x105: {  	[tilespmem:s18], [sflag:$0x3] =	stream.indirect_vreg.gather [hbm4b:s4+s2], $0x80, v3, vm0, $0xb8;
	[tilespmem:$0x18100] =	vst v63  }
0x106: {  	s18 =	simm.s32 $0x14900  }
0x107: {  	[tilespmem:s18], [sflag:$0x3] =	stream.indirect_vreg.gather [hbm4b:s5+s2], $0x80, v3, vm0, $0xb8;
	[tilespmem:$0x18100] =	vst v63  }
0x108: {  	s18 =	simm.s32 $0x15100  }
0x109: {  	[tilespmem:s18], [sflag:$0x3] =	stream.indirect_vreg.gather [hbm4b:s6+s2], $0x80, v3, vm0, $0xb8;
	[tilespmem:$0x18100] =	vst v63  }
0x10a: {  	s18 =	simm.s32 $0x15900  }
0x10b: {  	[tilespmem:s18], [sflag:$0x3] =	stream.indirect_vreg.gather [hbm4b:s7+s2], $0x80, v3, vm0, $0xb8;
	[tilespmem:$0x18100] =	vst v63  }
0x10c: {  	s18 =	simm.s32 $0x16100  }
0x10d: {  	[tilespmem:s18], [sflag:$0x3] =	stream.indirect_vreg.gather [hbm4b:s8+s2], $0x80, v3, vm0, $0xb8;
	[tilespmem:$0x18100] =	vst v63  }
0x10e: {  	s18 =	simm.s32 $0x16900  }
0x10f: {  	[tilespmem:s18], [sflag:$0x3] =	stream.indirect_vreg.gather [hbm4b:s9+s2], $0x80, v3, vm0, $0xb8;
	[tilespmem:$0x18100] =	vst v63  }
0x110: {  	s18 =	simm.s32 $0x17100  }
0x111: {  	[tilespmem:s18], [sflag:$0x3] =	stream.indirect_vreg.gather [hbm4b:s10+s2], $0x80, v3, vm0, $0xb8;
	[tilespmem:$0x18100] =	vst v63  }
0x112: {  	s18 =	simm.s32 $0x17900  }
0x113: {  	[tilespmem:s18], [sflag:$0x3] =	stream.indirect_vreg.gather [hbm4b:s11+s2], $0x80, v3, vm0, $0xb8;
	[tilespmem:$0x18100] =	vst v63  }
0x114: {  	_ =	swait.ge [sflag:s1], $0x8000  }
0x115: {  	[sflag:s1] =	ssyncset.done $0x0  }
0x116: {  	s3 =	rddreg [dreg:$0x6];
	[sflag:s1] =	ssyncadd.s32 $0xFFFF8000  }
0x117: {  	[hbm4b:s3+s2] =	stream.linear.scatter [tilespmem:s21], [sflag:$0x4], $0x8000, $0x38;
	[tilespmem:$0x18100] =	vst v63  }
0x118: {  	_ =	swait.ge [sflag:s0], $0x8000  }
0x119: {  	[sflag:s0] =	ssyncset.done $0x0  }
0x11a: {  	[sflag:s0] =	ssyncadd.s32 $0xFFFF8000  }
0x11b: {  	v3 =	vld [tilespmem:$0x60];
	_ =	sdelay $0x4  }
0x11c: {  	v54 =	vshll.u32 v3, $0x4  }
0x11d: {  	v3 =	vand.u32 $0x7, v3;
	v4 =	vand.u32 $0xFFFFFF80, v54  }
0x11e: {  	v3 =	vor.u32 v3, v4  }
0x11f: {  	v4 =	vperm.xlane v3, v0;
	_ =	sdelay $0x1  }
0x120: {  	v4 =	vadd.s32 v1, v4;
	_ =	sdelay $0x4  }
0x121: {  	[tilespmem:s21], [sflag:$0x1] =	stream.indirect_vreg.gather [hbm4b:s4+s2], $0x80, v4, vm0, $0xb8;
	[tilespmem:$0x18100] =	vst v63  }
0x122: {  	s18 =	simm.s32 $0x900  }
0x123: {  	[tilespmem:s18], [sflag:$0x1] =	stream.indirect_vreg.gather [hbm4b:s5+s2], $0x80, v4, vm0, $0xb8;
	[tilespmem:$0x18100] =	vst v63  }
0x124: {  	s18 =	simm.s32 $0x1100  }
0x125: {  	[tilespmem:s18], [sflag:$0x1] =	stream.indirect_vreg.gather [hbm4b:s6+s2], $0x80, v4, vm0, $0xb8;
	[tilespmem:$0x18100] =	vst v63  }
0x126: {  	s18 =	simm.s32 $0x1900  }
0x127: {  	[tilespmem:s18], [sflag:$0x1] =	stream.indirect_vreg.gather [hbm4b:s7+s2], $0x80, v4, vm0, $0xb8;
	[tilespmem:$0x18100] =	vst v63  }
0x128: {  	s18 =	simm.s32 $0x2100  }
0x129: {  	[tilespmem:s18], [sflag:$0x1] =	stream.indirect_vreg.gather [hbm4b:s8+s2], $0x80, v4, vm0, $0xb8;
	[tilespmem:$0x18100] =	vst v63  }
0x12a: {  	v3 =	vperm.xlane v3, v2;
	s18 =	simm.s32 $0x2900  }
0x12b: {  	[tilespmem:s18], [sflag:$0x1] =	stream.indirect_vreg.gather [hbm4b:s9+s2], $0x80, v4, vm0, $0xb8;
	[tilespmem:$0x18100] =	vst v63  }
0x12c: {  	v3 =	vadd.s32 v1, v3;
	s18 =	simm.s32 $0x3100  }
0x12d: {  	[tilespmem:s18], [sflag:$0x1] =	stream.indirect_vreg.gather [hbm4b:s10+s2], $0x80, v4, vm0, $0xb8;
	[tilespmem:$0x18100] =	vst v63  }
0x12e: {  	s18 =	simm.s32 $0x3900  }
0x12f: {  	[tilespmem:s18], [sflag:$0x1] =	stream.indirect_vreg.gather [hbm4b:s11+s2], $0x80, v4, vm0, $0xb8;
	[tilespmem:$0x18100] =	vst v63  }
0x130: {  	s18 =	simm.s32 $0x4100  }
0x131: {  	[tilespmem:s18], [sflag:$0x1] =	stream.indirect_vreg.gather [hbm4b:s4+s2], $0x80, v3, vm0, $0xb8;
	[tilespmem:$0x18100] =	vst v63  }
0x132: {  	s18 =	simm.s32 $0x4900  }
0x133: {  	[tilespmem:s18], [sflag:$0x1] =	stream.indirect_vreg.gather [hbm4b:s5+s2], $0x80, v3, vm0, $0xb8;
	[tilespmem:$0x18100] =	vst v63  }
0x134: {  	s18 =	simm.s32 $0x5100  }
0x135: {  	[tilespmem:s18], [sflag:$0x1] =	stream.indirect_vreg.gather [hbm4b:s6+s2], $0x80, v3, vm0, $0xb8;
	[tilespmem:$0x18100] =	vst v63  }
0x136: {  	s18 =	simm.s32 $0x5900  }
0x137: {  	[tilespmem:s18], [sflag:$0x1] =	stream.indirect_vreg.gather [hbm4b:s7+s2], $0x80, v3, vm0, $0xb8;
	[tilespmem:$0x18100] =	vst v63  }
0x138: {  	s18 =	simm.s32 $0x6100  }
0x139: {  	[tilespmem:s18], [sflag:$0x1] =	stream.indirect_vreg.gather [hbm4b:s8+s2], $0x80, v3, vm0, $0xb8;
	[tilespmem:$0x18100] =	vst v63  }
0x13a: {  	s18 =	simm.s32 $0x6900  }
0x13b: {  	[tilespmem:s18], [sflag:$0x1] =	stream.indirect_vreg.gather [hbm4b:s9+s2], $0x80, v3, vm0, $0xb8;
	[tilespmem:$0x18100] =	vst v63  }
0x13c: {  	s18 =	simm.s32 $0x7100  }
0x13d: {  	[tilespmem:s18], [sflag:$0x1] =	stream.indirect_vreg.gather [hbm4b:s10+s2], $0x80, v3, vm0, $0xb8;
	[tilespmem:$0x18100] =	vst v63  }
0x13e: {  	s18 =	simm.s32 $0x7900  }
0x13f: {  	[tilespmem:s18], [sflag:$0x1] =	stream.indirect_vreg.gather [hbm4b:s11+s2], $0x80, v3, vm0, $0xb8;
	[tilespmem:$0x18100] =	vst v63  }
0x140: {  	_ =	swait.ge [sflag:s22], $0x8000  }
0x141: {  	[sflag:s22] =	ssyncset.done $0x0  }
0x142: {  	s3 =	simm.s32 $0x8100;
	s18 =	rddreg [dreg:$0x7];
	[sflag:s22] =	ssyncadd.s32 $0xFFFF8000  }
0x143: {  	[hbm4b:s18+s2] =	stream.linear.scatter [tilespmem:s3], [sflag:$0x5], $0x8000, $0x38;
	[tilespmem:$0x18100] =	vst v63  }
0x144: {  	_ =	swait.ge [sflag:s15], $0x8000  }
0x145: {  	[sflag:s15] =	ssyncset.done $0x0  }
0x146: {  	[sflag:s15] =	ssyncadd.s32 $0xFFFF8000  }
0x147: {  	v3 =	vld [tilespmem:$0x70];
	_ =	sdelay $0x4  }
0x148: {  	v55 =	vshll.u32 v3, $0x4  }
0x149: {  	v3 =	vand.u32 $0x7, v3;
	v4 =	vand.u32 $0xFFFFFF80, v55  }
0x14a: {  	v3 =	vor.u32 v3, v4  }
0x14b: {  	v4 =	vperm.xlane v3, v0;
	_ =	sdelay $0x1  }
0x14c: {  	v4 =	vadd.s32 v1, v4;
	_ =	sdelay $0x4  }
0x14d: {  	[tilespmem:s3], [sflag:$0x2] =	stream.indirect_vreg.gather [hbm4b:s4+s2], $0x80, v4, vm0, $0xb8;
	[tilespmem:$0x18100] =	vst v63  }
0x14e: {  	_ = 	snop  }
0x14f: {  	[tilespmem:s19], [sflag:$0x2] =	stream.indirect_vreg.gather [hbm4b:s5+s2], $0x80, v4, vm0, $0xb8;
	[tilespmem:$0x18100] =	vst v63  }
0x150: {  	_ = 	snop  }
0x151: {  	[tilespmem:s23], [sflag:$0x2] =	stream.indirect_vreg.gather [hbm4b:s6+s2], $0x80, v4, vm0, $0xb8;
	[tilespmem:$0x18100] =	vst v63  }
0x152: {  	_ = 	snop  }
0x153: {  	[tilespmem:s24], [sflag:$0x2] =	stream.indirect_vreg.gather [hbm4b:s7+s2], $0x80, v4, vm0, $0xb8;
	[tilespmem:$0x18100] =	vst v63  }
0x154: {  	s19 =	simm.s32 $0xA100  }
0x155: {  	[tilespmem:s19], [sflag:$0x2] =	stream.indirect_vreg.gather [hbm4b:s8+s2], $0x80, v4, vm0, $0xb8;
	[tilespmem:$0x18100] =	vst v63  }
0x156: {  	v3 =	vperm.xlane v3, v2  }
0x157: {  	[tilespmem:s13], [sflag:$0x2] =	stream.indirect_vreg.gather [hbm4b:s9+s2], $0x80, v4, vm0, $0xb8;
	[tilespmem:$0x18100] =	vst v63  }
0x158: {  	v3 =	vadd.s32 v1, v3  }
0x159: {  	[tilespmem:s25], [sflag:$0x2] =	stream.indirect_vreg.gather [hbm4b:s10+s2], $0x80, v4, vm0, $0xb8;
	[tilespmem:$0x18100] =	vst v63  }
0x15a: {  	_ = 	snop  }
0x15b: {  	[tilespmem:s26], [sflag:$0x2] =	stream.indirect_vreg.gather [hbm4b:s11+s2], $0x80, v4, vm0, $0xb8;
	[tilespmem:$0x18100] =	vst v63  }
0x15c: {  	_ = 	snop  }
0x15d: {  	[tilespmem:s28], [sflag:$0x2] =	stream.indirect_vreg.gather [hbm4b:s4+s2], $0x80, v3, vm0, $0xb8;
	[tilespmem:$0x18100] =	vst v63  }
0x15e: {  	_ = 	snop  }
0x15f: {  	[tilespmem:s29], [sflag:$0x2] =	stream.indirect_vreg.gather [hbm4b:s5+s2], $0x80, v3, vm0, $0xb8;
	[tilespmem:$0x18100] =	vst v63  }
0x160: {  	_ = 	snop  }
0x161: {  	[tilespmem:s30], [sflag:$0x2] =	stream.indirect_vreg.gather [hbm4b:s6+s2], $0x80, v3, vm0, $0xb8;
	[tilespmem:$0x18100] =	vst v63  }
0x162: {  	_ = 	snop  }
0x163: {  	[tilespmem:s31], [sflag:$0x2] =	stream.indirect_vreg.gather [hbm4b:s7+s2], $0x80, v3, vm0, $0xb8;
	[tilespmem:$0x18100] =	vst v63  }
0x164: {  	s28 =	simm.s32 $0xE100  }
0x165: {  	[tilespmem:s28], [sflag:$0x2] =	stream.indirect_vreg.gather [hbm4b:s8+s2], $0x80, v3, vm0, $0xb8;
	[tilespmem:$0x18100] =	vst v63  }
0x166: {  	_ = 	snop  }
0x167: {  	[tilespmem:s12], [sflag:$0x2] =	stream.indirect_vreg.gather [hbm4b:s9+s2], $0x80, v3, vm0, $0xb8;
	[tilespmem:$0x18100] =	vst v63  }
0x168: {  	_ = 	snop  }
0x169: {  	[tilespmem:s20], [sflag:$0x2] =	stream.indirect_vreg.gather [hbm4b:s10+s2], $0x80, v3, vm0, $0xb8;
	[tilespmem:$0x18100] =	vst v63  }
0x16a: {  	_ = 	snop  }
0x16b: {  	[tilespmem:s14], [sflag:$0x2] =	stream.indirect_vreg.gather [hbm4b:s11+s2], $0x80, v3, vm0, $0xb8;
	[tilespmem:$0x18100] =	vst v63  }
0x16c: {  	_ =	swait.ge [sflag:s16], $0x8000  }
0x16d: {  	[sflag:s16] =	ssyncset.done $0x0  }
0x16e: {  	s30 =	simm.s32 $0x10100;
	s29 =	rddreg [dreg:$0x8];
	[sflag:s16] =	ssyncadd.s32 $0xFFFF8000  }
0x16f: {  	[hbm4b:s29+s2] =	stream.linear.scatter [tilespmem:s30], [sflag:$0x6], $0x8000, $0x38;
	[tilespmem:$0x18100] =	vst v63  }
0x170: {  	_ =	swait.ge [sflag:s17], $0x8000  }
0x171: {  	[sflag:s17] =	ssyncset.done $0x0  }
0x172: {  	[sflag:s17] =	ssyncadd.s32 $0xFFFF8000  }
0x173: {  	v3 =	vld [tilespmem:$0x80];
	_ =	sdelay $0x4  }
0x174: {  	v56 =	vshll.u32 v3, $0x4  }
0x175: {  	v3 =	vand.u32 $0x7, v3;
	v4 =	vand.u32 $0xFFFFFF80, v56  }
0x176: {  	v3 =	vor.u32 v3, v4  }
0x177: {  	v4 =	vperm.xlane v3, v0;
	_ =	sdelay $0x1  }
0x178: {  	v4 =	vadd.s32 v1, v4;
	_ =	sdelay $0x4  }
0x179: {  	[tilespmem:s30], [sflag:$0x3] =	stream.indirect_vreg.gather [hbm4b:s4+s2], $0x80, v4, vm0, $0xb8;
	[tilespmem:$0x18100] =	vst v63  }
0x17a: {  	s14 =	simm.s32 $0x10900  }
0x17b: {  	[tilespmem:s14], [sflag:$0x3] =	stream.indirect_vreg.gather [hbm4b:s5+s2], $0x80, v4, vm0, $0xb8;
	[tilespmem:$0x18100] =	vst v63  }
0x17c: {  	s31 =	simm.s32 $0x11100  }
0x17d: {  	[tilespmem:s31], [sflag:$0x3] =	stream.indirect_vreg.gather [hbm4b:s6+s2], $0x80, v4, vm0, $0xb8;
	[tilespmem:$0x18100] =	vst v63  }
0x17e: {  	s18 =	simm.s32 $0x11900  }
0x17f: {  	[tilespmem:s18], [sflag:$0x3] =	stream.indirect_vreg.gather [hbm4b:s7+s2], $0x80, v4, vm0, $0xb8;
	[tilespmem:$0x18100] =	vst v63  }
0x180: {  	s20 =	simm.s32 $0x12100  }
0x181: {  	[tilespmem:s20], [sflag:$0x3] =	stream.indirect_vreg.gather [hbm4b:s8+s2], $0x80, v4, vm0, $0xb8;
	[tilespmem:$0x18100] =	vst v63  }
0x182: {  	s23 =	simm.s32 $0x12900;
	v3 =	vperm.xlane v3, v2  }
0x183: {  	[tilespmem:s23], [sflag:$0x3] =	stream.indirect_vreg.gather [hbm4b:s9+s2], $0x80, v4, vm0, $0xb8;
	[tilespmem:$0x18100] =	vst v63  }
0x184: {  	s24 =	simm.s32 $0x13100;
	v3 =	vadd.s32 v1, v3  }
0x185: {  	[tilespmem:s24], [sflag:$0x3] =	stream.indirect_vreg.gather [hbm4b:s10+s2], $0x80, v4, vm0, $0xb8;
	[tilespmem:$0x18100] =	vst v63  }
0x186: {  	s25 =	simm.s32 $0x13900  }
0x187: {  	[tilespmem:s25], [sflag:$0x3] =	stream.indirect_vreg.gather [hbm4b:s11+s2], $0x80, v4, vm0, $0xb8;
	[tilespmem:$0x18100] =	vst v63  }
0x188: {  	s26 =	simm.s32 $0x14100  }
0x189: {  	[tilespmem:s26], [sflag:$0x3] =	stream.indirect_vreg.gather [hbm4b:s4+s2], $0x80, v3, vm0, $0xb8;
	[tilespmem:$0x18100] =	vst v63  }
0x18a: {  	s28 =	simm.s32 $0x14900  }
0x18b: {  	[tilespmem:s28], [sflag:$0x3] =	stream.indirect_vreg.gather [hbm4b:s5+s2], $0x80, v3, vm0, $0xb8;
	[tilespmem:$0x18100] =	vst v63  }
0x18c: {  	s29 =	simm.s32 $0x15100  }
0x18d: {  	[tilespmem:s29], [sflag:$0x3] =	stream.indirect_vreg.gather [hbm4b:s6+s2], $0x80, v3, vm0, $0xb8;
	[tilespmem:$0x18100] =	vst v63  }
0x18e: {  	s30 =	simm.s32 $0x15900  }
0x18f: {  	[tilespmem:s30], [sflag:$0x3] =	stream.indirect_vreg.gather [hbm4b:s7+s2], $0x80, v3, vm0, $0xb8;
	[tilespmem:$0x18100] =	vst v63  }
0x190: {  	s31 =	simm.s32 $0x16100  }
0x191: {  	[tilespmem:s31], [sflag:$0x3] =	stream.indirect_vreg.gather [hbm4b:s8+s2], $0x80, v3, vm0, $0xb8;
	[tilespmem:$0x18100] =	vst v63  }
0x192: {  	s18 =	simm.s32 $0x16900  }
0x193: {  	[tilespmem:s18], [sflag:$0x3] =	stream.indirect_vreg.gather [hbm4b:s9+s2], $0x80, v3, vm0, $0xb8;
	[tilespmem:$0x18100] =	vst v63  }
0x194: {  	s20 =	simm.s32 $0x17100  }
0x195: {  	[tilespmem:s20], [sflag:$0x3] =	stream.indirect_vreg.gather [hbm4b:s10+s2], $0x80, v3, vm0, $0xb8;
	[tilespmem:$0x18100] =	vst v63  }
0x196: {  	s23 =	simm.s32 $0x17900  }
0x197: {  	[tilespmem:s23], [sflag:$0x3] =	stream.indirect_vreg.gather [hbm4b:s11+s2], $0x80, v3, vm0, $0xb8;
	[tilespmem:$0x18100] =	vst v63  }
0x198: {  	_ =	swait.ge [sflag:s1], $0x8000  }
0x199: {  	[sflag:s1] =	ssyncset.done $0x0  }
0x19a: {  	s24 =	rddreg [dreg:$0x9];
	[sflag:s1] =	ssyncadd.s32 $0xFFFF8000  }
0x19b: {  	[hbm4b:s24+s2] =	stream.linear.scatter [tilespmem:s21], [sflag:$0x4], $0x8000, $0x38;
	[tilespmem:$0x18100] =	vst v63  }
0x19c: {  	_ =	swait.ge [sflag:s0], $0x8000  }
0x19d: {  	[sflag:s0] =	ssyncset.done $0x0  }
0x19e: {  	[sflag:s0] =	ssyncadd.s32 $0xFFFF8000  }
0x19f: {  	v3 =	vld [tilespmem:$0x90];
	_ =	sdelay $0x4  }
0x1a0: {  	v57 =	vshll.u32 v3, $0x4  }
0x1a1: {  	v3 =	vand.u32 $0x7, v3;
	v4 =	vand.u32 $0xFFFFFF80, v57  }
0x1a2: {  	v3 =	vor.u32 v3, v4  }
0x1a3: {  	v4 =	vperm.xlane v3, v0;
	_ =	sdelay $0x1  }
0x1a4: {  	v4 =	vadd.s32 v1, v4;
	_ =	sdelay $0x4  }
0x1a5: {  	[tilespmem:s21], [sflag:$0x1] =	stream.indirect_vreg.gather [hbm4b:s4+s2], $0x80, v4, vm0, $0xb8;
	[tilespmem:$0x18100] =	vst v63  }
0x1a6: {  	s20 =	simm.s32 $0x900  }
0x1a7: {  	[tilespmem:s20], [sflag:$0x1] =	stream.indirect_vreg.gather [hbm4b:s5+s2], $0x80, v4, vm0, $0xb8;
	[tilespmem:$0x18100] =	vst v63  }
0x1a8: {  	s25 =	simm.s32 $0x1100  }
0x1a9: {  	[tilespmem:s25], [sflag:$0x1] =	stream.indirect_vreg.gather [hbm4b:s6+s2], $0x80, v4, vm0, $0xb8;
	[tilespmem:$0x18100] =	vst v63  }
0x1aa: {  	s13 =	simm.s32 $0x1900  }
0x1ab: {  	[tilespmem:s13], [sflag:$0x1] =	stream.indirect_vreg.gather [hbm4b:s7+s2], $0x80, v4, vm0, $0xb8;
	[tilespmem:$0x18100] =	vst v63  }
0x1ac: {  	s30 =	simm.s32 $0x2100  }
0x1ad: {  	[tilespmem:s30], [sflag:$0x1] =	stream.indirect_vreg.gather [hbm4b:s8+s2], $0x80, v4, vm0, $0xb8;
	[tilespmem:$0x18100] =	vst v63  }
0x1ae: {  	s31 =	simm.s32 $0x2900;
	v3 =	vperm.xlane v3, v2  }
0x1af: {  	[tilespmem:s31], [sflag:$0x1] =	stream.indirect_vreg.gather [hbm4b:s9+s2], $0x80, v4, vm0, $0xb8;
	[tilespmem:$0x18100] =	vst v63  }
0x1b0: {  	s26 =	simm.s32 $0x3100;
	v3 =	vadd.s32 v1, v3  }
0x1b1: {  	[tilespmem:s26], [sflag:$0x1] =	stream.indirect_vreg.gather [hbm4b:s10+s2], $0x80, v4, vm0, $0xb8;
	[tilespmem:$0x18100] =	vst v63  }
0x1b2: {  	s28 =	simm.s32 $0x3900  }
0x1b3: {  	[tilespmem:s28], [sflag:$0x1] =	stream.indirect_vreg.gather [hbm4b:s11+s2], $0x80, v4, vm0, $0xb8;
	[tilespmem:$0x18100] =	vst v63  }
0x1b4: {  	s29 =	simm.s32 $0x4100  }
0x1b5: {  	[tilespmem:s29], [sflag:$0x1] =	stream.indirect_vreg.gather [hbm4b:s4+s2], $0x80, v3, vm0, $0xb8;
	[tilespmem:$0x18100] =	vst v63  }
0x1b6: {  	s23 =	simm.s32 $0x4900  }
0x1b7: {  	[tilespmem:s23], [sflag:$0x1] =	stream.indirect_vreg.gather [hbm4b:s5+s2], $0x80, v3, vm0, $0xb8;
	[tilespmem:$0x18100] =	vst v63  }
0x1b8: {  	s24 =	simm.s32 $0x5100  }
0x1b9: {  	[tilespmem:s24], [sflag:$0x1] =	stream.indirect_vreg.gather [hbm4b:s6+s2], $0x80, v3, vm0, $0xb8;
	[tilespmem:$0x18100] =	vst v63  }
0x1ba: {  	s25 =	simm.s32 $0x5900  }
0x1bb: {  	[tilespmem:s25], [sflag:$0x1] =	stream.indirect_vreg.gather [hbm4b:s7+s2], $0x80, v3, vm0, $0xb8;
	[tilespmem:$0x18100] =	vst v63  }
0x1bc: {  	s26 =	simm.s32 $0x6100  }
0x1bd: {  	[tilespmem:s26], [sflag:$0x1] =	stream.indirect_vreg.gather [hbm4b:s8+s2], $0x80, v3, vm0, $0xb8;
	[tilespmem:$0x18100] =	vst v63  }
0x1be: {  	s28 =	simm.s32 $0x6900  }
0x1bf: {  	[tilespmem:s28], [sflag:$0x1] =	stream.indirect_vreg.gather [hbm4b:s9+s2], $0x80, v3, vm0, $0xb8;
	[tilespmem:$0x18100] =	vst v63  }
0x1c0: {  	s29 =	simm.s32 $0x7100  }
0x1c1: {  	[tilespmem:s29], [sflag:$0x1] =	stream.indirect_vreg.gather [hbm4b:s10+s2], $0x80, v3, vm0, $0xb8;
	[tilespmem:$0x18100] =	vst v63  }
0x1c2: {  	s18 =	simm.s32 $0x7900  }
0x1c3: {  	[tilespmem:s18], [sflag:$0x1] =	stream.indirect_vreg.gather [hbm4b:s11+s2], $0x80, v3, vm0, $0xb8;
	[tilespmem:$0x18100] =	vst v63  }
0x1c4: {  	_ =	swait.ge [sflag:s22], $0x8000  }
0x1c5: {  	[sflag:s22] =	ssyncset.done $0x0  }
0x1c6: {  	s3 =	simm.s32 $0x8100;
	s18 =	rddreg [dreg:$0xa];
	[sflag:s22] =	ssyncadd.s32 $0xFFFF8000  }
0x1c7: {  	[hbm4b:s18+s2] =	stream.linear.scatter [tilespmem:s3], [sflag:$0x5], $0x8000, $0x38;
	[tilespmem:$0x18100] =	vst v63  }
0x1c8: {  	_ =	swait.ge [sflag:s15], $0x8000  }
0x1c9: {  	[sflag:s15] =	ssyncset.done $0x0  }
0x1ca: {  	[sflag:s15] =	ssyncadd.s32 $0xFFFF8000  }
0x1cb: {  	v3 =	vld [tilespmem:$0xA0];
	_ =	sdelay $0x4  }
0x1cc: {  	v58 =	vshll.u32 v3, $0x4  }
0x1cd: {  	v3 =	vand.u32 $0x7, v3;
	v4 =	vand.u32 $0xFFFFFF80, v58  }
0x1ce: {  	v3 =	vor.u32 v3, v4  }
0x1cf: {  	v4 =	vperm.xlane v3, v0;
	_ =	sdelay $0x1  }
0x1d0: {  	v4 =	vadd.s32 v1, v4;
	_ =	sdelay $0x4  }
0x1d1: {  	[tilespmem:s3], [sflag:$0x2] =	stream.indirect_vreg.gather [hbm4b:s4+s2], $0x80, v4, vm0, $0xb8;
	[tilespmem:$0x18100] =	vst v63  }
0x1d2: {  	s18 =	simm.s32 $0x8900  }
0x1d3: {  	[tilespmem:s18], [sflag:$0x2] =	stream.indirect_vreg.gather [hbm4b:s5+s2], $0x80, v4, vm0, $0xb8;
	[tilespmem:$0x18100] =	vst v63  }
0x1d4: {  	s18 =	simm.s32 $0x9100  }
0x1d5: {  	[tilespmem:s18], [sflag:$0x2] =	stream.indirect_vreg.gather [hbm4b:s6+s2], $0x80, v4, vm0, $0xb8;
	[tilespmem:$0x18100] =	vst v63  }
0x1d6: {  	s18 =	simm.s32 $0x9900  }
0x1d7: {  	[tilespmem:s18], [sflag:$0x2] =	stream.indirect_vreg.gather [hbm4b:s7+s2], $0x80, v4, vm0, $0xb8;
	[tilespmem:$0x18100] =	vst v63  }
0x1d8: {  	_ = 	snop  }
0x1d9: {  	[tilespmem:s19], [sflag:$0x2] =	stream.indirect_vreg.gather [hbm4b:s8+s2], $0x80, v4, vm0, $0xb8;
	[tilespmem:$0x18100] =	vst v63  }
0x1da: {  	v3 =	vperm.xlane v3, v2;
	s19 =	simm.s32 $0xA900  }
0x1db: {  	[tilespmem:s19], [sflag:$0x2] =	stream.indirect_vreg.gather [hbm4b:s9+s2], $0x80, v4, vm0, $0xb8;
	[tilespmem:$0x18100] =	vst v63  }
0x1dc: {  	v3 =	vadd.s32 v1, v3;
	s18 =	simm.s32 $0xB100  }
0x1dd: {  	[tilespmem:s18], [sflag:$0x2] =	stream.indirect_vreg.gather [hbm4b:s10+s2], $0x80, v4, vm0, $0xb8;
	[tilespmem:$0x18100] =	vst v63  }
0x1de: {  	s19 =	simm.s32 $0xB900  }
0x1df: {  	[tilespmem:s19], [sflag:$0x2] =	stream.indirect_vreg.gather [hbm4b:s11+s2], $0x80, v4, vm0, $0xb8;
	[tilespmem:$0x18100] =	vst v63  }
0x1e0: {  	s18 =	simm.s32 $0xC100  }
0x1e1: {  	[tilespmem:s18], [sflag:$0x2] =	stream.indirect_vreg.gather [hbm4b:s4+s2], $0x80, v3, vm0, $0xb8;
	[tilespmem:$0x18100] =	vst v63  }
0x1e2: {  	s19 =	simm.s32 $0xC900  }
0x1e3: {  	[tilespmem:s19], [sflag:$0x2] =	stream.indirect_vreg.gather [hbm4b:s5+s2], $0x80, v3, vm0, $0xb8;
	[tilespmem:$0x18100] =	vst v63  }
0x1e4: {  	s18 =	simm.s32 $0xD100  }
0x1e5: {  	[tilespmem:s18], [sflag:$0x2] =	stream.indirect_vreg.gather [hbm4b:s6+s2], $0x80, v3, vm0, $0xb8;
	[tilespmem:$0x18100] =	vst v63  }
0x1e6: {  	s19 =	simm.s32 $0xD900  }
0x1e7: {  	[tilespmem:s19], [sflag:$0x2] =	stream.indirect_vreg.gather [hbm4b:s7+s2], $0x80, v3, vm0, $0xb8;
	[tilespmem:$0x18100] =	vst v63  }
0x1e8: {  	s18 =	simm.s32 $0xE100  }
0x1e9: {  	[tilespmem:s18], [sflag:$0x2] =	stream.indirect_vreg.gather [hbm4b:s8+s2], $0x80, v3, vm0, $0xb8;
	[tilespmem:$0x18100] =	vst v63  }
0x1ea: {  	s19 =	simm.s32 $0xE900  }
0x1eb: {  	[tilespmem:s19], [sflag:$0x2] =	stream.indirect_vreg.gather [hbm4b:s9+s2], $0x80, v3, vm0, $0xb8;
	[tilespmem:$0x18100] =	vst v63  }
0x1ec: {  	s18 =	simm.s32 $0xF100  }
0x1ed: {  	[tilespmem:s18], [sflag:$0x2] =	stream.indirect_vreg.gather [hbm4b:s10+s2], $0x80, v3, vm0, $0xb8;
	[tilespmem:$0x18100] =	vst v63  }
0x1ee: {  	s19 =	simm.s32 $0xF900  }
0x1ef: {  	[tilespmem:s19], [sflag:$0x2] =	stream.indirect_vreg.gather [hbm4b:s11+s2], $0x80, v3, vm0, $0xb8;
	[tilespmem:$0x18100] =	vst v63  }
0x1f0: {  	_ =	swait.ge [sflag:s16], $0x8000  }
0x1f1: {  	[sflag:s16] =	ssyncset.done $0x0  }
0x1f2: {  	s12 =	simm.s32 $0x10100;
	s3 =	rddreg [dreg:$0xb];
	[sflag:s16] =	ssyncadd.s32 $0xFFFF8000  }
0x1f3: {  	[hbm4b:s3+s2] =	stream.linear.scatter [tilespmem:s12], [sflag:$0x6], $0x8000, $0x38;
	[tilespmem:$0x18100] =	vst v63  }
0x1f4: {  	_ =	swait.ge [sflag:s17], $0x8000  }
0x1f5: {  	[sflag:s17] =	ssyncset.done $0x0  }
0x1f6: {  	[sflag:s17] =	ssyncadd.s32 $0xFFFF8000  }
0x1f7: {  	v3 =	vld [tilespmem:$0xB0];
	_ =	sdelay $0x4  }
0x1f8: {  	v59 =	vshll.u32 v3, $0x4  }
0x1f9: {  	v3 =	vand.u32 $0x7, v3;
	v4 =	vand.u32 $0xFFFFFF80, v59  }
0x1fa: {  	v3 =	vor.u32 v3, v4  }
0x1fb: {  	v4 =	vperm.xlane v3, v0;
	_ =	sdelay $0x1  }
0x1fc: {  	v4 =	vadd.s32 v1, v4;
	_ =	sdelay $0x4  }
0x1fd: {  	[tilespmem:s12], [sflag:$0x3] =	stream.indirect_vreg.gather [hbm4b:s4+s2], $0x80, v4, vm0, $0xb8;
	[tilespmem:$0x18100] =	vst v63  }
0x1fe: {  	_ = 	snop  }
0x1ff: {  	[tilespmem:s14], [sflag:$0x3] =	stream.indirect_vreg.gather [hbm4b:s5+s2], $0x80, v4, vm0, $0xb8;
	[tilespmem:$0x18100] =	vst v63  }
0x200: {  	s19 =	simm.s32 $0x11100  }
0x201: {  	[tilespmem:s19], [sflag:$0x3] =	stream.indirect_vreg.gather [hbm4b:s6+s2], $0x80, v4, vm0, $0xb8;
	[tilespmem:$0x18100] =	vst v63  }
0x202: {  	s12 =	simm.s32 $0x11900  }
0x203: {  	[tilespmem:s12], [sflag:$0x3] =	stream.indirect_vreg.gather [hbm4b:s7+s2], $0x80, v4, vm0, $0xb8;
	[tilespmem:$0x18100] =	vst v63  }
0x204: {  	s14 =	simm.s32 $0x12100  }
0x205: {  	[tilespmem:s14], [sflag:$0x3] =	stream.indirect_vreg.gather [hbm4b:s8+s2], $0x80, v4, vm0, $0xb8;
	[tilespmem:$0x18100] =	vst v63  }
0x206: {  	s18 =	simm.s32 $0x12900;
	v3 =	vperm.xlane v3, v2  }
0x207: {  	[tilespmem:s18], [sflag:$0x3] =	stream.indirect_vreg.gather [hbm4b:s9+s2], $0x80, v4, vm0, $0xb8;
	[tilespmem:$0x18100] =	vst v63  }
0x208: {  	v3 =	vadd.s32 v1, v3;
	s19 =	simm.s32 $0x13100  }
0x209: {  	[tilespmem:s19], [sflag:$0x3] =	stream.indirect_vreg.gather [hbm4b:s10+s2], $0x80, v4, vm0, $0xb8;
	[tilespmem:$0x18100] =	vst v63  }
0x20a: {  	s12 =	simm.s32 $0x13900  }
0x20b: {  	[tilespmem:s12], [sflag:$0x3] =	stream.indirect_vreg.gather [hbm4b:s11+s2], $0x80, v4, vm0, $0xb8;
	[tilespmem:$0x18100] =	vst v63  }
0x20c: {  	s14 =	simm.s32 $0x14100  }
0x20d: {  	[tilespmem:s14], [sflag:$0x3] =	stream.indirect_vreg.gather [hbm4b:s4+s2], $0x80, v3, vm0, $0xb8;
	[tilespmem:$0x18100] =	vst v63  }
0x20e: {  	s18 =	simm.s32 $0x14900  }
0x20f: {  	[tilespmem:s18], [sflag:$0x3] =	stream.indirect_vreg.gather [hbm4b:s5+s2], $0x80, v3, vm0, $0xb8;
	[tilespmem:$0x18100] =	vst v63  }
0x210: {  	s19 =	simm.s32 $0x15100  }
0x211: {  	[tilespmem:s19], [sflag:$0x3] =	stream.indirect_vreg.gather [hbm4b:s6+s2], $0x80, v3, vm0, $0xb8;
	[tilespmem:$0x18100] =	vst v63  }
0x212: {  	s12 =	simm.s32 $0x15900  }
0x213: {  	[tilespmem:s12], [sflag:$0x3] =	stream.indirect_vreg.gather [hbm4b:s7+s2], $0x80, v3, vm0, $0xb8;
	[tilespmem:$0x18100] =	vst v63  }
0x214: {  	s14 =	simm.s32 $0x16100  }
0x215: {  	[tilespmem:s14], [sflag:$0x3] =	stream.indirect_vreg.gather [hbm4b:s8+s2], $0x80, v3, vm0, $0xb8;
	[tilespmem:$0x18100] =	vst v63  }
0x216: {  	s18 =	simm.s32 $0x16900  }
0x217: {  	[tilespmem:s18], [sflag:$0x3] =	stream.indirect_vreg.gather [hbm4b:s9+s2], $0x80, v3, vm0, $0xb8;
	[tilespmem:$0x18100] =	vst v63  }
0x218: {  	s19 =	simm.s32 $0x17100  }
0x219: {  	[tilespmem:s19], [sflag:$0x3] =	stream.indirect_vreg.gather [hbm4b:s10+s2], $0x80, v3, vm0, $0xb8;
	[tilespmem:$0x18100] =	vst v63  }
0x21a: {  	s12 =	simm.s32 $0x17900  }
0x21b: {  	[tilespmem:s12], [sflag:$0x3] =	stream.indirect_vreg.gather [hbm4b:s11+s2], $0x80, v3, vm0, $0xb8;
	[tilespmem:$0x18100] =	vst v63  }
0x21c: {  	_ =	swait.ge [sflag:s1], $0x8000  }
0x21d: {  	[sflag:s1] =	ssyncset.done $0x0  }
0x21e: {  	s14 =	rddreg [dreg:$0xc];
	[sflag:s1] =	ssyncadd.s32 $0xFFFF8000  }
0x21f: {  	[hbm4b:s14+s2] =	stream.linear.scatter [tilespmem:s21], [sflag:$0x4], $0x8000, $0x38;
	[tilespmem:$0x18100] =	vst v63  }
0x220: {  	_ =	swait.ge [sflag:s0], $0x8000  }
0x221: {  	[sflag:s0] =	ssyncset.done $0x0  }
0x222: {  	[sflag:s0] =	ssyncadd.s32 $0xFFFF8000  }
0x223: {  	v3 =	vld [tilespmem:$0xC0];
	_ =	sdelay $0x4  }
0x224: {  	v60 =	vshll.u32 v3, $0x4  }
0x225: {  	v3 =	vand.u32 $0x7, v3;
	v4 =	vand.u32 $0xFFFFFF80, v60  }
0x226: {  	v3 =	vor.u32 v3, v4  }
0x227: {  	v4 =	vperm.xlane v3, v0;
	_ =	sdelay $0x1  }
0x228: {  	v4 =	vadd.s32 v1, v4;
	_ =	sdelay $0x4  }
0x229: {  	[tilespmem:s21], [sflag:$0x1] =	stream.indirect_vreg.gather [hbm4b:s4+s2], $0x80, v4, vm0, $0xb8;
	[tilespmem:$0x18100] =	vst v63  }
0x22a: {  	_ = 	snop  }
0x22b: {  	[tilespmem:s20], [sflag:$0x1] =	stream.indirect_vreg.gather [hbm4b:s5+s2], $0x80, v4, vm0, $0xb8;
	[tilespmem:$0x18100] =	vst v63  }
0x22c: {  	s19 =	simm.s32 $0x1100  }
0x22d: {  	[tilespmem:s19], [sflag:$0x1] =	stream.indirect_vreg.gather [hbm4b:s6+s2], $0x80, v4, vm0, $0xb8;
	[tilespmem:$0x18100] =	vst v63  }
0x22e: {  	_ = 	snop  }
0x22f: {  	[tilespmem:s13], [sflag:$0x1] =	stream.indirect_vreg.gather [hbm4b:s7+s2], $0x80, v4, vm0, $0xb8;
	[tilespmem:$0x18100] =	vst v63  }
0x230: {  	_ = 	snop  }
0x231: {  	[tilespmem:s30], [sflag:$0x1] =	stream.indirect_vreg.gather [hbm4b:s8+s2], $0x80, v4, vm0, $0xb8;
	[tilespmem:$0x18100] =	vst v63  }
0x232: {  	v3 =	vperm.xlane v3, v2  }
0x233: {  	[tilespmem:s31], [sflag:$0x1] =	stream.indirect_vreg.gather [hbm4b:s9+s2], $0x80, v4, vm0, $0xb8;
	[tilespmem:$0x18100] =	vst v63  }
0x234: {  	v3 =	vadd.s32 v1, v3;
	s20 =	simm.s32 $0x3100  }
0x235: {  	[tilespmem:s20], [sflag:$0x1] =	stream.indirect_vreg.gather [hbm4b:s10+s2], $0x80, v4, vm0, $0xb8;
	[tilespmem:$0x18100] =	vst v63  }
0x236: {  	s12 =	simm.s32 $0x3900  }
0x237: {  	[tilespmem:s12], [sflag:$0x1] =	stream.indirect_vreg.gather [hbm4b:s11+s2], $0x80, v4, vm0, $0xb8;
	[tilespmem:$0x18100] =	vst v63  }
0x238: {  	s18 =	simm.s32 $0x4100  }
0x239: {  	[tilespmem:s18], [sflag:$0x1] =	stream.indirect_vreg.gather [hbm4b:s4+s2], $0x80, v3, vm0, $0xb8;
	[tilespmem:$0x18100] =	vst v63  }
0x23a: {  	_ = 	snop  }
0x23b: {  	[tilespmem:s23], [sflag:$0x1] =	stream.indirect_vreg.gather [hbm4b:s5+s2], $0x80, v3, vm0, $0xb8;
	[tilespmem:$0x18100] =	vst v63  }
0x23c: {  	_ = 	snop  }
0x23d: {  	[tilespmem:s24], [sflag:$0x1] =	stream.indirect_vreg.gather [hbm4b:s6+s2], $0x80, v3, vm0, $0xb8;
	[tilespmem:$0x18100] =	vst v63  }
0x23e: {  	_ = 	snop  }
0x23f: {  	[tilespmem:s25], [sflag:$0x1] =	stream.indirect_vreg.gather [hbm4b:s7+s2], $0x80, v3, vm0, $0xb8;
	[tilespmem:$0x18100] =	vst v63  }
0x240: {  	_ = 	snop  }
0x241: {  	[tilespmem:s26], [sflag:$0x1] =	stream.indirect_vreg.gather [hbm4b:s8+s2], $0x80, v3, vm0, $0xb8;
	[tilespmem:$0x18100] =	vst v63  }
0x242: {  	_ = 	snop  }
0x243: {  	[tilespmem:s28], [sflag:$0x1] =	stream.indirect_vreg.gather [hbm4b:s9+s2], $0x80, v3, vm0, $0xb8;
	[tilespmem:$0x18100] =	vst v63  }
0x244: {  	_ = 	snop  }
0x245: {  	[tilespmem:s29], [sflag:$0x1] =	stream.indirect_vreg.gather [hbm4b:s10+s2], $0x80, v3, vm0, $0xb8;
	[tilespmem:$0x18100] =	vst v63  }
0x246: {  	s20 =	simm.s32 $0x7900  }
0x247: {  	[tilespmem:s20], [sflag:$0x1] =	stream.indirect_vreg.gather [hbm4b:s11+s2], $0x80, v3, vm0, $0xb8;
	[tilespmem:$0x18100] =	vst v63  }
0x248: {  	_ =	swait.ge [sflag:s22], $0x8000  }
0x249: {  	[sflag:s22] =	ssyncset.done $0x0  }
0x24a: {  	s20 =	simm.s32 $0x8100;
	s3 =	rddreg [dreg:$0xd];
	[sflag:s22] =	ssyncadd.s32 $0xFFFF8000  }
0x24b: {  	[hbm4b:s3+s2] =	stream.linear.scatter [tilespmem:s20], [sflag:$0x5], $0x8000, $0x38;
	[tilespmem:$0x18100] =	vst v63  }
0x24c: {  	_ =	swait.ge [sflag:s15], $0x8000  }
0x24d: {  	[sflag:s15] =	ssyncset.done $0x0  }
0x24e: {  	[sflag:s15] =	ssyncadd.s32 $0xFFFF8000  }
0x24f: {  	v3 =	vld [tilespmem:$0xD0];
	_ =	sdelay $0x4  }
0x250: {  	v61 =	vshll.u32 v3, $0x4  }
0x251: {  	v3 =	vand.u32 $0x7, v3;
	v4 =	vand.u32 $0xFFFFFF80, v61  }
0x252: {  	v3 =	vor.u32 v3, v4  }
0x253: {  	v4 =	vperm.xlane v3, v0;
	_ =	sdelay $0x1  }
0x254: {  	v4 =	vadd.s32 v1, v4;
	_ =	sdelay $0x4  }
0x255: {  	[tilespmem:s20], [sflag:$0x2] =	stream.indirect_vreg.gather [hbm4b:s4+s2], $0x80, v4, vm0, $0xb8;
	[tilespmem:$0x18100] =	vst v63  }
0x256: {  	s20 =	simm.s32 $0x8900  }
0x257: {  	[tilespmem:s20], [sflag:$0x2] =	stream.indirect_vreg.gather [hbm4b:s5+s2], $0x80, v4, vm0, $0xb8;
	[tilespmem:$0x18100] =	vst v63  }
0x258: {  	s20 =	simm.s32 $0x9100  }
0x259: {  	[tilespmem:s20], [sflag:$0x2] =	stream.indirect_vreg.gather [hbm4b:s6+s2], $0x80, v4, vm0, $0xb8;
	[tilespmem:$0x18100] =	vst v63  }
0x25a: {  	s20 =	simm.s32 $0x9900  }
0x25b: {  	[tilespmem:s20], [sflag:$0x2] =	stream.indirect_vreg.gather [hbm4b:s7+s2], $0x80, v4, vm0, $0xb8;
	[tilespmem:$0x18100] =	vst v63  }
0x25c: {  	s20 =	simm.s32 $0xA100  }
0x25d: {  	[tilespmem:s20], [sflag:$0x2] =	stream.indirect_vreg.gather [hbm4b:s8+s2], $0x80, v4, vm0, $0xb8;
	[tilespmem:$0x18100] =	vst v63  }
0x25e: {  	v3 =	vperm.xlane v3, v2;
	s20 =	simm.s32 $0xA900  }
0x25f: {  	[tilespmem:s20], [sflag:$0x2] =	stream.indirect_vreg.gather [hbm4b:s9+s2], $0x80, v4, vm0, $0xb8;
	[tilespmem:$0x18100] =	vst v63  }
0x260: {  	v3 =	vadd.s32 v1, v3;
	s20 =	simm.s32 $0xB100  }
0x261: {  	[tilespmem:s20], [sflag:$0x2] =	stream.indirect_vreg.gather [hbm4b:s10+s2], $0x80, v4, vm0, $0xb8;
	[tilespmem:$0x18100] =	vst v63  }
0x262: {  	s20 =	simm.s32 $0xB900  }
0x263: {  	[tilespmem:s20], [sflag:$0x2] =	stream.indirect_vreg.gather [hbm4b:s11+s2], $0x80, v4, vm0, $0xb8;
	[tilespmem:$0x18100] =	vst v63  }
0x264: {  	s20 =	simm.s32 $0xC100  }
0x265: {  	[tilespmem:s20], [sflag:$0x2] =	stream.indirect_vreg.gather [hbm4b:s4+s2], $0x80, v3, vm0, $0xb8;
	[tilespmem:$0x18100] =	vst v63  }
0x266: {  	s20 =	simm.s32 $0xC900  }
0x267: {  	[tilespmem:s20], [sflag:$0x2] =	stream.indirect_vreg.gather [hbm4b:s5+s2], $0x80, v3, vm0, $0xb8;
	[tilespmem:$0x18100] =	vst v63  }
0x268: {  	s20 =	simm.s32 $0xD100  }
0x269: {  	[tilespmem:s20], [sflag:$0x2] =	stream.indirect_vreg.gather [hbm4b:s6+s2], $0x80, v3, vm0, $0xb8;
	[tilespmem:$0x18100] =	vst v63  }
0x26a: {  	s20 =	simm.s32 $0xD900  }
0x26b: {  	[tilespmem:s20], [sflag:$0x2] =	stream.indirect_vreg.gather [hbm4b:s7+s2], $0x80, v3, vm0, $0xb8;
	[tilespmem:$0x18100] =	vst v63  }
0x26c: {  	s20 =	simm.s32 $0xE100  }
0x26d: {  	[tilespmem:s20], [sflag:$0x2] =	stream.indirect_vreg.gather [hbm4b:s8+s2], $0x80, v3, vm0, $0xb8;
	[tilespmem:$0x18100] =	vst v63  }
0x26e: {  	s20 =	simm.s32 $0xE900  }
0x26f: {  	[tilespmem:s20], [sflag:$0x2] =	stream.indirect_vreg.gather [hbm4b:s9+s2], $0x80, v3, vm0, $0xb8;
	[tilespmem:$0x18100] =	vst v63  }
0x270: {  	s20 =	simm.s32 $0xF100  }
0x271: {  	[tilespmem:s20], [sflag:$0x2] =	stream.indirect_vreg.gather [hbm4b:s10+s2], $0x80, v3, vm0, $0xb8;
	[tilespmem:$0x18100] =	vst v63  }
0x272: {  	s20 =	simm.s32 $0xF900  }
0x273: {  	[tilespmem:s20], [sflag:$0x2] =	stream.indirect_vreg.gather [hbm4b:s11+s2], $0x80, v3, vm0, $0xb8;
	[tilespmem:$0x18100] =	vst v63  }
0x274: {  	_ =	swait.ge [sflag:s16], $0x8000  }
0x275: {  	[sflag:s16] =	ssyncset.done $0x0  }
0x276: {  	s20 =	simm.s32 $0x10100;
	s18 =	rddreg [dreg:$0xe];
	[sflag:s16] =	ssyncadd.s32 $0xFFFF8000  }
0x277: {  	[hbm4b:s18+s2] =	stream.linear.scatter [tilespmem:s20], [sflag:$0x6], $0x8000, $0x38;
	[tilespmem:$0x18100] =	vst v63  }
0x278: {  	_ =	swait.ge [sflag:s17], $0x8000  }
0x279: {  	[sflag:s17] =	ssyncset.done $0x0  }
0x27a: {  	[sflag:s17] =	ssyncadd.s32 $0xFFFF8000  }
0x27b: {  	v3 =	vld [tilespmem:$0xE0];
	_ =	sdelay $0x4  }
0x27c: {  	v62 =	vshll.u32 v3, $0x4  }
0x27d: {  	v3 =	vand.u32 $0x7, v3;
	v4 =	vand.u32 $0xFFFFFF80, v62  }
0x27e: {  	v3 =	vor.u32 v3, v4  }
0x27f: {  	v4 =	vperm.xlane v3, v0;
	_ =	sdelay $0x1  }
0x280: {  	v4 =	vadd.s32 v1, v4;
	_ =	sdelay $0x4  }
0x281: {  	[tilespmem:s20], [sflag:$0x3] =	stream.indirect_vreg.gather [hbm4b:s4+s2], $0x80, v4, vm0, $0xb8;
	[tilespmem:$0x18100] =	vst v63  }
0x282: {  	s18 =	simm.s32 $0x10900  }
0x283: {  	[tilespmem:s18], [sflag:$0x3] =	stream.indirect_vreg.gather [hbm4b:s5+s2], $0x80, v4, vm0, $0xb8;
	[tilespmem:$0x18100] =	vst v63  }
0x284: {  	s18 =	simm.s32 $0x11100  }
0x285: {  	[tilespmem:s18], [sflag:$0x3] =	stream.indirect_vreg.gather [hbm4b:s6+s2], $0x80, v4, vm0, $0xb8;
	[tilespmem:$0x18100] =	vst v63  }
0x286: {  	s18 =	simm.s32 $0x11900  }
0x287: {  	[tilespmem:s18], [sflag:$0x3] =	stream.indirect_vreg.gather [hbm4b:s7+s2], $0x80, v4, vm0, $0xb8;
	[tilespmem:$0x18100] =	vst v63  }
0x288: {  	s18 =	simm.s32 $0x12100  }
0x289: {  	[tilespmem:s18], [sflag:$0x3] =	stream.indirect_vreg.gather [hbm4b:s8+s2], $0x80, v4, vm0, $0xb8;
	[tilespmem:$0x18100] =	vst v63  }
0x28a: {  	v3 =	vperm.xlane v3, v2;
	s18 =	simm.s32 $0x12900  }
0x28b: {  	[tilespmem:s18], [sflag:$0x3] =	stream.indirect_vreg.gather [hbm4b:s9+s2], $0x80, v4, vm0, $0xb8;
	[tilespmem:$0x18100] =	vst v63  }
0x28c: {  	v3 =	vadd.s32 v1, v3;
	s18 =	simm.s32 $0x13100  }
0x28d: {  	[tilespmem:s18], [sflag:$0x3] =	stream.indirect_vreg.gather [hbm4b:s10+s2], $0x80, v4, vm0, $0xb8;
	[tilespmem:$0x18100] =	vst v63  }
0x28e: {  	s18 =	simm.s32 $0x13900  }
0x28f: {  	[tilespmem:s18], [sflag:$0x3] =	stream.indirect_vreg.gather [hbm4b:s11+s2], $0x80, v4, vm0, $0xb8;
	[tilespmem:$0x18100] =	vst v63  }
0x290: {  	s18 =	simm.s32 $0x14100  }
0x291: {  	[tilespmem:s18], [sflag:$0x3] =	stream.indirect_vreg.gather [hbm4b:s4+s2], $0x80, v3, vm0, $0xb8;
	[tilespmem:$0x18100] =	vst v63  }
0x292: {  	s18 =	simm.s32 $0x14900  }
0x293: {  	[tilespmem:s18], [sflag:$0x3] =	stream.indirect_vreg.gather [hbm4b:s5+s2], $0x80, v3, vm0, $0xb8;
	[tilespmem:$0x18100] =	vst v63  }
0x294: {  	s18 =	simm.s32 $0x15100  }
0x295: {  	[tilespmem:s18], [sflag:$0x3] =	stream.indirect_vreg.gather [hbm4b:s6+s2], $0x80, v3, vm0, $0xb8;
	[tilespmem:$0x18100] =	vst v63  }
0x296: {  	s18 =	simm.s32 $0x15900  }
0x297: {  	[tilespmem:s18], [sflag:$0x3] =	stream.indirect_vreg.gather [hbm4b:s7+s2], $0x80, v3, vm0, $0xb8;
	[tilespmem:$0x18100] =	vst v63  }
0x298: {  	s18 =	simm.s32 $0x16100  }
0x299: {  	[tilespmem:s18], [sflag:$0x3] =	stream.indirect_vreg.gather [hbm4b:s8+s2], $0x80, v3, vm0, $0xb8;
	[tilespmem:$0x18100] =	vst v63  }
0x29a: {  	s18 =	simm.s32 $0x16900  }
0x29b: {  	[tilespmem:s18], [sflag:$0x3] =	stream.indirect_vreg.gather [hbm4b:s9+s2], $0x80, v3, vm0, $0xb8;
	[tilespmem:$0x18100] =	vst v63  }
0x29c: {  	s18 =	simm.s32 $0x17100  }
0x29d: {  	[tilespmem:s18], [sflag:$0x3] =	stream.indirect_vreg.gather [hbm4b:s10+s2], $0x80, v3, vm0, $0xb8;
	[tilespmem:$0x18100] =	vst v63  }
0x29e: {  	s18 =	simm.s32 $0x17900  }
0x29f: {  	[tilespmem:s18], [sflag:$0x3] =	stream.indirect_vreg.gather [hbm4b:s11+s2], $0x80, v3, vm0, $0xb8;
	[tilespmem:$0x18100] =	vst v63  }
0x2a0: {  	_ =	swait.ge [sflag:s1], $0x8000  }
0x2a1: {  	[sflag:s1] =	ssyncset.done $0x0  }
0x2a2: {  	s18 =	rddreg [dreg:$0xf];
	[sflag:s1] =	ssyncadd.s32 $0xFFFF8000  }
0x2a3: {  	[hbm4b:s18+s2] =	stream.linear.scatter [tilespmem:s21], [sflag:$0x4], $0x8000, $0x38;
	[tilespmem:$0x18100] =	vst v63  }
0x2a4: {  	_ =	swait.ge [sflag:s0], $0x8000  }
0x2a5: {  	[sflag:s0] =	ssyncset.done $0x0  }
0x2a6: {  	[sflag:s0] =	ssyncadd.s32 $0xFFFF8000  }
0x2a7: {  	v3 =	vld [tilespmem:$0xF0];
	_ =	sdelay $0x4  }
0x2a8: {  	v63 =	vshll.u32 v3, $0x4  }
0x2a9: {  	v3 =	vand.u32 $0x7, v3;
	v4 =	vand.u32 $0xFFFFFF80, v63  }
0x2aa: {  	v3 =	vor.u32 v3, v4  }
0x2ab: {  	v4 =	vperm.xlane v3, v0;
	_ =	sdelay $0x1  }
0x2ac: {  	v4 =	vadd.s32 v1, v4;
	_ =	sdelay $0x4  }
0x2ad: {  	[tilespmem:s21], [sflag:$0x1] =	stream.indirect_vreg.gather [hbm4b:s4+s2], $0x80, v4, vm0, $0xb8;
	[tilespmem:$0x18100] =	vst v63  }
0x2ae: {  	s18 =	simm.s32 $0x900  }
0x2af: {  	[tilespmem:s18], [sflag:$0x1] =	stream.indirect_vreg.gather [hbm4b:s5+s2], $0x80, v4, vm0, $0xb8;
	[tilespmem:$0x18100] =	vst v63  }
0x2b0: {  	s18 =	simm.s32 $0x1100  }
0x2b1: {  	[tilespmem:s18], [sflag:$0x1] =	stream.indirect_vreg.gather [hbm4b:s6+s2], $0x80, v4, vm0, $0xb8;
	[tilespmem:$0x18100] =	vst v63  }
0x2b2: {  	s13 =	simm.s32 $0x1900  }
0x2b3: {  	[tilespmem:s13], [sflag:$0x1] =	stream.indirect_vreg.gather [hbm4b:s7+s2], $0x80, v4, vm0, $0xb8;
	[tilespmem:$0x18100] =	vst v63  }
0x2b4: {  	s30 =	simm.s32 $0x2100  }
0x2b5: {  	[tilespmem:s30], [sflag:$0x1] =	stream.indirect_vreg.gather [hbm4b:s8+s2], $0x80, v4, vm0, $0xb8;
	[tilespmem:$0x18100] =	vst v63  }
0x2b6: {  	s31 =	simm.s32 $0x2900;
	v3 =	vperm.xlane v3, v2  }
0x2b7: {  	[tilespmem:s31], [sflag:$0x1] =	stream.indirect_vreg.gather [hbm4b:s9+s2], $0x80, v4, vm0, $0xb8;
	[tilespmem:$0x18100] =	vst v63  }
0x2b8: {  	s14 =	simm.s32 $0x3100;
	v3 =	vadd.s32 v1, v3  }
0x2b9: {  	[tilespmem:s14], [sflag:$0x1] =	stream.indirect_vreg.gather [hbm4b:s10+s2], $0x80, v4, vm0, $0xb8;
	[tilespmem:$0x18100] =	vst v63  }
0x2ba: {  	s19 =	simm.s32 $0x3900  }
0x2bb: {  	[tilespmem:s19], [sflag:$0x1] =	stream.indirect_vreg.gather [hbm4b:s11+s2], $0x80, v4, vm0, $0xb8;
	[tilespmem:$0x18100] =	vst v63  }
0x2bc: {  	s12 =	simm.s32 $0x4100  }
0x2bd: {  	[tilespmem:s12], [sflag:$0x1] =	stream.indirect_vreg.gather [hbm4b:s4+s2], $0x80, v3, vm0, $0xb8;
	[tilespmem:$0x18100] =	vst v63  }
0x2be: {  	s23 =	simm.s32 $0x4900  }
0x2bf: {  	[tilespmem:s23], [sflag:$0x1] =	stream.indirect_vreg.gather [hbm4b:s5+s2], $0x80, v3, vm0, $0xb8;
	[tilespmem:$0x18100] =	vst v63  }
0x2c0: {  	s24 =	simm.s32 $0x5100  }
0x2c1: {  	[tilespmem:s24], [sflag:$0x1] =	stream.indirect_vreg.gather [hbm4b:s6+s2], $0x80, v3, vm0, $0xb8;
	[tilespmem:$0x18100] =	vst v63  }
0x2c2: {  	s25 =	simm.s32 $0x5900  }
0x2c3: {  	[tilespmem:s25], [sflag:$0x1] =	stream.indirect_vreg.gather [hbm4b:s7+s2], $0x80, v3, vm0, $0xb8;
	[tilespmem:$0x18100] =	vst v63  }
0x2c4: {  	s26 =	simm.s32 $0x6100  }
0x2c5: {  	[tilespmem:s26], [sflag:$0x1] =	stream.indirect_vreg.gather [hbm4b:s8+s2], $0x80, v3, vm0, $0xb8;
	[tilespmem:$0x18100] =	vst v63  }
0x2c6: {  	s28 =	simm.s32 $0x6900  }
0x2c7: {  	[tilespmem:s28], [sflag:$0x1] =	stream.indirect_vreg.gather [hbm4b:s9+s2], $0x80, v3, vm0, $0xb8;
	[tilespmem:$0x18100] =	vst v63  }
0x2c8: {  	s29 =	simm.s32 $0x7100  }
0x2c9: {  	[tilespmem:s29], [sflag:$0x1] =	stream.indirect_vreg.gather [hbm4b:s10+s2], $0x80, v3, vm0, $0xb8;
	[tilespmem:$0x18100] =	vst v63  }
0x2ca: {  	s26 =	simm.s32 $0x7900  }
0x2cb: {  	[tilespmem:s26], [sflag:$0x1] =	stream.indirect_vreg.gather [hbm4b:s11+s2], $0x80, v3, vm0, $0xb8;
	[tilespmem:$0x18100] =	vst v63  }
0x2cc: {  	_ =	swait.ge [sflag:s22], $0x8000  }
0x2cd: {  	[sflag:s22] =	ssyncset.done $0x0  }
0x2ce: {  	s3 =	simm.s32 $0x8100;
	s28 =	rddreg [dreg:$0x10];
	[sflag:s22] =	ssyncadd.s32 $0xFFFF8000  }
0x2cf: {  	[hbm4b:s28+s2] =	stream.linear.scatter [tilespmem:s3], [sflag:$0x5], $0x8000, $0x38;
	[tilespmem:$0x18100] =	vst v63  }
0x2d0: {  	_ =	swait.ge [sflag:s16], $0x8000  }
0x2d1: {  	[sflag:s16] =	ssyncset.done $0x0  }
0x2d2: {  	s20 =	simm.s32 $0x10100;
	s29 =	rddreg [dreg:$0x11];
	[sflag:s16] =	ssyncadd.s32 $0xFFFF8000  }
0x2d3: {  	[hbm4b:s29+s2] =	stream.linear.scatter [tilespmem:s20], [sflag:$0x6], $0x8000, $0x38;
	[tilespmem:$0x18100] =	vst v63  }
0x2d4: {  	_ =	swait.ge [sflag:s1], $0x8000  }
0x2d5: {  	[sflag:s1] =	ssyncset.done $0x0  }
0x2d6: {  	s30 =	rddreg [dreg:$0x12];
	[sflag:s1] =	ssyncadd.s32 $0xFFFF8000  }
0x2d7: {  	[hbm4b:s30+s2] =	stream.linear.scatter [tilespmem:s21], [sflag:$0x4], $0x8000, $0x38;
	[tilespmem:$0x18100] =	vst v63  }
0x2d8: {  	s31 =	rddreg [dreg:$0x14];
	_ =	swait.ge [sflag:s0], $0x8000  }
0x2d9: {  	[sflag:s0] =	ssyncset.done $0x0  }
0x2da: {  	[sflag:s0] =	ssyncadd.s32 $0xFFFF8000  }
0x2db: {  	p0 =	sne.s32 s31, $0x1;
	_ =	swait.ge [sflag:s15], $0x8000  }
.Ltmp0:
0x2dc: {  	[sflag:s15] =	ssyncset.done $0x0;
	(pc) =	sbr.rel @p0 .LBB2_1-.Ltmp0, $4  }
0x2dd: {  	[sflag:s15] =	ssyncadd.s32 $0xFFFF8000  }
0x2de: {  	_ =	swait.ge [sflag:s17], $0x8000  }
0x2df: {  	[sflag:s17] =	ssyncset.done $0x0  }
0x2e0: {  	s12 =	sadd.s32 $0xFFFFFFFF, s31;
	[sflag:s17] =	ssyncadd.s32 $0xFFFF8000  }
0x2e1: {  	_ =	sfence.sel $0x180000  }
0x2e2: {  	[bflag:$0x0] =	sbarrier.arrive $0xFFFF  }
0x2e3: {  	_ =	strace $0x9000004A  }
0x2e4: {  	s0 =	stileid.u32;
	[bflag:$0x2] =	sbarrier.arrive $0xFFFF  }
0x2e5: {  	p0 =	sne.s32 s0, $0x0;
	s0 =	rddreg [dreg:$0x2]  }
0x2e6: {  	s0 =	sadd.s32 @!p0 $0x100000, s0  }
0x2e7: {  	[sflag:s0] =	ssyncadd.tile.s32 @!p0 $0x1;
	_ =	shalt  }
.Lfunc_end2:
_tile_overlayer_lowered:
.L_overlay_start_2:
0x2e8: {  	(tag) =	ssettag $0x2  }
0x2e9: {  	s0 =	rddreg [dreg:$0x0];
	s2 =	stileid.u32  }
0x2ea: {  	s1 =	rddreg [dreg:$0x1];
	p0 =	sne.s32 s2, $0x0  }
0x2eb: {  	s3 =	rddreg [dreg:$0x2];
	[bflag:$0x3] =	sbarrier.arrive $0xFFFF;
	s2 =	simm.s32 @!p0 $0x1C07  }
0x2ec: {  	[timem:s3], [sflag:s2] =	dma.local @!p0 [hbm:s0], s1  }
0x2ed: {  	s0 =	simm.s32 @!p0 $0x7  }
0x2ee: {  	_ =	swait.ge @!p0 [sflag:s0], s1  }
0x2ef: {  	s1 =	ssub.s32 @!p0 $0x0, s1;
	[sflag:s0] =	ssyncset.done @!p0 $0x0  }
0x2f0: {  	[sflag:s0] =	ssyncadd.s32 @!p0 s1  }
0x2f1: {  	[bflag:$0x3] =	sbarrier.arrive $0xFFFF  }
0x2f2: {  	_ =	shalt  }

</sc_bundles>
